<compile_context>
chip_gen: v7x
topology: tpu7x:2x2x1
jax: 0.10.2.dev20260603
libtpu: 0.0.44.dev20260713+nightly
codegen_flags: <defaults>
</compile_context>

<pallas_src>
import functools

import jax
import jax.numpy as jnp
from jax import lax
from jax.experimental import pallas as pl
from jax.experimental.pallas import tpu as pltpu
from jax.experimental.pallas import tpu_sc as plsc

N = 10000
NUM_WORKERS = 32
PAIRS_PER_WORKER = 157
NPAD = NUM_WORKERS * PAIRS_PER_WORKER * 2
DEPTH = 8
GROUP = 16
PAD_BLKS = 16
PADL = PAD_BLKS * 16
NBLK_TOT = PAD_BLKS + (N // 16) + PAD_BLKS
RIGHT_MAX = NBLK_TOT - GROUP
COORD_LEN = NBLK_TOT * 16 + 16
PAD_COORD = 1.0e5
ROW_OUT = DEPTH * 16


def _sc_topk(xs, ys, zs):
    mesh = plsc.VectorSubcoreMesh(
        core_axis_name="c", subcore_axis_name="s",
        num_cores=2, num_subcores=16,
    )

    @functools.partial(
        pl.kernel,
        out_type=jax.ShapeDtypeStruct(
            (PAIRS_PER_WORKER, NUM_WORKERS, 2, 1, ROW_OUT), jnp.float32),
        mesh=mesh,
        scratch_types=[
            pltpu.VMEM((COORD_LEN,), jnp.float32),
            pltpu.VMEM((COORD_LEN,), jnp.float32),
            pltpu.VMEM((COORD_LEN,), jnp.float32),
            pltpu.VMEM((PAIRS_PER_WORKER, 2, 1, ROW_OUT), jnp.float32),
        ],
        compiler_params=pltpu.CompilerParams(needs_layout_passes=False),
    )
    def topk_kernel(xs_hbm, ys_hbm, zs_hbm, out_hbm, xv, yv, zv, res):
        wid = lax.axis_index("s") * 2 + lax.axis_index("c")
        pltpu.sync_copy(xs_hbm, xv)
        pltpu.sync_copy(ys_hbm, yv)
        pltpu.sync_copy(zs_hbm, zv)

        inf16 = jnp.full((16,), jnp.inf, jnp.float32)
        lane01 = lax.iota(jnp.int32, 16) < 2

        def pair_body(k, carry):
            srow_a = jnp.minimum(2 * (wid + 32 * k), N - 2)
            crow = srow_a + PADL
            wx = xv[pl.ds(crow, 16)]
            wy = yv[pl.ds(crow, 16)]
            wz = zv[pl.ds(crow, 16)]
            xa, xb = wx[0], wx[1]
            ya, yb = wy[0], wy[1]
            za, zb = wz[0], wz[1]
            own = crow // 16
            xv[pl.ds(crow, 16)] = jnp.where(lane01, PAD_COORD, wx)

            def proc_group(p, best):
                ba, bb = best[:DEPTH], best[DEPTH:]
                for j in range(GROUP):
                    off = (p + j) * 16
                    cx = xv[pl.ds(off, 16)]
                    cy = yv[pl.ds(off, 16)]
                    cz = zv[pl.ds(off, 16)]
                    dxa = cx - xa
                    dya = cy - ya
                    dza = cz - za
                    ca = dxa * dxa + dya * dya + dza * dza
                    dxb = cx - xb
                    dyb = cy - yb
                    dzb = cz - zb
                    cb = dxb * dxb + dyb * dyb + dzb * dzb
                    na, nb = [], []
                    for bk in ba:
                        na.append(jnp.minimum(bk, ca))
                        ca = jnp.maximum(bk, ca)
                    for bk in bb:
                        nb.append(jnp.minimum(bk, cb))
                        cb = jnp.maximum(bk, cb)
                    ba, bb = na, nb
                return list(ba) + list(bb)

            def bound(m_prev, b0, b1):
                lo16 = jnp.sort(jnp.minimum(
                    jnp.sort(b0), lax.rev(jnp.sort(b1), (0,))))
                return jnp.minimum(m_prev, lo16[8])

            def bounds(st, best):
                ma = bound(st[1], best[0], best[1])
                mb = bound(st[2], best[DEPTH], best[DEPTH + 1])
                return ma, mb

            def rcond(st):
                p = st[0]
                edge = xv[pl.ds(p * 16, 16)][0] - xa
                return (p <= RIGHT_MAX) & (edge * edge <= jnp.maximum(
                    st[1], st[2]))

            def rbody(st):
                p = st[0]
                best = proc_group(p, list(st[3:]))
                ma, mb = bounds(st, best)
                return (p + GROUP, ma, mb) + tuple(best)

            st = lax.while_loop(
                rcond, rbody, (own, jnp.inf, jnp.inf) + (inf16,) * (2 * DEPTH))
            ma_cur, mb_cur = st[1], st[2]
            best0 = st[3:]

            def lcond(st):
                p = st[0]
                edge = xv[pl.ds(jnp.maximum(p * 16 + (GROUP * 16 - 1), 0),
                                16)][0] - xa
                return (p >= 0) & (edge * edge <= jnp.maximum(st[1], st[2]))

            def lbody(st):
                p = st[0]
                best = proc_group(p, list(st[3:]))
                ma, mb = bounds(st, best)
                return (p - GROUP, ma, mb) + tuple(best)

            st = lax.while_loop(
                lcond, lbody, (own - GROUP, ma_cur, mb_cur) + tuple(best0))

            xv[pl.ds(crow, 16)] = wx
            for j in range(DEPTH):
                res[k, 0, 0, pl.ds(j * 16, 16)] = st[3 + j]
                res[k, 1, 0, pl.ds(j * 16, 16)] = st[3 + DEPTH + j]
            return carry

        lax.fori_loop(0, PAIRS_PER_WORKER, pair_body, 0)
        pltpu.sync_copy(res, out_hbm.at[:, wid])

    return topk_kernel(xs, ys, zs)


def _tc_loss(top, s_aligned):

    def body(top_ref, s_ref, out_ref):
        d = top_ref[:]
        total = jnp.zeros((NPAD, 1), jnp.float32)
        for _ in range(DEPTH):
            m = jnp.min(d, axis=1, keepdims=True)
            total = total + jnp.sqrt(m)
            d = jnp.where(d == m, jnp.inf, d)
        elen = total * (1.0 / DEPTH)
        diff = s_ref[:] - elen
        sq = diff * diff
        t = lax.broadcasted_iota(jnp.int32, (NPAD, 1), 0)
        sq = jnp.where(t < N, sq, 0.0)
        out_ref[0, 0] = jnp.sum(sq) / N

    return pl.pallas_call(
        body,
        out_shape=jax.ShapeDtypeStruct((1, 1), jnp.float32),
        out_specs=pl.BlockSpec(memory_space=pltpu.SMEM),
    )(top, s_aligned)


def kernel(xyz_canon, scales):
    xc, yc, zc, s_sorted = lax.sort(
        (xyz_canon[:, 0], xyz_canon[:, 1], xyz_canon[:, 2], scales[:, 0]),
        num_keys=1)

    padl = jnp.full((PADL,), -PAD_COORD, jnp.float32)
    padr = jnp.full((COORD_LEN - PADL - N,), PAD_COORD, jnp.float32)
    xs = jnp.concatenate([padl, xc, padr])
    ys = jnp.concatenate([padl, yc, padr])
    zs = jnp.concatenate([padl, zc, padr])
    s_pad = jnp.concatenate(
        [s_sorted, jnp.zeros((NPAD - N,), jnp.float32)])[:, None]

    top = _sc_topk(xs, ys, zs).reshape(NPAD, ROW_OUT)
    loss = _tc_loss(top, s_pad)
    return loss[0, 0]

# --- scband reference (transcript-rebuilt; emitter-appended) ---
"""Pipeline reference for scband-gaussians-edge-loss-9509057593788 (READ-ONLY COPY).

The authoritative reference and input builder live on the scoring server;
editing this copy changes nothing except your own understanding.
"""

import jax, jax.numpy as jnp
import numpy as np

K = 9

def setup_inputs(seed: int = 0) -> dict:
    key = jax.random.key(seed)
    k1, k2 = jax.random.split(key)
    xyz_canon = jax.random.normal(k1, (10000, 3), dtype=jnp.float32)
    scales = jax.random.uniform(k2, (10000, 3), dtype=jnp.float32)
    return {"xyz_canon": xyz_canon, "scales": scales}

def _knn_idx(verts, k):
    # pytorch3d.knn_points: squared euclidean distances, smallest-K neighbors
    sq = jnp.sum(verts * verts, axis=-1)
    d2 = sq[:, None] + sq[None, :] - 2.0 * (verts @ verts.T)  # [N, N]
    neg_d, idx = jax.lax.top_k(-d2, k)  # smallest distances
    return -neg_d, idx

def reference(xyz_canon, scales):
    verts = xyz_canon                      # [N, 3]
    s = scales[:, 0]                       # [N]
    dists_knn, idx_knn = _knn_idx(verts, K)  # [N, K]
    # edge vectors to K-1 nearest neighbors (excluding self at position 0)
    neigh = verts[idx_knn[:, 1:]]          # [N, K-1, 3]
    edge_vectors = neigh - verts[:, None, :]
    edge_lengths = jnp.linalg.norm(edge_vectors, axis=-1).mean(axis=-1, keepdims=True)  # [N, 1]
    edge_lengths = jax.lax.stop_gradient(edge_lengths)
    scale_proj_i = s[:, None]              # [N, 1]
    scale_proj_j = s[idx_knn[:, 1:]]       # computed but unused, as in original
    len_factor = 1.0
    loss = jnp.mean((scale_proj_i - len_factor * edge_lengths) ** 2)
    return loss

if __name__ == "__main__":
    import jax
    _d = setup_inputs()
    print(jax.jit(kernel)(*tuple(_d.values())))

</pallas_src>

<mosaic_0001>
#map = affine_map<(d0, d1) -> (0)>
#map1 = affine_map<(d0, d1) -> (0, 0, 0, 0, 0)>
module attributes {stable_mosaic.version = 14 : i64} {
  func.func @topk_kernel(%arg0: i32, %arg1: i32, %arg2: memref<10528xf32, #tpu.memory_space<hbm>>, %arg3: memref<10528xf32, #tpu.memory_space<hbm>>, %arg4: memref<10528xf32, #tpu.memory_space<hbm>>, %arg5: memref<157x32x2x1x128xf32, #tpu.memory_space<hbm>>, %arg6: memref<10528xf32, #tpu.memory_space<vmem>>, %arg7: memref<10528xf32, #tpu.memory_space<vmem>>, %arg8: memref<10528xf32, #tpu.memory_space<vmem>>, %arg9: memref<157x2x1x128xf32, #tpu.memory_space<vmem>>) attributes {dimension_semantics = [#tpu.dimension_semantics<core_parallel>, #tpu.dimension_semantics<subcore_parallel>], iteration_bounds = array<i64: 2, 16>, scalar_prefetch = 0 : i64, scratch_operands = 4 : i64, tpu.core_type = #tpu.core_type<sc_vector_subcore>, window_params = [{transform_indices = #map}, {transform_indices = #map}, {transform_indices = #map}, {transform_indices = #map1}]} {
    %mul3A = arith.constant 2 : i32
    %mul3A_0 = arith.muli %arg1, %mul3A : i32
    %add3A = arith.addi %mul3A_0, %arg0 : i32
    "tpu.region"() ({
      %run_scoped3A = tpu.sem_alloc : memref<!tpu.dma_semaphore, #tpu.memory_space<semaphore_mem>>
      tpu.enqueue_dma source(%arg2 : memref<10528xf32, #tpu.memory_space<hbm>>) target(%arg6 : memref<10528xf32, #tpu.memory_space<vmem>>) target_semaphore(%run_scoped3A : memref<!tpu.dma_semaphore, #tpu.memory_space<semaphore_mem>>)
      tpu.wait_dma2 semaphore(%run_scoped3A : memref<!tpu.dma_semaphore, #tpu.memory_space<semaphore_mem>>) src(%arg2 : memref<10528xf32, #tpu.memory_space<hbm>>) dst(%arg6 : memref<10528xf32, #tpu.memory_space<vmem>>)
      tpu.yield
    }) : () -> ()
    "tpu.region"() ({
      %run_scoped3A = tpu.sem_alloc : memref<!tpu.dma_semaphore, #tpu.memory_space<semaphore_mem>>
      tpu.enqueue_dma source(%arg3 : memref<10528xf32, #tpu.memory_space<hbm>>) target(%arg7 : memref<10528xf32, #tpu.memory_space<vmem>>) target_semaphore(%run_scoped3A : memref<!tpu.dma_semaphore, #tpu.memory_space<semaphore_mem>>)
      tpu.wait_dma2 semaphore(%run_scoped3A : memref<!tpu.dma_semaphore, #tpu.memory_space<semaphore_mem>>) src(%arg3 : memref<10528xf32, #tpu.memory_space<hbm>>) dst(%arg7 : memref<10528xf32, #tpu.memory_space<vmem>>)
      tpu.yield
    }) : () -> ()
    "tpu.region"() ({
      %run_scoped3A = tpu.sem_alloc : memref<!tpu.dma_semaphore, #tpu.memory_space<semaphore_mem>>
      tpu.enqueue_dma source(%arg4 : memref<10528xf32, #tpu.memory_space<hbm>>) target(%arg8 : memref<10528xf32, #tpu.memory_space<vmem>>) target_semaphore(%run_scoped3A : memref<!tpu.dma_semaphore, #tpu.memory_space<semaphore_mem>>)
      tpu.wait_dma2 semaphore(%run_scoped3A : memref<!tpu.dma_semaphore, #tpu.memory_space<semaphore_mem>>) src(%arg4 : memref<10528xf32, #tpu.memory_space<hbm>>) dst(%arg8 : memref<10528xf32, #tpu.memory_space<vmem>>)
      tpu.yield
    }) : () -> ()
    %broadcast_in_dim3A = arith.constant 0x7F800000 : f32
    %broadcast_in_dim3A_1 = vector.broadcast %broadcast_in_dim3A : f32 to vector<16xf32>
    %iota3A = tpu.iota {dimensions = array<i32: 0>} : vector<16xi32>
    %lt3A = arith.constant 2 : i32
    %lt3A_2 = vector.broadcast %lt3A : i32 to vector<16xi32>
    %lt3A_3 = arith.cmpi slt, %iota3A, %lt3A_2 : vector<16xi32>
    %scan3A = arith.constant 0 : i32
    %scan3A_4 = arith.constant 0 : i32
    %scan3A_5 = arith.constant 157 : i32
    %scan3A_6 = arith.addi %scan3A_4, %scan3A_5 : i32
    %scan3A_7 = arith.constant 1 : i32
    scf.for %scan3A_9 = %scan3A_4 to %scan3A_6 step %scan3A_7  : i32 {
      %mul3A_10 = arith.constant 32 : i32
      %mul3A_11 = arith.muli %mul3A_10, %scan3A_9 : i32
      %add3A_12 = arith.addi %add3A, %mul3A_11 : i32
      %mul3A_13 = arith.constant 2 : i32
      %mul3A_14 = arith.muli %mul3A_13, %add3A_12 : i32
      %min3A = arith.constant 9998 : i32
      %min3A_15 = arith.minsi %mul3A_14, %min3A : i32
      %add3A_16 = arith.constant 256 : i32
      %add3A_17 = arith.addi %min3A_15, %add3A_16 : i32
      %get3A = arith.index_cast %add3A_17 : i32 to index
      %get3A_18 = tpu.vector_load %arg6[%get3A] {strides = array<i32>} : memref<10528xf32, #tpu.memory_space<vmem>>, vector<16xf32>,
      %get3A_19 = arith.index_cast %add3A_17 : i32 to index
      %get3A_20 = tpu.vector_load %arg7[%get3A_19] {strides = array<i32>} : memref<10528xf32, #tpu.memory_space<vmem>>, vector<16xf32>,
      %get3A_21 = arith.index_cast %add3A_17 : i32 to index
      %get3A_22 = tpu.vector_load %arg8[%get3A_21] {strides = array<i32>} : memref<10528xf32, #tpu.memory_space<vmem>>, vector<16xf32>,
      %slice3A = vector.extract_strided_slice %get3A_18 {offsets = [0], sizes = [1], strides = [1]} : vector<16xf32> to vector<1xf32>
      %squeeze3A = vector.extract %slice3A[0] : f32 from vector<1xf32>
      %slice3A_23 = vector.extract_strided_slice %get3A_18 {offsets = [1], sizes = [1], strides = [1]} : vector<16xf32> to vector<1xf32>
      %squeeze3A_24 = vector.extract %slice3A_23[0] : f32 from vector<1xf32>
      %slice3A_25 = vector.extract_strided_slice %get3A_20 {offsets = [0], sizes = [1], strides = [1]} : vector<16xf32> to vector<1xf32>
      %squeeze3A_26 = vector.extract %slice3A_25[0] : f32 from vector<1xf32>
      %slice3A_27 = vector.extract_strided_slice %get3A_20 {offsets = [1], sizes = [1], strides = [1]} : vector<16xf32> to vector<1xf32>
      %squeeze3A_28 = vector.extract %slice3A_27[0] : f32 from vector<1xf32>
      %slice3A_29 = vector.extract_strided_slice %get3A_22 {offsets = [0], sizes = [1], strides = [1]} : vector<16xf32> to vector<1xf32>
      %squeeze3A_30 = vector.extract %slice3A_29[0] : f32 from vector<1xf32>
      %slice3A_31 = vector.extract_strided_slice %get3A_22 {offsets = [1], sizes = [1], strides = [1]} : vector<16xf32> to vector<1xf32>
      %squeeze3A_32 = vector.extract %slice3A_31[0] : f32 from vector<1xf32>
      %jit3A = arith.constant 16 : i32
      %div3A = arith.divsi %add3A_17, %jit3A : i32
      %sign3A = arith.constant 0 : i32
      %sign3A_33 = arith.cmpi sgt, %add3A_17, %sign3A : i32
      %sign3A_34 = arith.extui %sign3A_33 : i1 to i32
      %sign3A_35 = arith.constant 0 : i32
      %sign3A_36 = arith.cmpi slt, %add3A_17, %sign3A_35 : i32
      %sign3A_37 = arith.extui %sign3A_36 : i1 to i32
      %sign3A_38 = arith.subi %sign3A_34, %sign3A_37 : i32
      %sign3A_39 = arith.constant 0 : i32
      %sign3A_40 = arith.cmpi sgt, %jit3A, %sign3A_39 : i32
      %sign3A_41 = arith.extui %sign3A_40 : i1 to i32
      %sign3A_42 = arith.constant 0 : i32
      %sign3A_43 = arith.cmpi slt, %jit3A, %sign3A_42 : i32
      %sign3A_44 = arith.extui %sign3A_43 : i1 to i32
      %sign3A_45 = arith.subi %sign3A_41, %sign3A_44 : i32
      %ne3A = arith.cmpi ne, %sign3A_38, %sign3A_45 : i32
      %rem3A = arith.remsi %add3A_17, %jit3A : i32
      %ne3A_46 = arith.constant 0 : i32
      %ne3A_47 = arith.cmpi ne, %rem3A, %ne3A_46 : i32
      %and3A = arith.andi %ne3A, %ne3A_47 : i1
      %sub3A = arith.constant 1 : i32
      %sub3A_48 = arith.subi %div3A, %sub3A : i32
      %select_n3A = arith.select %and3A, %sub3A_48, %div3A : i32
      %jit3A_49 = arith.constant 1.000000e+05 : f32
      %broadcast_in_dim3A_50 = vector.broadcast %jit3A_49 : f32 to vector<16xf32>
      %select_n3A_51 = arith.select %lt3A_3, %broadcast_in_dim3A_50, %get3A_18 : vector<16xi1>, vector<16xf32>
      %swap3A = arith.index_cast %add3A_17 : i32 to index
      %swap3A_52 = tpu.vector_load %arg6[%swap3A] {strides = array<i32>} : memref<10528xf32, #tpu.memory_space<vmem>>, vector<16xf32>,
      tpu.vector_store %arg6[%swap3A], %select_n3A_51 {strides = array<i32>} : memref<10528xf32, #tpu.memory_space<vmem>>, vector<16xf32>,
      %while3A = arith.constant 0x7F800000 : f32
      %while3A_53 = arith.constant 0x7F800000 : f32
      %while3A_54:19 = scf.while (%while3A_172 = %select_n3A, %while3A_173 = %while3A, %while3A_174 = %while3A_53, %while3A_175 = %broadcast_in_dim3A_1, %while3A_176 = %broadcast_in_dim3A_1, %while3A_177 = %broadcast_in_dim3A_1, %while3A_178 = %broadcast_in_dim3A_1, %while3A_179 = %broadcast_in_dim3A_1, %while3A_180 = %broadcast_in_dim3A_1, %while3A_181 = %broadcast_in_dim3A_1, %while3A_182 = %broadcast_in_dim3A_1, %while3A_183 = %broadcast_in_dim3A_1, %while3A_184 = %broadcast_in_dim3A_1, %while3A_185 = %broadcast_in_dim3A_1, %while3A_186 = %broadcast_in_dim3A_1, %while3A_187 = %broadcast_in_dim3A_1, %while3A_188 = %broadcast_in_dim3A_1, %while3A_189 = %broadcast_in_dim3A_1, %while3A_190 = %broadcast_in_dim3A_1) : (i32, f32, f32, vector<16xf32>, vector<16xf32>, vector<16xf32>, vector<16xf32>, vector<16xf32>, vector<16xf32>, vector<16xf32>, vector<16xf32>, vector<16xf32>, vector<16xf32>, vector<16xf32>, vector<16xf32>, vector<16xf32>, vector<16xf32>, vector<16xf32>, vector<16xf32>) -> (i32, f32, f32, vector<16xf32>, vector<16xf32>, vector<16xf32>, vector<16xf32>, vector<16xf32>, vector<16xf32>, vector<16xf32>, vector<16xf32>, vector<16xf32>, vector<16xf32>, vector<16xf32>, vector<16xf32>, vector<16xf32>, vector<16xf32>, vector<16xf32>, vector<16xf32>) {
        %mul3A_191 = arith.constant 16 : i32
        %mul3A_192 = arith.muli %while3A_172, %mul3A_191 : i32
        %get3A_193 = arith.index_cast %mul3A_192 : i32 to index
        %get3A_194 = tpu.vector_load %arg6[%get3A_193] {strides = array<i32>} : memref<10528xf32, #tpu.memory_space<vmem>>, vector<16xf32>,
        %slice3A_195 = vector.extract_strided_slice %get3A_194 {offsets = [0], sizes = [1], strides = [1]} : vector<16xf32> to vector<1xf32>
        %squeeze3A_196 = vector.extract %slice3A_195[0] : f32 from vector<1xf32>
        %sub3A_197 = arith.subf %squeeze3A_196, %squeeze3A : f32
        %le3A = arith.constant 641 : i32
        %le3A_198 = arith.cmpi sle, %while3A_172, %le3A : i32
        %mul3A_199 = arith.mulf %sub3A_197, %sub3A_197 : f32
        %max3A = arith.maximumf %while3A_173, %while3A_174 : f32
        %le3A_200 = arith.cmpf ole, %mul3A_199, %max3A : f32
        %and3A_201 = arith.andi %le3A_198, %le3A_200 : i1
        scf.condition(%and3A_201) %while3A_172, %while3A_173, %while3A_174, %while3A_175, %while3A_176, %while3A_177, %while3A_178, %while3A_179, %while3A_180, %while3A_181, %while3A_182, %while3A_183, %while3A_184, %while3A_185, %while3A_186, %while3A_187, %while3A_188, %while3A_189, %while3A_190 : i32, f32, f32, vector<16xf32>, vector<16xf32>, vector<16xf32>, vector<16xf32>, vector<16xf32>, vector<16xf32>, vector<16xf32>, vector<16xf32>, vector<16xf32>, vector<16xf32>, vector<16xf32>, vector<16xf32>, vector<16xf32>, vector<16xf32>, vector<16xf32>, vector<16xf32>
      } do {
      ^bb0(%while3A_172: i32, %while3A_173: f32, %while3A_174: f32, %while3A_175: vector<16xf32>, %while3A_176: vector<16xf32>, %while3A_177: vector<16xf32>, %while3A_178: vector<16xf32>, %while3A_179: vector<16xf32>, %while3A_180: vector<16xf32>, %while3A_181: vector<16xf32>, %while3A_182: vector<16xf32>, %while3A_183: vector<16xf32>, %while3A_184: vector<16xf32>, %while3A_185: vector<16xf32>, %while3A_186: vector<16xf32>, %while3A_187: vector<16xf32>, %while3A_188: vector<16xf32>, %while3A_189: vector<16xf32>, %while3A_190: vector<16xf32>):
        %add3A_191 = arith.constant 0 : i32
        %add3A_192 = arith.addi %while3A_172, %add3A_191 : i32
        %mul3A_193 = arith.constant 16 : i32
        %mul3A_194 = arith.muli %add3A_192, %mul3A_193 : i32
        %get3A_195 = arith.index_cast %mul3A_194 : i32 to index
        %get3A_196 = tpu.vector_load %arg6[%get3A_195] {strides = array<i32>} : memref<10528xf32, #tpu.memory_space<vmem>>, vector<16xf32>,
        %get3A_197 = arith.index_cast %mul3A_194 : i32 to index
        %get3A_198 = tpu.vector_load %arg7[%get3A_197] {strides = array<i32>} : memref<10528xf32, #tpu.memory_space<vmem>>, vector<16xf32>,
        %get3A_199 = arith.index_cast %mul3A_194 : i32 to index
        %get3A_200 = tpu.vector_load %arg8[%get3A_199] {strides = array<i32>} : memref<10528xf32, #tpu.memory_space<vmem>>, vector<16xf32>,
        %sub3A_201 = vector.broadcast %squeeze3A : f32 to vector<16xf32>
        %sub3A_202 = arith.subf %get3A_196, %sub3A_201 : vector<16xf32>
        %sub3A_203 = vector.broadcast %squeeze3A_26 : f32 to vector<16xf32>
        %sub3A_204 = arith.subf %get3A_198, %sub3A_203 : vector<16xf32>
        %sub3A_205 = vector.broadcast %squeeze3A_30 : f32 to vector<16xf32>
        %sub3A_206 = arith.subf %get3A_200, %sub3A_205 : vector<16xf32>
        %mul3A_207 = arith.mulf %sub3A_202, %sub3A_202 : vector<16xf32>
        %mul3A_208 = arith.mulf %sub3A_204, %sub3A_204 : vector<16xf32>
        %add3A_209 = arith.addf %mul3A_207, %mul3A_208 : vector<16xf32>
        %mul3A_210 = arith.mulf %sub3A_206, %sub3A_206 : vector<16xf32>
        %add3A_211 = arith.addf %add3A_209, %mul3A_210 : vector<16xf32>
        %sub3A_212 = vector.broadcast %squeeze3A_24 : f32 to vector<16xf32>
        %sub3A_213 = arith.subf %get3A_196, %sub3A_212 : vector<16xf32>
        %sub3A_214 = vector.broadcast %squeeze3A_28 : f32 to vector<16xf32>
        %sub3A_215 = arith.subf %get3A_198, %sub3A_214 : vector<16xf32>
        %sub3A_216 = vector.broadcast %squeeze3A_32 : f32 to vector<16xf32>
        %sub3A_217 = arith.subf %get3A_200, %sub3A_216 : vector<16xf32>
        %mul3A_218 = arith.mulf %sub3A_213, %sub3A_213 : vector<16xf32>
        %mul3A_219 = arith.mulf %sub3A_215, %sub3A_215 : vector<16xf32>
        %add3A_220 = arith.addf %mul3A_218, %mul3A_219 : vector<16xf32>
        %mul3A_221 = arith.mulf %sub3A_217, %sub3A_217 : vector<16xf32>
        %add3A_222 = arith.addf %add3A_220, %mul3A_221 : vector<16xf32>
        %min3A_223 = arith.minimumf %while3A_175, %add3A_211 : vector<16xf32>
        %max3A = arith.maximumf %while3A_175, %add3A_211 : vector<16xf32>
        %min3A_224 = arith.minimumf %while3A_176, %max3A : vector<16xf32>
        %max3A_225 = arith.maximumf %while3A_176, %max3A : vector<16xf32>
        %min3A_226 = arith.minimumf %while3A_177, %max3A_225 : vector<16xf32>
        %max3A_227 = arith.maximumf %while3A_177, %max3A_225 : vector<16xf32>
        %min3A_228 = arith.minimumf %while3A_178, %max3A_227 : vector<16xf32>
        %max3A_229 = arith.maximumf %while3A_178, %max3A_227 : vector<16xf32>
        %min3A_230 = arith.minimumf %while3A_179, %max3A_229 : vector<16xf32>
        %max3A_231 = arith.maximumf %while3A_179, %max3A_229 : vector<16xf32>
        %min3A_232 = arith.minimumf %while3A_180, %max3A_231 : vector<16xf32>
        %max3A_233 = arith.maximumf %while3A_180, %max3A_231 : vector<16xf32>
        %min3A_234 = arith.minimumf %while3A_181, %max3A_233 : vector<16xf32>
        %max3A_235 = arith.maximumf %while3A_181, %max3A_233 : vector<16xf32>
        %min3A_236 = arith.minimumf %while3A_182, %max3A_235 : vector<16xf32>
        %max3A_237 = arith.maximumf %while3A_182, %max3A_235 : vector<16xf32>
        %min3A_238 = arith.minimumf %while3A_183, %add3A_222 : vector<16xf32>
        %max3A_239 = arith.maximumf %while3A_183, %add3A_222 : vector<16xf32>
        %min3A_240 = arith.minimumf %while3A_184, %max3A_239 : vector<16xf32>
        %max3A_241 = arith.maximumf %while3A_184, %max3A_239 : vector<16xf32>
        %min3A_242 = arith.minimumf %while3A_185, %max3A_241 : vector<16xf32>
        %max3A_243 = arith.maximumf %while3A_185, %max3A_241 : vector<16xf32>
        %min3A_244 = arith.minimumf %while3A_186, %max3A_243 : vector<16xf32>
        %max3A_245 = arith.maximumf %while3A_186, %max3A_243 : vector<16xf32>
        %min3A_246 = arith.minimumf %while3A_187, %max3A_245 : vector<16xf32>
        %max3A_247 = arith.maximumf %while3A_187, %max3A_245 : vector<16xf32>
        %min3A_248 = arith.minimumf %while3A_188, %max3A_247 : vector<16xf32>
        %max3A_249 = arith.maximumf %while3A_188, %max3A_247 : vector<16xf32>
        %min3A_250 = arith.minimumf %while3A_189, %max3A_249 : vector<16xf32>
        %max3A_251 = arith.maximumf %while3A_189, %max3A_249 : vector<16xf32>
        %min3A_252 = arith.minimumf %while3A_190, %max3A_251 : vector<16xf32>
        %max3A_253 = arith.maximumf %while3A_190, %max3A_251 : vector<16xf32>
        %add3A_254 = arith.constant 1 : i32
        %add3A_255 = arith.addi %while3A_172, %add3A_254 : i32
        %mul3A_256 = arith.constant 16 : i32
        %mul3A_257 = arith.muli %add3A_255, %mul3A_256 : i32
        %get3A_258 = arith.index_cast %mul3A_257 : i32 to index
        %get3A_259 = tpu.vector_load %arg6[%get3A_258] {strides = array<i32>} : memref<10528xf32, #tpu.memory_space<vmem>>, vector<16xf32>,
        %get3A_260 = arith.index_cast %mul3A_257 : i32 to index
        %get3A_261 = tpu.vector_load %arg7[%get3A_260] {strides = array<i32>} : memref<10528xf32, #tpu.memory_space<vmem>>, vector<16xf32>,
        %get3A_262 = arith.index_cast %mul3A_257 : i32 to index
        %get3A_263 = tpu.vector_load %arg8[%get3A_262] {strides = array<i32>} : memref<10528xf32, #tpu.memory_space<vmem>>, vector<16xf32>,
        %sub3A_264 = vector.broadcast %squeeze3A : f32 to vector<16xf32>
        %sub3A_265 = arith.subf %get3A_259, %sub3A_264 : vector<16xf32>
        %sub3A_266 = vector.broadcast %squeeze3A_26 : f32 to vector<16xf32>
        %sub3A_267 = arith.subf %get3A_261, %sub3A_266 : vector<16xf32>
        %sub3A_268 = vector.broadcast %squeeze3A_30 : f32 to vector<16xf32>
        %sub3A_269 = arith.subf %get3A_263, %sub3A_268 : vector<16xf32>
        %mul3A_270 = arith.mulf %sub3A_265, %sub3A_265 : vector<16xf32>
        %mul3A_271 = arith.mulf %sub3A_267, %sub3A_267 : vector<16xf32>
        %add3A_272 = arith.addf %mul3A_270, %mul3A_271 : vector<16xf32>
        %mul3A_273 = arith.mulf %sub3A_269, %sub3A_269 : vector<16xf32>
        %add3A_274 = arith.addf %add3A_272, %mul3A_273 : vector<16xf32>
        %sub3A_275 = vector.broadcast %squeeze3A_24 : f32 to vector<16xf32>
        %sub3A_276 = arith.subf %get3A_259, %sub3A_275 : vector<16xf32>
        %sub3A_277 = vector.broadcast %squeeze3A_28 : f32 to vector<16xf32>
        %sub3A_278 = arith.subf %get3A_261, %sub3A_277 : vector<16xf32>
        %sub3A_279 = vector.broadcast %squeeze3A_32 : f32 to vector<16xf32>
        %sub3A_280 = arith.subf %get3A_263, %sub3A_279 : vector<16xf32>
        %mul3A_281 = arith.mulf %sub3A_276, %sub3A_276 : vector<16xf32>
        %mul3A_282 = arith.mulf %sub3A_278, %sub3A_278 : vector<16xf32>
        %add3A_283 = arith.addf %mul3A_281, %mul3A_282 : vector<16xf32>
        %mul3A_284 = arith.mulf %sub3A_280, %sub3A_280 : vector<16xf32>
        %add3A_285 = arith.addf %add3A_283, %mul3A_284 : vector<16xf32>
        %min3A_286 = arith.minimumf %min3A_223, %add3A_274 : vector<16xf32>
        %max3A_287 = arith.maximumf %min3A_223, %add3A_274 : vector<16xf32>
        %min3A_288 = arith.minimumf %min3A_224, %max3A_287 : vector<16xf32>
        %max3A_289 = arith.maximumf %min3A_224, %max3A_287 : vector<16xf32>
        %min3A_290 = arith.minimumf %min3A_226, %max3A_289 : vector<16xf32>
        %max3A_291 = arith.maximumf %min3A_226, %max3A_289 : vector<16xf32>
        %min3A_292 = arith.minimumf %min3A_228, %max3A_291 : vector<16xf32>
        %max3A_293 = arith.maximumf %min3A_228, %max3A_291 : vector<16xf32>
        %min3A_294 = arith.minimumf %min3A_230, %max3A_293 : vector<16xf32>
        %max3A_295 = arith.maximumf %min3A_230, %max3A_293 : vector<16xf32>
        %min3A_296 = arith.minimumf %min3A_232, %max3A_295 : vector<16xf32>
        %max3A_297 = arith.maximumf %min3A_232, %max3A_295 : vector<16xf32>
        %min3A_298 = arith.minimumf %min3A_234, %max3A_297 : vector<16xf32>
        %max3A_299 = arith.maximumf %min3A_234, %max3A_297 : vector<16xf32>
        %min3A_300 = arith.minimumf %min3A_236, %max3A_299 : vector<16xf32>
        %max3A_301 = arith.maximumf %min3A_236, %max3A_299 : vector<16xf32>
        %min3A_302 = arith.minimumf %min3A_238, %add3A_285 : vector<16xf32>
        %max3A_303 = arith.maximumf %min3A_238, %add3A_285 : vector<16xf32>
        %min3A_304 = arith.minimumf %min3A_240, %max3A_303 : vector<16xf32>
        %max3A_305 = arith.maximumf %min3A_240, %max3A_303 : vector<16xf32>
        %min3A_306 = arith.minimumf %min3A_242, %max3A_305 : vector<16xf32>
        %max3A_307 = arith.maximumf %min3A_242, %max3A_305 : vector<16xf32>
        %min3A_308 = arith.minimumf %min3A_244, %max3A_307 : vector<16xf32>
        %max3A_309 = arith.maximumf %min3A_244, %max3A_307 : vector<16xf32>
        %min3A_310 = arith.minimumf %min3A_246, %max3A_309 : vector<16xf32>
        %max3A_311 = arith.maximumf %min3A_246, %max3A_309 : vector<16xf32>
        %min3A_312 = arith.minimumf %min3A_248, %max3A_311 : vector<16xf32>
        %max3A_313 = arith.maximumf %min3A_248, %max3A_311 : vector<16xf32>
        %min3A_314 = arith.minimumf %min3A_250, %max3A_313 : vector<16xf32>
        %max3A_315 = arith.maximumf %min3A_250, %max3A_313 : vector<16xf32>
        %min3A_316 = arith.minimumf %min3A_252, %max3A_315 : vector<16xf32>
        %max3A_317 = arith.maximumf %min3A_252, %max3A_315 : vector<16xf32>
        %add3A_318 = arith.constant 2 : i32
        %add3A_319 = arith.addi %while3A_172, %add3A_318 : i32
        %mul3A_320 = arith.constant 16 : i32
        %mul3A_321 = arith.muli %add3A_319, %mul3A_320 : i32
        %get3A_322 = arith.index_cast %mul3A_321 : i32 to index
        %get3A_323 = tpu.vector_load %arg6[%get3A_322] {strides = array<i32>} : memref<10528xf32, #tpu.memory_space<vmem>>, vector<16xf32>,
        %get3A_324 = arith.index_cast %mul3A_321 : i32 to index
        %get3A_325 = tpu.vector_load %arg7[%get3A_324] {strides = array<i32>} : memref<10528xf32, #tpu.memory_space<vmem>>, vector<16xf32>,
        %get3A_326 = arith.index_cast %mul3A_321 : i32 to index
        %get3A_327 = tpu.vector_load %arg8[%get3A_326] {strides = array<i32>} : memref<10528xf32, #tpu.memory_space<vmem>>, vector<16xf32>,
        %sub3A_328 = vector.broadcast %squeeze3A : f32 to vector<16xf32>
        %sub3A_329 = arith.subf %get3A_323, %sub3A_328 : vector<16xf32>
        %sub3A_330 = vector.broadcast %squeeze3A_26 : f32 to vector<16xf32>
        %sub3A_331 = arith.subf %get3A_325, %sub3A_330 : vector<16xf32>
        %sub3A_332 = vector.broadcast %squeeze3A_30 : f32 to vector<16xf32>
        %sub3A_333 = arith.subf %get3A_327, %sub3A_332 : vector<16xf32>
        %mul3A_334 = arith.mulf %sub3A_329, %sub3A_329 : vector<16xf32>
        %mul3A_335 = arith.mulf %sub3A_331, %sub3A_331 : vector<16xf32>
        %add3A_336 = arith.addf %mul3A_334, %mul3A_335 : vector<16xf32>
        %mul3A_337 = arith.mulf %sub3A_333, %sub3A_333 : vector<16xf32>
        %add3A_338 = arith.addf %add3A_336, %mul3A_337 : vector<16xf32>
        %sub3A_339 = vector.broadcast %squeeze3A_24 : f32 to vector<16xf32>
        %sub3A_340 = arith.subf %get3A_323, %sub3A_339 : vector<16xf32>
        %sub3A_341 = vector.broadcast %squeeze3A_28 : f32 to vector<16xf32>
        %sub3A_342 = arith.subf %get3A_325, %sub3A_341 : vector<16xf32>
        %sub3A_343 = vector.broadcast %squeeze3A_32 : f32 to vector<16xf32>
        %sub3A_344 = arith.subf %get3A_327, %sub3A_343 : vector<16xf32>
        %mul3A_345 = arith.mulf %sub3A_340, %sub3A_340 : vector<16xf32>
        %mul3A_346 = arith.mulf %sub3A_342, %sub3A_342 : vector<16xf32>
        %add3A_347 = arith.addf %mul3A_345, %mul3A_346 : vector<16xf32>
        %mul3A_348 = arith.mulf %sub3A_344, %sub3A_344 : vector<16xf32>
        %add3A_349 = arith.addf %add3A_347, %mul3A_348 : vector<16xf32>
        %min3A_350 = arith.minimumf %min3A_286, %add3A_338 : vector<16xf32>
        %max3A_351 = arith.maximumf %min3A_286, %add3A_338 : vector<16xf32>
        %min3A_352 = arith.minimumf %min3A_288, %max3A_351 : vector<16xf32>
        %max3A_353 = arith.maximumf %min3A_288, %max3A_351 : vector<16xf32>
        %min3A_354 = arith.minimumf %min3A_290, %max3A_353 : vector<16xf32>
        %max3A_355 = arith.maximumf %min3A_290, %max3A_353 : vector<16xf32>
        %min3A_356 = arith.minimumf %min3A_292, %max3A_355 : vector<16xf32>
        %max3A_357 = arith.maximumf %min3A_292, %max3A_355 : vector<16xf32>
        %min3A_358 = arith.minimumf %min3A_294, %max3A_357 : vector<16xf32>
        %max3A_359 = arith.maximumf %min3A_294, %max3A_357 : vector<16xf32>
        %min3A_360 = arith.minimumf %min3A_296, %max3A_359 : vector<16xf32>
        %max3A_361 = arith.maximumf %min3A_296, %max3A_359 : vector<16xf32>
        %min3A_362 = arith.minimumf %min3A_298, %max3A_361 : vector<16xf32>
        %max3A_363 = arith.maximumf %min3A_298, %max3A_361 : vector<16xf32>
        %min3A_364 = arith.minimumf %min3A_300, %max3A_363 : vector<16xf32>
        %max3A_365 = arith.maximumf %min3A_300, %max3A_363 : vector<16xf32>
        %min3A_366 = arith.minimumf %min3A_302, %add3A_349 : vector<16xf32>
        %max3A_367 = arith.maximumf %min3A_302, %add3A_349 : vector<16xf32>
        %min3A_368 = arith.minimumf %min3A_304, %max3A_367 : vector<16xf32>
        %max3A_369 = arith.maximumf %min3A_304, %max3A_367 : vector<16xf32>
        %min3A_370 = arith.minimumf %min3A_306, %max3A_369 : vector<16xf32>
        %max3A_371 = arith.maximumf %min3A_306, %max3A_369 : vector<16xf32>
        %min3A_372 = arith.minimumf %min3A_308, %max3A_371 : vector<16xf32>
        %max3A_373 = arith.maximumf %min3A_308, %max3A_371 : vector<16xf32>
        %min3A_374 = arith.minimumf %min3A_310, %max3A_373 : vector<16xf32>
        %max3A_375 = arith.maximumf %min3A_310, %max3A_373 : vector<16xf32>
        %min3A_376 = arith.minimumf %min3A_312, %max3A_375 : vector<16xf32>
        %max3A_377 = arith.maximumf %min3A_312, %max3A_375 : vector<16xf32>
        %min3A_378 = arith.minimumf %min3A_314, %max3A_377 : vector<16xf32>
        %max3A_379 = arith.maximumf %min3A_314, %max3A_377 : vector<16xf32>
        %min3A_380 = arith.minimumf %min3A_316, %max3A_379 : vector<16xf32>
        %max3A_381 = arith.maximumf %min3A_316, %max3A_379 : vector<16xf32>
        %add3A_382 = arith.constant 3 : i32
        %add3A_383 = arith.addi %while3A_172, %add3A_382 : i32
        %mul3A_384 = arith.constant 16 : i32
        %mul3A_385 = arith.muli %add3A_383, %mul3A_384 : i32
        %get3A_386 = arith.index_cast %mul3A_385 : i32 to index
        %get3A_387 = tpu.vector_load %arg6[%get3A_386] {strides = array<i32>} : memref<10528xf32, #tpu.memory_space<vmem>>, vector<16xf32>,
        %get3A_388 = arith.index_cast %mul3A_385 : i32 to index
        %get3A_389 = tpu.vector_load %arg7[%get3A_388] {strides = array<i32>} : memref<10528xf32, #tpu.memory_space<vmem>>, vector<16xf32>,
        %get3A_390 = arith.index_cast %mul3A_385 : i32 to index
        %get3A_391 = tpu.vector_load %arg8[%get3A_390] {strides = array<i32>} : memref<10528xf32, #tpu.memory_space<vmem>>, vector<16xf32>,
        %sub3A_392 = vector.broadcast %squeeze3A : f32 to vector<16xf32>
        %sub3A_393 = arith.subf %get3A_387, %sub3A_392 : vector<16xf32>
        %sub3A_394 = vector.broadcast %squeeze3A_26 : f32 to vector<16xf32>
        %sub3A_395 = arith.subf %get3A_389, %sub3A_394 : vector<16xf32>
        %sub3A_396 = vector.broadcast %squeeze3A_30 : f32 to vector<16xf32>
        %sub3A_397 = arith.subf %get3A_391, %sub3A_396 : vector<16xf32>
        %mul3A_398 = arith.mulf %sub3A_393, %sub3A_393 : vector<16xf32>
        %mul3A_399 = arith.mulf %sub3A_395, %sub3A_395 : vector<16xf32>
        %add3A_400 = arith.addf %mul3A_398, %mul3A_399 : vector<16xf32>
        %mul3A_401 = arith.mulf %sub3A_397, %sub3A_397 : vector<16xf32>
        %add3A_402 = arith.addf %add3A_400, %mul3A_401 : vector<16xf32>
        %sub3A_403 = vector.broadcast %squeeze3A_24 : f32 to vector<16xf32>
        %sub3A_404 = arith.subf %get3A_387, %sub3A_403 : vector<16xf32>
        %sub3A_405 = vector.broadcast %squeeze3A_28 : f32 to vector<16xf32>
        %sub3A_406 = arith.subf %get3A_389, %sub3A_405 : vector<16xf32>
        %sub3A_407 = vector.broadcast %squeeze3A_32 : f32 to vector<16xf32>
        %sub3A_408 = arith.subf %get3A_391, %sub3A_407 : vector<16xf32>
        %mul3A_409 = arith.mulf %sub3A_404, %sub3A_404 : vector<16xf32>
        %mul3A_410 = arith.mulf %sub3A_406, %sub3A_406 : vector<16xf32>
        %add3A_411 = arith.addf %mul3A_409, %mul3A_410 : vector<16xf32>
        %mul3A_412 = arith.mulf %sub3A_408, %sub3A_408 : vector<16xf32>
        %add3A_413 = arith.addf %add3A_411, %mul3A_412 : vector<16xf32>
        %min3A_414 = arith.minimumf %min3A_350, %add3A_402 : vector<16xf32>
        %max3A_415 = arith.maximumf %min3A_350, %add3A_402 : vector<16xf32>
        %min3A_416 = arith.minimumf %min3A_352, %max3A_415 : vector<16xf32>
        %max3A_417 = arith.maximumf %min3A_352, %max3A_415 : vector<16xf32>
        %min3A_418 = arith.minimumf %min3A_354, %max3A_417 : vector<16xf32>
        %max3A_419 = arith.maximumf %min3A_354, %max3A_417 : vector<16xf32>
        %min3A_420 = arith.minimumf %min3A_356, %max3A_419 : vector<16xf32>
        %max3A_421 = arith.maximumf %min3A_356, %max3A_419 : vector<16xf32>
        %min3A_422 = arith.minimumf %min3A_358, %max3A_421 : vector<16xf32>
        %max3A_423 = arith.maximumf %min3A_358, %max3A_421 : vector<16xf32>
        %min3A_424 = arith.minimumf %min3A_360, %max3A_423 : vector<16xf32>
        %max3A_425 = arith.maximumf %min3A_360, %max3A_423 : vector<16xf32>
        %min3A_426 = arith.minimumf %min3A_362, %max3A_425 : vector<16xf32>
        %max3A_427 = arith.maximumf %min3A_362, %max3A_425 : vector<16xf32>
        %min3A_428 = arith.minimumf %min3A_364, %max3A_427 : vector<16xf32>
        %max3A_429 = arith.maximumf %min3A_364, %max3A_427 : vector<16xf32>
        %min3A_430 = arith.minimumf %min3A_366, %add3A_413 : vector<16xf32>
        %max3A_431 = arith.maximumf %min3A_366, %add3A_413 : vector<16xf32>
        %min3A_432 = arith.minimumf %min3A_368, %max3A_431 : vector<16xf32>
        %max3A_433 = arith.maximumf %min3A_368, %max3A_431 : vector<16xf32>
        %min3A_434 = arith.minimumf %min3A_370, %max3A_433 : vector<16xf32>
        %max3A_435 = arith.maximumf %min3A_370, %max3A_433 : vector<16xf32>
        %min3A_436 = arith.minimumf %min3A_372, %max3A_435 : vector<16xf32>
        %max3A_437 = arith.maximumf %min3A_372, %max3A_435 : vector<16xf32>
        %min3A_438 = arith.minimumf %min3A_374, %max3A_437 : vector<16xf32>
        %max3A_439 = arith.maximumf %min3A_374, %max3A_437 : vector<16xf32>
        %min3A_440 = arith.minimumf %min3A_376, %max3A_439 : vector<16xf32>
        %max3A_441 = arith.maximumf %min3A_376, %max3A_439 : vector<16xf32>
        %min3A_442 = arith.minimumf %min3A_378, %max3A_441 : vector<16xf32>
        %max3A_443 = arith.maximumf %min3A_378, %max3A_441 : vector<16xf32>
        %min3A_444 = arith.minimumf %min3A_380, %max3A_443 : vector<16xf32>
        %max3A_445 = arith.maximumf %min3A_380, %max3A_443 : vector<16xf32>
        %add3A_446 = arith.constant 4 : i32
        %add3A_447 = arith.addi %while3A_172, %add3A_446 : i32
        %mul3A_448 = arith.constant 16 : i32
        %mul3A_449 = arith.muli %add3A_447, %mul3A_448 : i32
        %get3A_450 = arith.index_cast %mul3A_449 : i32 to index
        %get3A_451 = tpu.vector_load %arg6[%get3A_450] {strides = array<i32>} : memref<10528xf32, #tpu.memory_space<vmem>>, vector<16xf32>,
        %get3A_452 = arith.index_cast %mul3A_449 : i32 to index
        %get3A_453 = tpu.vector_load %arg7[%get3A_452] {strides = array<i32>} : memref<10528xf32, #tpu.memory_space<vmem>>, vector<16xf32>,
        %get3A_454 = arith.index_cast %mul3A_449 : i32 to index
        %get3A_455 = tpu.vector_load %arg8[%get3A_454] {strides = array<i32>} : memref<10528xf32, #tpu.memory_space<vmem>>, vector<16xf32>,
        %sub3A_456 = vector.broadcast %squeeze3A : f32 to vector<16xf32>
        %sub3A_457 = arith.subf %get3A_451, %sub3A_456 : vector<16xf32>
        %sub3A_458 = vector.broadcast %squeeze3A_26 : f32 to vector<16xf32>
        %sub3A_459 = arith.subf %get3A_453, %sub3A_458 : vector<16xf32>
        %sub3A_460 = vector.broadcast %squeeze3A_30 : f32 to vector<16xf32>
        %sub3A_461 = arith.subf %get3A_455, %sub3A_460 : vector<16xf32>
        %mul3A_462 = arith.mulf %sub3A_457, %sub3A_457 : vector<16xf32>
        %mul3A_463 = arith.mulf %sub3A_459, %sub3A_459 : vector<16xf32>
        %add3A_464 = arith.addf %mul3A_462, %mul3A_463 : vector<16xf32>
        %mul3A_465 = arith.mulf %sub3A_461, %sub3A_461 : vector<16xf32>
        %add3A_466 = arith.addf %add3A_464, %mul3A_465 : vector<16xf32>
        %sub3A_467 = vector.broadcast %squeeze3A_24 : f32 to vector<16xf32>
        %sub3A_468 = arith.subf %get3A_451, %sub3A_467 : vector<16xf32>
        %sub3A_469 = vector.broadcast %squeeze3A_28 : f32 to vector<16xf32>
        %sub3A_470 = arith.subf %get3A_453, %sub3A_469 : vector<16xf32>
        %sub3A_471 = vector.broadcast %squeeze3A_32 : f32 to vector<16xf32>
        %sub3A_472 = arith.subf %get3A_455, %sub3A_471 : vector<16xf32>
        %mul3A_473 = arith.mulf %sub3A_468, %sub3A_468 : vector<16xf32>
        %mul3A_474 = arith.mulf %sub3A_470, %sub3A_470 : vector<16xf32>
        %add3A_475 = arith.addf %mul3A_473, %mul3A_474 : vector<16xf32>
        %mul3A_476 = arith.mulf %sub3A_472, %sub3A_472 : vector<16xf32>
        %add3A_477 = arith.addf %add3A_475, %mul3A_476 : vector<16xf32>
        %min3A_478 = arith.minimumf %min3A_414, %add3A_466 : vector<16xf32>
        %max3A_479 = arith.maximumf %min3A_414, %add3A_466 : vector<16xf32>
        %min3A_480 = arith.minimumf %min3A_416, %max3A_479 : vector<16xf32>
        %max3A_481 = arith.maximumf %min3A_416, %max3A_479 : vector<16xf32>
        %min3A_482 = arith.minimumf %min3A_418, %max3A_481 : vector<16xf32>
        %max3A_483 = arith.maximumf %min3A_418, %max3A_481 : vector<16xf32>
        %min3A_484 = arith.minimumf %min3A_420, %max3A_483 : vector<16xf32>
        %max3A_485 = arith.maximumf %min3A_420, %max3A_483 : vector<16xf32>
        %min3A_486 = arith.minimumf %min3A_422, %max3A_485 : vector<16xf32>
        %max3A_487 = arith.maximumf %min3A_422, %max3A_485 : vector<16xf32>
        %min3A_488 = arith.minimumf %min3A_424, %max3A_487 : vector<16xf32>
        %max3A_489 = arith.maximumf %min3A_424, %max3A_487 : vector<16xf32>
        %min3A_490 = arith.minimumf %min3A_426, %max3A_489 : vector<16xf32>
        %max3A_491 = arith.maximumf %min3A_426, %max3A_489 : vector<16xf32>
        %min3A_492 = arith.minimumf %min3A_428, %max3A_491 : vector<16xf32>
        %max3A_493 = arith.maximumf %min3A_428, %max3A_491 : vector<16xf32>
        %min3A_494 = arith.minimumf %min3A_430, %add3A_477 : vector<16xf32>
        %max3A_495 = arith.maximumf %min3A_430, %add3A_477 : vector<16xf32>
        %min3A_496 = arith.minimumf %min3A_432, %max3A_495 : vector<16xf32>
        %max3A_497 = arith.maximumf %min3A_432, %max3A_495 : vector<16xf32>
        %min3A_498 = arith.minimumf %min3A_434, %max3A_497 : vector<16xf32>
        %max3A_499 = arith.maximumf %min3A_434, %max3A_497 : vector<16xf32>
        %min3A_500 = arith.minimumf %min3A_436, %max3A_499 : vector<16xf32>
        %max3A_501 = arith.maximumf %min3A_436, %max3A_499 : vector<16xf32>
        %min3A_502 = arith.minimumf %min3A_438, %max3A_501 : vector<16xf32>
        %max3A_503 = arith.maximumf %min3A_438, %max3A_501 : vector<16xf32>
        %min3A_504 = arith.minimumf %min3A_440, %max3A_503 : vector<16xf32>
        %max3A_505 = arith.maximumf %min3A_440, %max3A_503 : vector<16xf32>
        %min3A_506 = arith.minimumf %min3A_442, %max3A_505 : vector<16xf32>
        %max3A_507 = arith.maximumf %min3A_442, %max3A_505 : vector<16xf32>
        %min3A_508 = arith.minimumf %min3A_444, %max3A_507 : vector<16xf32>
        %max3A_509 = arith.maximumf %min3A_444, %max3A_507 : vector<16xf32>
        %add3A_510 = arith.constant 5 : i32
        %add3A_511 = arith.addi %while3A_172, %add3A_510 : i32
        %mul3A_512 = arith.constant 16 : i32
        %mul3A_513 = arith.muli %add3A_511, %mul3A_512 : i32
        %get3A_514 = arith.index_cast %mul3A_513 : i32 to index
        %get3A_515 = tpu.vector_load %arg6[%get3A_514] {strides = array<i32>} : memref<10528xf32, #tpu.memory_space<vmem>>, vector<16xf32>,
        %get3A_516 = arith.index_cast %mul3A_513 : i32 to index
        %get3A_517 = tpu.vector_load %arg7[%get3A_516] {strides = array<i32>} : memref<10528xf32, #tpu.memory_space<vmem>>, vector<16xf32>,
        %get3A_518 = arith.index_cast %mul3A_513 : i32 to index
        %get3A_519 = tpu.vector_load %arg8[%get3A_518] {strides = array<i32>} : memref<10528xf32, #tpu.memory_space<vmem>>, vector<16xf32>,
        %sub3A_520 = vector.broadcast %squeeze3A : f32 to vector<16xf32>
        %sub3A_521 = arith.subf %get3A_515, %sub3A_520 : vector<16xf32>
        %sub3A_522 = vector.broadcast %squeeze3A_26 : f32 to vector<16xf32>
        %sub3A_523 = arith.subf %get3A_517, %sub3A_522 : vector<16xf32>
        %sub3A_524 = vector.broadcast %squeeze3A_30 : f32 to vector<16xf32>
        %sub3A_525 = arith.subf %get3A_519, %sub3A_524 : vector<16xf32>
        %mul3A_526 = arith.mulf %sub3A_521, %sub3A_521 : vector<16xf32>
        %mul3A_527 = arith.mulf %sub3A_523, %sub3A_523 : vector<16xf32>
        %add3A_528 = arith.addf %mul3A_526, %mul3A_527 : vector<16xf32>
        %mul3A_529 = arith.mulf %sub3A_525, %sub3A_525 : vector<16xf32>
        %add3A_530 = arith.addf %add3A_528, %mul3A_529 : vector<16xf32>
        %sub3A_531 = vector.broadcast %squeeze3A_24 : f32 to vector<16xf32>
        %sub3A_532 = arith.subf %get3A_515, %sub3A_531 : vector<16xf32>
        %sub3A_533 = vector.broadcast %squeeze3A_28 : f32 to vector<16xf32>
        %sub3A_534 = arith.subf %get3A_517, %sub3A_533 : vector<16xf32>
        %sub3A_535 = vector.broadcast %squeeze3A_32 : f32 to vector<16xf32>
        %sub3A_536 = arith.subf %get3A_519, %sub3A_535 : vector<16xf32>
        %mul3A_537 = arith.mulf %sub3A_532, %sub3A_532 : vector<16xf32>
        %mul3A_538 = arith.mulf %sub3A_534, %sub3A_534 : vector<16xf32>
        %add3A_539 = arith.addf %mul3A_537, %mul3A_538 : vector<16xf32>
        %mul3A_540 = arith.mulf %sub3A_536, %sub3A_536 : vector<16xf32>
        %add3A_541 = arith.addf %add3A_539, %mul3A_540 : vector<16xf32>
        %min3A_542 = arith.minimumf %min3A_478, %add3A_530 : vector<16xf32>
        %max3A_543 = arith.maximumf %min3A_478, %add3A_530 : vector<16xf32>
        %min3A_544 = arith.minimumf %min3A_480, %max3A_543 : vector<16xf32>
        %max3A_545 = arith.maximumf %min3A_480, %max3A_543 : vector<16xf32>
        %min3A_546 = arith.minimumf %min3A_482, %max3A_545 : vector<16xf32>
        %max3A_547 = arith.maximumf %min3A_482, %max3A_545 : vector<16xf32>
        %min3A_548 = arith.minimumf %min3A_484, %max3A_547 : vector<16xf32>
        %max3A_549 = arith.maximumf %min3A_484, %max3A_547 : vector<16xf32>
        %min3A_550 = arith.minimumf %min3A_486, %max3A_549 : vector<16xf32>
        %max3A_551 = arith.maximumf %min3A_486, %max3A_549 : vector<16xf32>
        %min3A_552 = arith.minimumf %min3A_488, %max3A_551 : vector<16xf32>
        %max3A_553 = arith.maximumf %min3A_488, %max3A_551 : vector<16xf32>
        %min3A_554 = arith.minimumf %min3A_490, %max3A_553 : vector<16xf32>
        %max3A_555 = arith.maximumf %min3A_490, %max3A_553 : vector<16xf32>
        %min3A_556 = arith.minimumf %min3A_492, %max3A_555 : vector<16xf32>
        %max3A_557 = arith.maximumf %min3A_492, %max3A_555 : vector<16xf32>
        %min3A_558 = arith.minimumf %min3A_494, %add3A_541 : vector<16xf32>
        %max3A_559 = arith.maximumf %min3A_494, %add3A_541 : vector<16xf32>
        %min3A_560 = arith.minimumf %min3A_496, %max3A_559 : vector<16xf32>
        %max3A_561 = arith.maximumf %min3A_496, %max3A_559 : vector<16xf32>
        %min3A_562 = arith.minimumf %min3A_498, %max3A_561 : vector<16xf32>
        %max3A_563 = arith.maximumf %min3A_498, %max3A_561 : vector<16xf32>
        %min3A_564 = arith.minimumf %min3A_500, %max3A_563 : vector<16xf32>
        %max3A_565 = arith.maximumf %min3A_500, %max3A_563 : vector<16xf32>
        %min3A_566 = arith.minimumf %min3A_502, %max3A_565 : vector<16xf32>
        %max3A_567 = arith.maximumf %min3A_502, %max3A_565 : vector<16xf32>
        %min3A_568 = arith.minimumf %min3A_504, %max3A_567 : vector<16xf32>
        %max3A_569 = arith.maximumf %min3A_504, %max3A_567 : vector<16xf32>
        %min3A_570 = arith.minimumf %min3A_506, %max3A_569 : vector<16xf32>
        %max3A_571 = arith.maximumf %min3A_506, %max3A_569 : vector<16xf32>
        %min3A_572 = arith.minimumf %min3A_508, %max3A_571 : vector<16xf32>
        %max3A_573 = arith.maximumf %min3A_508, %max3A_571 : vector<16xf32>
        %add3A_574 = arith.constant 6 : i32
        %add3A_575 = arith.addi %while3A_172, %add3A_574 : i32
        %mul3A_576 = arith.constant 16 : i32
        %mul3A_577 = arith.muli %add3A_575, %mul3A_576 : i32
        %get3A_578 = arith.index_cast %mul3A_577 : i32 to index
        %get3A_579 = tpu.vector_load %arg6[%get3A_578] {strides = array<i32>} : memref<10528xf32, #tpu.memory_space<vmem>>, vector<16xf32>,
        %get3A_580 = arith.index_cast %mul3A_577 : i32 to index
        %get3A_581 = tpu.vector_load %arg7[%get3A_580] {strides = array<i32>} : memref<10528xf32, #tpu.memory_space<vmem>>, vector<16xf32>,
        %get3A_582 = arith.index_cast %mul3A_577 : i32 to index
        %get3A_583 = tpu.vector_load %arg8[%get3A_582] {strides = array<i32>} : memref<10528xf32, #tpu.memory_space<vmem>>, vector<16xf32>,
        %sub3A_584 = vector.broadcast %squeeze3A : f32 to vector<16xf32>
        %sub3A_585 = arith.subf %get3A_579, %sub3A_584 : vector<16xf32>
        %sub3A_586 = vector.broadcast %squeeze3A_26 : f32 to vector<16xf32>
        %sub3A_587 = arith.subf %get3A_581, %sub3A_586 : vector<16xf32>
        %sub3A_588 = vector.broadcast %squeeze3A_30 : f32 to vector<16xf32>
        %sub3A_589 = arith.subf %get3A_583, %sub3A_588 : vector<16xf32>
        %mul3A_590 = arith.mulf %sub3A_585, %sub3A_585 : vector<16xf32>
        %mul3A_591 = arith.mulf %sub3A_587, %sub3A_587 : vector<16xf32>
        %add3A_592 = arith.addf %mul3A_590, %mul3A_591 : vector<16xf32>
        %mul3A_593 = arith.mulf %sub3A_589, %sub3A_589 : vector<16xf32>
        %add3A_594 = arith.addf %add3A_592, %mul3A_593 : vector<16xf32>
        %sub3A_595 = vector.broadcast %squeeze3A_24 : f32 to vector<16xf32>
        %sub3A_596 = arith.subf %get3A_579, %sub3A_595 : vector<16xf32>
        %sub3A_597 = vector.broadcast %squeeze3A_28 : f32 to vector<16xf32>
        %sub3A_598 = arith.subf %get3A_581, %sub3A_597 : vector<16xf32>
        %sub3A_599 = vector.broadcast %squeeze3A_32 : f32 to vector<16xf32>
        %sub3A_600 = arith.subf %get3A_583, %sub3A_599 : vector<16xf32>
        %mul3A_601 = arith.mulf %sub3A_596, %sub3A_596 : vector<16xf32>
        %mul3A_602 = arith.mulf %sub3A_598, %sub3A_598 : vector<16xf32>
        %add3A_603 = arith.addf %mul3A_601, %mul3A_602 : vector<16xf32>
        %mul3A_604 = arith.mulf %sub3A_600, %sub3A_600 : vector<16xf32>
        %add3A_605 = arith.addf %add3A_603, %mul3A_604 : vector<16xf32>
        %min3A_606 = arith.minimumf %min3A_542, %add3A_594 : vector<16xf32>
        %max3A_607 = arith.maximumf %min3A_542, %add3A_594 : vector<16xf32>
        %min3A_608 = arith.minimumf %min3A_544, %max3A_607 : vector<16xf32>
        %max3A_609 = arith.maximumf %min3A_544, %max3A_607 : vector<16xf32>
        %min3A_610 = arith.minimumf %min3A_546, %max3A_609 : vector<16xf32>
        %max3A_611 = arith.maximumf %min3A_546, %max3A_609 : vector<16xf32>
        %min3A_612 = arith.minimumf %min3A_548, %max3A_611 : vector<16xf32>
        %max3A_613 = arith.maximumf %min3A_548, %max3A_611 : vector<16xf32>
        %min3A_614 = arith.minimumf %min3A_550, %max3A_613 : vector<16xf32>
        %max3A_615 = arith.maximumf %min3A_550, %max3A_613 : vector<16xf32>
        %min3A_616 = arith.minimumf %min3A_552, %max3A_615 : vector<16xf32>
        %max3A_617 = arith.maximumf %min3A_552, %max3A_615 : vector<16xf32>
        %min3A_618 = arith.minimumf %min3A_554, %max3A_617 : vector<16xf32>
        %max3A_619 = arith.maximumf %min3A_554, %max3A_617 : vector<16xf32>
        %min3A_620 = arith.minimumf %min3A_556, %max3A_619 : vector<16xf32>
        %max3A_621 = arith.maximumf %min3A_556, %max3A_619 : vector<16xf32>
        %min3A_622 = arith.minimumf %min3A_558, %add3A_605 : vector<16xf32>
        %max3A_623 = arith.maximumf %min3A_558, %add3A_605 : vector<16xf32>
        %min3A_624 = arith.minimumf %min3A_560, %max3A_623 : vector<16xf32>
        %max3A_625 = arith.maximumf %min3A_560, %max3A_623 : vector<16xf32>
        %min3A_626 = arith.minimumf %min3A_562, %max3A_625 : vector<16xf32>
        %max3A_627 = arith.maximumf %min3A_562, %max3A_625 : vector<16xf32>
        %min3A_628 = arith.minimumf %min3A_564, %max3A_627 : vector<16xf32>
        %max3A_629 = arith.maximumf %min3A_564, %max3A_627 : vector<16xf32>
        %min3A_630 = arith.minimumf %min3A_566, %max3A_629 : vector<16xf32>
        %max3A_631 = arith.maximumf %min3A_566, %max3A_629 : vector<16xf32>
        %min3A_632 = arith.minimumf %min3A_568, %max3A_631 : vector<16xf32>
        %max3A_633 = arith.maximumf %min3A_568, %max3A_631 : vector<16xf32>
        %min3A_634 = arith.minimumf %min3A_570, %max3A_633 : vector<16xf32>
        %max3A_635 = arith.maximumf %min3A_570, %max3A_633 : vector<16xf32>
        %min3A_636 = arith.minimumf %min3A_572, %max3A_635 : vector<16xf32>
        %max3A_637 = arith.maximumf %min3A_572, %max3A_635 : vector<16xf32>
        %add3A_638 = arith.constant 7 : i32
        %add3A_639 = arith.addi %while3A_172, %add3A_638 : i32
        %mul3A_640 = arith.constant 16 : i32
        %mul3A_641 = arith.muli %add3A_639, %mul3A_640 : i32
        %get3A_642 = arith.index_cast %mul3A_641 : i32 to index
        %get3A_643 = tpu.vector_load %arg6[%get3A_642] {strides = array<i32>} : memref<10528xf32, #tpu.memory_space<vmem>>, vector<16xf32>,
        %get3A_644 = arith.index_cast %mul3A_641 : i32 to index
        %get3A_645 = tpu.vector_load %arg7[%get3A_644] {strides = array<i32>} : memref<10528xf32, #tpu.memory_space<vmem>>, vector<16xf32>,
        %get3A_646 = arith.index_cast %mul3A_641 : i32 to index
        %get3A_647 = tpu.vector_load %arg8[%get3A_646] {strides = array<i32>} : memref<10528xf32, #tpu.memory_space<vmem>>, vector<16xf32>,
        %sub3A_648 = vector.broadcast %squeeze3A : f32 to vector<16xf32>
        %sub3A_649 = arith.subf %get3A_643, %sub3A_648 : vector<16xf32>
        %sub3A_650 = vector.broadcast %squeeze3A_26 : f32 to vector<16xf32>
        %sub3A_651 = arith.subf %get3A_645, %sub3A_650 : vector<16xf32>
        %sub3A_652 = vector.broadcast %squeeze3A_30 : f32 to vector<16xf32>
        %sub3A_653 = arith.subf %get3A_647, %sub3A_652 : vector<16xf32>
        %mul3A_654 = arith.mulf %sub3A_649, %sub3A_649 : vector<16xf32>
        %mul3A_655 = arith.mulf %sub3A_651, %sub3A_651 : vector<16xf32>
        %add3A_656 = arith.addf %mul3A_654, %mul3A_655 : vector<16xf32>
        %mul3A_657 = arith.mulf %sub3A_653, %sub3A_653 : vector<16xf32>
        %add3A_658 = arith.addf %add3A_656, %mul3A_657 : vector<16xf32>
        %sub3A_659 = vector.broadcast %squeeze3A_24 : f32 to vector<16xf32>
        %sub3A_660 = arith.subf %get3A_643, %sub3A_659 : vector<16xf32>
        %sub3A_661 = vector.broadcast %squeeze3A_28 : f32 to vector<16xf32>
        %sub3A_662 = arith.subf %get3A_645, %sub3A_661 : vector<16xf32>
        %sub3A_663 = vector.broadcast %squeeze3A_32 : f32 to vector<16xf32>
        %sub3A_664 = arith.subf %get3A_647, %sub3A_663 : vector<16xf32>
        %mul3A_665 = arith.mulf %sub3A_660, %sub3A_660 : vector<16xf32>
        %mul3A_666 = arith.mulf %sub3A_662, %sub3A_662 : vector<16xf32>
        %add3A_667 = arith.addf %mul3A_665, %mul3A_666 : vector<16xf32>
        %mul3A_668 = arith.mulf %sub3A_664, %sub3A_664 : vector<16xf32>
        %add3A_669 = arith.addf %add3A_667, %mul3A_668 : vector<16xf32>
        %min3A_670 = arith.minimumf %min3A_606, %add3A_658 : vector<16xf32>
        %max3A_671 = arith.maximumf %min3A_606, %add3A_658 : vector<16xf32>
        %min3A_672 = arith.minimumf %min3A_608, %max3A_671 : vector<16xf32>
        %max3A_673 = arith.maximumf %min3A_608, %max3A_671 : vector<16xf32>
        %min3A_674 = arith.minimumf %min3A_610, %max3A_673 : vector<16xf32>
        %max3A_675 = arith.maximumf %min3A_610, %max3A_673 : vector<16xf32>
        %min3A_676 = arith.minimumf %min3A_612, %max3A_675 : vector<16xf32>
        %max3A_677 = arith.maximumf %min3A_612, %max3A_675 : vector<16xf32>
        %min3A_678 = arith.minimumf %min3A_614, %max3A_677 : vector<16xf32>
        %max3A_679 = arith.maximumf %min3A_614, %max3A_677 : vector<16xf32>
        %min3A_680 = arith.minimumf %min3A_616, %max3A_679 : vector<16xf32>
        %max3A_681 = arith.maximumf %min3A_616, %max3A_679 : vector<16xf32>
        %min3A_682 = arith.minimumf %min3A_618, %max3A_681 : vector<16xf32>
        %max3A_683 = arith.maximumf %min3A_618, %max3A_681 : vector<16xf32>
        %min3A_684 = arith.minimumf %min3A_620, %max3A_683 : vector<16xf32>
        %max3A_685 = arith.maximumf %min3A_620, %max3A_683 : vector<16xf32>
        %min3A_686 = arith.minimumf %min3A_622, %add3A_669 : vector<16xf32>
        %max3A_687 = arith.maximumf %min3A_622, %add3A_669 : vector<16xf32>
        %min3A_688 = arith.minimumf %min3A_624, %max3A_687 : vector<16xf32>
        %max3A_689 = arith.maximumf %min3A_624, %max3A_687 : vector<16xf32>
        %min3A_690 = arith.minimumf %min3A_626, %max3A_689 : vector<16xf32>
        %max3A_691 = arith.maximumf %min3A_626, %max3A_689 : vector<16xf32>
        %min3A_692 = arith.minimumf %min3A_628, %max3A_691 : vector<16xf32>
        %max3A_693 = arith.maximumf %min3A_628, %max3A_691 : vector<16xf32>
        %min3A_694 = arith.minimumf %min3A_630, %max3A_693 : vector<16xf32>
        %max3A_695 = arith.maximumf %min3A_630, %max3A_693 : vector<16xf32>
        %min3A_696 = arith.minimumf %min3A_632, %max3A_695 : vector<16xf32>
        %max3A_697 = arith.maximumf %min3A_632, %max3A_695 : vector<16xf32>
        %min3A_698 = arith.minimumf %min3A_634, %max3A_697 : vector<16xf32>
        %max3A_699 = arith.maximumf %min3A_634, %max3A_697 : vector<16xf32>
        %min3A_700 = arith.minimumf %min3A_636, %max3A_699 : vector<16xf32>
        %max3A_701 = arith.maximumf %min3A_636, %max3A_699 : vector<16xf32>
        %add3A_702 = arith.constant 8 : i32
        %add3A_703 = arith.addi %while3A_172, %add3A_702 : i32
        %mul3A_704 = arith.constant 16 : i32
        %mul3A_705 = arith.muli %add3A_703, %mul3A_704 : i32
        %get3A_706 = arith.index_cast %mul3A_705 : i32 to index
        %get3A_707 = tpu.vector_load %arg6[%get3A_706] {strides = array<i32>} : memref<10528xf32, #tpu.memory_space<vmem>>, vector<16xf32>,
        %get3A_708 = arith.index_cast %mul3A_705 : i32 to index
        %get3A_709 = tpu.vector_load %arg7[%get3A_708] {strides = array<i32>} : memref<10528xf32, #tpu.memory_space<vmem>>, vector<16xf32>,
        %get3A_710 = arith.index_cast %mul3A_705 : i32 to index
        %get3A_711 = tpu.vector_load %arg8[%get3A_710] {strides = array<i32>} : memref<10528xf32, #tpu.memory_space<vmem>>, vector<16xf32>,
        %sub3A_712 = vector.broadcast %squeeze3A : f32 to vector<16xf32>
        %sub3A_713 = arith.subf %get3A_707, %sub3A_712 : vector<16xf32>
        %sub3A_714 = vector.broadcast %squeeze3A_26 : f32 to vector<16xf32>
        %sub3A_715 = arith.subf %get3A_709, %sub3A_714 : vector<16xf32>
        %sub3A_716 = vector.broadcast %squeeze3A_30 : f32 to vector<16xf32>
        %sub3A_717 = arith.subf %get3A_711, %sub3A_716 : vector<16xf32>
        %mul3A_718 = arith.mulf %sub3A_713, %sub3A_713 : vector<16xf32>
        %mul3A_719 = arith.mulf %sub3A_715, %sub3A_715 : vector<16xf32>
        %add3A_720 = arith.addf %mul3A_718, %mul3A_719 : vector<16xf32>
        %mul3A_721 = arith.mulf %sub3A_717, %sub3A_717 : vector<16xf32>
        %add3A_722 = arith.addf %add3A_720, %mul3A_721 : vector<16xf32>
        %sub3A_723 = vector.broadcast %squeeze3A_24 : f32 to vector<16xf32>
        %sub3A_724 = arith.subf %get3A_707, %sub3A_723 : vector<16xf32>
        %sub3A_725 = vector.broadcast %squeeze3A_28 : f32 to vector<16xf32>
        %sub3A_726 = arith.subf %get3A_709, %sub3A_725 : vector<16xf32>
        %sub3A_727 = vector.broadcast %squeeze3A_32 : f32 to vector<16xf32>
        %sub3A_728 = arith.subf %get3A_711, %sub3A_727 : vector<16xf32>
        %mul3A_729 = arith.mulf %sub3A_724, %sub3A_724 : vector<16xf32>
        %mul3A_730 = arith.mulf %sub3A_726, %sub3A_726 : vector<16xf32>
        %add3A_731 = arith.addf %mul3A_729, %mul3A_730 : vector<16xf32>
        %mul3A_732 = arith.mulf %sub3A_728, %sub3A_728 : vector<16xf32>
        %add3A_733 = arith.addf %add3A_731, %mul3A_732 : vector<16xf32>
        %min3A_734 = arith.minimumf %min3A_670, %add3A_722 : vector<16xf32>
        %max3A_735 = arith.maximumf %min3A_670, %add3A_722 : vector<16xf32>
        %min3A_736 = arith.minimumf %min3A_672, %max3A_735 : vector<16xf32>
        %max3A_737 = arith.maximumf %min3A_672, %max3A_735 : vector<16xf32>
        %min3A_738 = arith.minimumf %min3A_674, %max3A_737 : vector<16xf32>
        %max3A_739 = arith.maximumf %min3A_674, %max3A_737 : vector<16xf32>
        %min3A_740 = arith.minimumf %min3A_676, %max3A_739 : vector<16xf32>
        %max3A_741 = arith.maximumf %min3A_676, %max3A_739 : vector<16xf32>
        %min3A_742 = arith.minimumf %min3A_678, %max3A_741 : vector<16xf32>
        %max3A_743 = arith.maximumf %min3A_678, %max3A_741 : vector<16xf32>
        %min3A_744 = arith.minimumf %min3A_680, %max3A_743 : vector<16xf32>
        %max3A_745 = arith.maximumf %min3A_680, %max3A_743 : vector<16xf32>
        %min3A_746 = arith.minimumf %min3A_682, %max3A_745 : vector<16xf32>
        %max3A_747 = arith.maximumf %min3A_682, %max3A_745 : vector<16xf32>
        %min3A_748 = arith.minimumf %min3A_684, %max3A_747 : vector<16xf32>
        %max3A_749 = arith.maximumf %min3A_684, %max3A_747 : vector<16xf32>
        %min3A_750 = arith.minimumf %min3A_686, %add3A_733 : vector<16xf32>
        %max3A_751 = arith.maximumf %min3A_686, %add3A_733 : vector<16xf32>
        %min3A_752 = arith.minimumf %min3A_688, %max3A_751 : vector<16xf32>
        %max3A_753 = arith.maximumf %min3A_688, %max3A_751 : vector<16xf32>
        %min3A_754 = arith.minimumf %min3A_690, %max3A_753 : vector<16xf32>
        %max3A_755 = arith.maximumf %min3A_690, %max3A_753 : vector<16xf32>
        %min3A_756 = arith.minimumf %min3A_692, %max3A_755 : vector<16xf32>
        %max3A_757 = arith.maximumf %min3A_692, %max3A_755 : vector<16xf32>
        %min3A_758 = arith.minimumf %min3A_694, %max3A_757 : vector<16xf32>
        %max3A_759 = arith.maximumf %min3A_694, %max3A_757 : vector<16xf32>
        %min3A_760 = arith.minimumf %min3A_696, %max3A_759 : vector<16xf32>
        %max3A_761 = arith.maximumf %min3A_696, %max3A_759 : vector<16xf32>
        %min3A_762 = arith.minimumf %min3A_698, %max3A_761 : vector<16xf32>
        %max3A_763 = arith.maximumf %min3A_698, %max3A_761 : vector<16xf32>
        %min3A_764 = arith.minimumf %min3A_700, %max3A_763 : vector<16xf32>
        %max3A_765 = arith.maximumf %min3A_700, %max3A_763 : vector<16xf32>
        %add3A_766 = arith.constant 9 : i32
        %add3A_767 = arith.addi %while3A_172, %add3A_766 : i32
        %mul3A_768 = arith.constant 16 : i32
        %mul3A_769 = arith.muli %add3A_767, %mul3A_768 : i32
        %get3A_770 = arith.index_cast %mul3A_769 : i32 to index
        %get3A_771 = tpu.vector_load %arg6[%get3A_770] {strides = array<i32>} : memref<10528xf32, #tpu.memory_space<vmem>>, vector<16xf32>,
        %get3A_772 = arith.index_cast %mul3A_769 : i32 to index
        %get3A_773 = tpu.vector_load %arg7[%get3A_772] {strides = array<i32>} : memref<10528xf32, #tpu.memory_space<vmem>>, vector<16xf32>,
        %get3A_774 = arith.index_cast %mul3A_769 : i32 to index
        %get3A_775 = tpu.vector_load %arg8[%get3A_774] {strides = array<i32>} : memref<10528xf32, #tpu.memory_space<vmem>>, vector<16xf32>,
        %sub3A_776 = vector.broadcast %squeeze3A : f32 to vector<16xf32>
        %sub3A_777 = arith.subf %get3A_771, %sub3A_776 : vector<16xf32>
        %sub3A_778 = vector.broadcast %squeeze3A_26 : f32 to vector<16xf32>
        %sub3A_779 = arith.subf %get3A_773, %sub3A_778 : vector<16xf32>
        %sub3A_780 = vector.broadcast %squeeze3A_30 : f32 to vector<16xf32>
        %sub3A_781 = arith.subf %get3A_775, %sub3A_780 : vector<16xf32>
        %mul3A_782 = arith.mulf %sub3A_777, %sub3A_777 : vector<16xf32>
        %mul3A_783 = arith.mulf %sub3A_779, %sub3A_779 : vector<16xf32>
        %add3A_784 = arith.addf %mul3A_782, %mul3A_783 : vector<16xf32>
        %mul3A_785 = arith.mulf %sub3A_781, %sub3A_781 : vector<16xf32>
        %add3A_786 = arith.addf %add3A_784, %mul3A_785 : vector<16xf32>
        %sub3A_787 = vector.broadcast %squeeze3A_24 : f32 to vector<16xf32>
        %sub3A_788 = arith.subf %get3A_771, %sub3A_787 : vector<16xf32>
        %sub3A_789 = vector.broadcast %squeeze3A_28 : f32 to vector<16xf32>
        %sub3A_790 = arith.subf %get3A_773, %sub3A_789 : vector<16xf32>
        %sub3A_791 = vector.broadcast %squeeze3A_32 : f32 to vector<16xf32>
        %sub3A_792 = arith.subf %get3A_775, %sub3A_791 : vector<16xf32>
        %mul3A_793 = arith.mulf %sub3A_788, %sub3A_788 : vector<16xf32>
        %mul3A_794 = arith.mulf %sub3A_790, %sub3A_790 : vector<16xf32>
        %add3A_795 = arith.addf %mul3A_793, %mul3A_794 : vector<16xf32>
        %mul3A_796 = arith.mulf %sub3A_792, %sub3A_792 : vector<16xf32>
        %add3A_797 = arith.addf %add3A_795, %mul3A_796 : vector<16xf32>
        %min3A_798 = arith.minimumf %min3A_734, %add3A_786 : vector<16xf32>
        %max3A_799 = arith.maximumf %min3A_734, %add3A_786 : vector<16xf32>
        %min3A_800 = arith.minimumf %min3A_736, %max3A_799 : vector<16xf32>
        %max3A_801 = arith.maximumf %min3A_736, %max3A_799 : vector<16xf32>
        %min3A_802 = arith.minimumf %min3A_738, %max3A_801 : vector<16xf32>
        %max3A_803 = arith.maximumf %min3A_738, %max3A_801 : vector<16xf32>
        %min3A_804 = arith.minimumf %min3A_740, %max3A_803 : vector<16xf32>
        %max3A_805 = arith.maximumf %min3A_740, %max3A_803 : vector<16xf32>
        %min3A_806 = arith.minimumf %min3A_742, %max3A_805 : vector<16xf32>
        %max3A_807 = arith.maximumf %min3A_742, %max3A_805 : vector<16xf32>
        %min3A_808 = arith.minimumf %min3A_744, %max3A_807 : vector<16xf32>
        %max3A_809 = arith.maximumf %min3A_744, %max3A_807 : vector<16xf32>
        %min3A_810 = arith.minimumf %min3A_746, %max3A_809 : vector<16xf32>
        %max3A_811 = arith.maximumf %min3A_746, %max3A_809 : vector<16xf32>
        %min3A_812 = arith.minimumf %min3A_748, %max3A_811 : vector<16xf32>
        %max3A_813 = arith.maximumf %min3A_748, %max3A_811 : vector<16xf32>
        %min3A_814 = arith.minimumf %min3A_750, %add3A_797 : vector<16xf32>
        %max3A_815 = arith.maximumf %min3A_750, %add3A_797 : vector<16xf32>
        %min3A_816 = arith.minimumf %min3A_752, %max3A_815 : vector<16xf32>
        %max3A_817 = arith.maximumf %min3A_752, %max3A_815 : vector<16xf32>
        %min3A_818 = arith.minimumf %min3A_754, %max3A_817 : vector<16xf32>
        %max3A_819 = arith.maximumf %min3A_754, %max3A_817 : vector<16xf32>
        %min3A_820 = arith.minimumf %min3A_756, %max3A_819 : vector<16xf32>
        %max3A_821 = arith.maximumf %min3A_756, %max3A_819 : vector<16xf32>
        %min3A_822 = arith.minimumf %min3A_758, %max3A_821 : vector<16xf32>
        %max3A_823 = arith.maximumf %min3A_758, %max3A_821 : vector<16xf32>
        %min3A_824 = arith.minimumf %min3A_760, %max3A_823 : vector<16xf32>
        %max3A_825 = arith.maximumf %min3A_760, %max3A_823 : vector<16xf32>
        %min3A_826 = arith.minimumf %min3A_762, %max3A_825 : vector<16xf32>
        %max3A_827 = arith.maximumf %min3A_762, %max3A_825 : vector<16xf32>
        %min3A_828 = arith.minimumf %min3A_764, %max3A_827 : vector<16xf32>
        %max3A_829 = arith.maximumf %min3A_764, %max3A_827 : vector<16xf32>
        %add3A_830 = arith.constant 10 : i32
        %add3A_831 = arith.addi %while3A_172, %add3A_830 : i32
        %mul3A_832 = arith.constant 16 : i32
        %mul3A_833 = arith.muli %add3A_831, %mul3A_832 : i32
        %get3A_834 = arith.index_cast %mul3A_833 : i32 to index
        %get3A_835 = tpu.vector_load %arg6[%get3A_834] {strides = array<i32>} : memref<10528xf32, #tpu.memory_space<vmem>>, vector<16xf32>,
        %get3A_836 = arith.index_cast %mul3A_833 : i32 to index
        %get3A_837 = tpu.vector_load %arg7[%get3A_836] {strides = array<i32>} : memref<10528xf32, #tpu.memory_space<vmem>>, vector<16xf32>,
        %get3A_838 = arith.index_cast %mul3A_833 : i32 to index
        %get3A_839 = tpu.vector_load %arg8[%get3A_838] {strides = array<i32>} : memref<10528xf32, #tpu.memory_space<vmem>>, vector<16xf32>,
        %sub3A_840 = vector.broadcast %squeeze3A : f32 to vector<16xf32>
        %sub3A_841 = arith.subf %get3A_835, %sub3A_840 : vector<16xf32>
        %sub3A_842 = vector.broadcast %squeeze3A_26 : f32 to vector<16xf32>
        %sub3A_843 = arith.subf %get3A_837, %sub3A_842 : vector<16xf32>
        %sub3A_844 = vector.broadcast %squeeze3A_30 : f32 to vector<16xf32>
        %sub3A_845 = arith.subf %get3A_839, %sub3A_844 : vector<16xf32>
        %mul3A_846 = arith.mulf %sub3A_841, %sub3A_841 : vector<16xf32>
        %mul3A_847 = arith.mulf %sub3A_843, %sub3A_843 : vector<16xf32>
        %add3A_848 = arith.addf %mul3A_846, %mul3A_847 : vector<16xf32>
        %mul3A_849 = arith.mulf %sub3A_845, %sub3A_845 : vector<16xf32>
        %add3A_850 = arith.addf %add3A_848, %mul3A_849 : vector<16xf32>
        %sub3A_851 = vector.broadcast %squeeze3A_24 : f32 to vector<16xf32>
        %sub3A_852 = arith.subf %get3A_835, %sub3A_851 : vector<16xf32>
        %sub3A_853 = vector.broadcast %squeeze3A_28 : f32 to vector<16xf32>
        %sub3A_854 = arith.subf %get3A_837, %sub3A_853 : vector<16xf32>
        %sub3A_855 = vector.broadcast %squeeze3A_32 : f32 to vector<16xf32>
        %sub3A_856 = arith.subf %get3A_839, %sub3A_855 : vector<16xf32>
        %mul3A_857 = arith.mulf %sub3A_852, %sub3A_852 : vector<16xf32>
        %mul3A_858 = arith.mulf %sub3A_854, %sub3A_854 : vector<16xf32>
        %add3A_859 = arith.addf %mul3A_857, %mul3A_858 : vector<16xf32>
        %mul3A_860 = arith.mulf %sub3A_856, %sub3A_856 : vector<16xf32>
        %add3A_861 = arith.addf %add3A_859, %mul3A_860 : vector<16xf32>
        %min3A_862 = arith.minimumf %min3A_798, %add3A_850 : vector<16xf32>
        %max3A_863 = arith.maximumf %min3A_798, %add3A_850 : vector<16xf32>
        %min3A_864 = arith.minimumf %min3A_800, %max3A_863 : vector<16xf32>
        %max3A_865 = arith.maximumf %min3A_800, %max3A_863 : vector<16xf32>
        %min3A_866 = arith.minimumf %min3A_802, %max3A_865 : vector<16xf32>
        %max3A_867 = arith.maximumf %min3A_802, %max3A_865 : vector<16xf32>
        %min3A_868 = arith.minimumf %min3A_804, %max3A_867 : vector<16xf32>
        %max3A_869 = arith.maximumf %min3A_804, %max3A_867 : vector<16xf32>
        %min3A_870 = arith.minimumf %min3A_806, %max3A_869 : vector<16xf32>
        %max3A_871 = arith.maximumf %min3A_806, %max3A_869 : vector<16xf32>
        %min3A_872 = arith.minimumf %min3A_808, %max3A_871 : vector<16xf32>
        %max3A_873 = arith.maximumf %min3A_808, %max3A_871 : vector<16xf32>
        %min3A_874 = arith.minimumf %min3A_810, %max3A_873 : vector<16xf32>
        %max3A_875 = arith.maximumf %min3A_810, %max3A_873 : vector<16xf32>
        %min3A_876 = arith.minimumf %min3A_812, %max3A_875 : vector<16xf32>
        %max3A_877 = arith.maximumf %min3A_812, %max3A_875 : vector<16xf32>
        %min3A_878 = arith.minimumf %min3A_814, %add3A_861 : vector<16xf32>
        %max3A_879 = arith.maximumf %min3A_814, %add3A_861 : vector<16xf32>
        %min3A_880 = arith.minimumf %min3A_816, %max3A_879 : vector<16xf32>
        %max3A_881 = arith.maximumf %min3A_816, %max3A_879 : vector<16xf32>
        %min3A_882 = arith.minimumf %min3A_818, %max3A_881 : vector<16xf32>
        %max3A_883 = arith.maximumf %min3A_818, %max3A_881 : vector<16xf32>
        %min3A_884 = arith.minimumf %min3A_820, %max3A_883 : vector<16xf32>
        %max3A_885 = arith.maximumf %min3A_820, %max3A_883 : vector<16xf32>
        %min3A_886 = arith.minimumf %min3A_822, %max3A_885 : vector<16xf32>
        %max3A_887 = arith.maximumf %min3A_822, %max3A_885 : vector<16xf32>
        %min3A_888 = arith.minimumf %min3A_824, %max3A_887 : vector<16xf32>
        %max3A_889 = arith.maximumf %min3A_824, %max3A_887 : vector<16xf32>
        %min3A_890 = arith.minimumf %min3A_826, %max3A_889 : vector<16xf32>
        %max3A_891 = arith.maximumf %min3A_826, %max3A_889 : vector<16xf32>
        %min3A_892 = arith.minimumf %min3A_828, %max3A_891 : vector<16xf32>
        %max3A_893 = arith.maximumf %min3A_828, %max3A_891 : vector<16xf32>
        %add3A_894 = arith.constant 11 : i32
        %add3A_895 = arith.addi %while3A_172, %add3A_894 : i32
        %mul3A_896 = arith.constant 16 : i32
        %mul3A_897 = arith.muli %add3A_895, %mul3A_896 : i32
        %get3A_898 = arith.index_cast %mul3A_897 : i32 to index
        %get3A_899 = tpu.vector_load %arg6[%get3A_898] {strides = array<i32>} : memref<10528xf32, #tpu.memory_space<vmem>>, vector<16xf32>,
        %get3A_900 = arith.index_cast %mul3A_897 : i32 to index
        %get3A_901 = tpu.vector_load %arg7[%get3A_900] {strides = array<i32>} : memref<10528xf32, #tpu.memory_space<vmem>>, vector<16xf32>,
        %get3A_902 = arith.index_cast %mul3A_897 : i32 to index
        %get3A_903 = tpu.vector_load %arg8[%get3A_902] {strides = array<i32>} : memref<10528xf32, #tpu.memory_space<vmem>>, vector<16xf32>,
        %sub3A_904 = vector.broadcast %squeeze3A : f32 to vector<16xf32>
        %sub3A_905 = arith.subf %get3A_899, %sub3A_904 : vector<16xf32>
        %sub3A_906 = vector.broadcast %squeeze3A_26 : f32 to vector<16xf32>
        %sub3A_907 = arith.subf %get3A_901, %sub3A_906 : vector<16xf32>
        %sub3A_908 = vector.broadcast %squeeze3A_30 : f32 to vector<16xf32>
        %sub3A_909 = arith.subf %get3A_903, %sub3A_908 : vector<16xf32>
        %mul3A_910 = arith.mulf %sub3A_905, %sub3A_905 : vector<16xf32>
        %mul3A_911 = arith.mulf %sub3A_907, %sub3A_907 : vector<16xf32>
        %add3A_912 = arith.addf %mul3A_910, %mul3A_911 : vector<16xf32>
        %mul3A_913 = arith.mulf %sub3A_909, %sub3A_909 : vector<16xf32>
        %add3A_914 = arith.addf %add3A_912, %mul3A_913 : vector<16xf32>
        %sub3A_915 = vector.broadcast %squeeze3A_24 : f32 to vector<16xf32>
        %sub3A_916 = arith.subf %get3A_899, %sub3A_915 : vector<16xf32>
        %sub3A_917 = vector.broadcast %squeeze3A_28 : f32 to vector<16xf32>
        %sub3A_918 = arith.subf %get3A_901, %sub3A_917 : vector<16xf32>
        %sub3A_919 = vector.broadcast %squeeze3A_32 : f32 to vector<16xf32>
        %sub3A_920 = arith.subf %get3A_903, %sub3A_919 : vector<16xf32>
        %mul3A_921 = arith.mulf %sub3A_916, %sub3A_916 : vector<16xf32>
        %mul3A_922 = arith.mulf %sub3A_918, %sub3A_918 : vector<16xf32>
        %add3A_923 = arith.addf %mul3A_921, %mul3A_922 : vector<16xf32>
        %mul3A_924 = arith.mulf %sub3A_920, %sub3A_920 : vector<16xf32>
        %add3A_925 = arith.addf %add3A_923, %mul3A_924 : vector<16xf32>
        %min3A_926 = arith.minimumf %min3A_862, %add3A_914 : vector<16xf32>
        %max3A_927 = arith.maximumf %min3A_862, %add3A_914 : vector<16xf32>
        %min3A_928 = arith.minimumf %min3A_864, %max3A_927 : vector<16xf32>
        %max3A_929 = arith.maximumf %min3A_864, %max3A_927 : vector<16xf32>
        %min3A_930 = arith.minimumf %min3A_866, %max3A_929 : vector<16xf32>
        %max3A_931 = arith.maximumf %min3A_866, %max3A_929 : vector<16xf32>
        %min3A_932 = arith.minimumf %min3A_868, %max3A_931 : vector<16xf32>
        %max3A_933 = arith.maximumf %min3A_868, %max3A_931 : vector<16xf32>
        %min3A_934 = arith.minimumf %min3A_870, %max3A_933 : vector<16xf32>
        %max3A_935 = arith.maximumf %min3A_870, %max3A_933 : vector<16xf32>
        %min3A_936 = arith.minimumf %min3A_872, %max3A_935 : vector<16xf32>
        %max3A_937 = arith.maximumf %min3A_872, %max3A_935 : vector<16xf32>
        %min3A_938 = arith.minimumf %min3A_874, %max3A_937 : vector<16xf32>
        %max3A_939 = arith.maximumf %min3A_874, %max3A_937 : vector<16xf32>
        %min3A_940 = arith.minimumf %min3A_876, %max3A_939 : vector<16xf32>
        %max3A_941 = arith.maximumf %min3A_876, %max3A_939 : vector<16xf32>
        %min3A_942 = arith.minimumf %min3A_878, %add3A_925 : vector<16xf32>
        %max3A_943 = arith.maximumf %min3A_878, %add3A_925 : vector<16xf32>
        %min3A_944 = arith.minimumf %min3A_880, %max3A_943 : vector<16xf32>
        %max3A_945 = arith.maximumf %min3A_880, %max3A_943 : vector<16xf32>
        %min3A_946 = arith.minimumf %min3A_882, %max3A_945 : vector<16xf32>
        %max3A_947 = arith.maximumf %min3A_882, %max3A_945 : vector<16xf32>
        %min3A_948 = arith.minimumf %min3A_884, %max3A_947 : vector<16xf32>
        %max3A_949 = arith.maximumf %min3A_884, %max3A_947 : vector<16xf32>
        %min3A_950 = arith.minimumf %min3A_886, %max3A_949 : vector<16xf32>
        %max3A_951 = arith.maximumf %min3A_886, %max3A_949 : vector<16xf32>
        %min3A_952 = arith.minimumf %min3A_888, %max3A_951 : vector<16xf32>
        %max3A_953 = arith.maximumf %min3A_888, %max3A_951 : vector<16xf32>
        %min3A_954 = arith.minimumf %min3A_890, %max3A_953 : vector<16xf32>
        %max3A_955 = arith.maximumf %min3A_890, %max3A_953 : vector<16xf32>
        %min3A_956 = arith.minimumf %min3A_892, %max3A_955 : vector<16xf32>
        %max3A_957 = arith.maximumf %min3A_892, %max3A_955 : vector<16xf32>
        %add3A_958 = arith.constant 12 : i32
        %add3A_959 = arith.addi %while3A_172, %add3A_958 : i32
        %mul3A_960 = arith.constant 16 : i32
        %mul3A_961 = arith.muli %add3A_959, %mul3A_960 : i32
        %get3A_962 = arith.index_cast %mul3A_961 : i32 to index
        %get3A_963 = tpu.vector_load %arg6[%get3A_962] {strides = array<i32>} : memref<10528xf32, #tpu.memory_space<vmem>>, vector<16xf32>,
        %get3A_964 = arith.index_cast %mul3A_961 : i32 to index
        %get3A_965 = tpu.vector_load %arg7[%get3A_964] {strides = array<i32>} : memref<10528xf32, #tpu.memory_space<vmem>>, vector<16xf32>,
        %get3A_966 = arith.index_cast %mul3A_961 : i32 to index
        %get3A_967 = tpu.vector_load %arg8[%get3A_966] {strides = array<i32>} : memref<10528xf32, #tpu.memory_space<vmem>>, vector<16xf32>,
        %sub3A_968 = vector.broadcast %squeeze3A : f32 to vector<16xf32>
        %sub3A_969 = arith.subf %get3A_963, %sub3A_968 : vector<16xf32>
        %sub3A_970 = vector.broadcast %squeeze3A_26 : f32 to vector<16xf32>
        %sub3A_971 = arith.subf %get3A_965, %sub3A_970 : vector<16xf32>
        %sub3A_972 = vector.broadcast %squeeze3A_30 : f32 to vector<16xf32>
        %sub3A_973 = arith.subf %get3A_967, %sub3A_972 : vector<16xf32>
        %mul3A_974 = arith.mulf %sub3A_969, %sub3A_969 : vector<16xf32>
        %mul3A_975 = arith.mulf %sub3A_971, %sub3A_971 : vector<16xf32>
        %add3A_976 = arith.addf %mul3A_974, %mul3A_975 : vector<16xf32>
        %mul3A_977 = arith.mulf %sub3A_973, %sub3A_973 : vector<16xf32>
        %add3A_978 = arith.addf %add3A_976, %mul3A_977 : vector<16xf32>
        %sub3A_979 = vector.broadcast %squeeze3A_24 : f32 to vector<16xf32>
        %sub3A_980 = arith.subf %get3A_963, %sub3A_979 : vector<16xf32>
        %sub3A_981 = vector.broadcast %squeeze3A_28 : f32 to vector<16xf32>
        %sub3A_982 = arith.subf %get3A_965, %sub3A_981 : vector<16xf32>
        %sub3A_983 = vector.broadcast %squeeze3A_32 : f32 to vector<16xf32>
        %sub3A_984 = arith.subf %get3A_967, %sub3A_983 : vector<16xf32>
        %mul3A_985 = arith.mulf %sub3A_980, %sub3A_980 : vector<16xf32>
        %mul3A_986 = arith.mulf %sub3A_982, %sub3A_982 : vector<16xf32>
        %add3A_987 = arith.addf %mul3A_985, %mul3A_986 : vector<16xf32>
        %mul3A_988 = arith.mulf %sub3A_984, %sub3A_984 : vector<16xf32>
        %add3A_989 = arith.addf %add3A_987, %mul3A_988 : vector<16xf32>
        %min3A_990 = arith.minimumf %min3A_926, %add3A_978 : vector<16xf32>
        %max3A_991 = arith.maximumf %min3A_926, %add3A_978 : vector<16xf32>
        %min3A_992 = arith.minimumf %min3A_928, %max3A_991 : vector<16xf32>
        %max3A_993 = arith.maximumf %min3A_928, %max3A_991 : vector<16xf32>
        %min3A_994 = arith.minimumf %min3A_930, %max3A_993 : vector<16xf32>
        %max3A_995 = arith.maximumf %min3A_930, %max3A_993 : vector<16xf32>
        %min3A_996 = arith.minimumf %min3A_932, %max3A_995 : vector<16xf32>
        %max3A_997 = arith.maximumf %min3A_932, %max3A_995 : vector<16xf32>
        %min3A_998 = arith.minimumf %min3A_934, %max3A_997 : vector<16xf32>
        %max3A_999 = arith.maximumf %min3A_934, %max3A_997 : vector<16xf32>
        %min3A_1000 = arith.minimumf %min3A_936, %max3A_999 : vector<16xf32>
        %max3A_1001 = arith.maximumf %min3A_936, %max3A_999 : vector<16xf32>
        %min3A_1002 = arith.minimumf %min3A_938, %max3A_1001 : vector<16xf32>
        %max3A_1003 = arith.maximumf %min3A_938, %max3A_1001 : vector<16xf32>
        %min3A_1004 = arith.minimumf %min3A_940, %max3A_1003 : vector<16xf32>
        %max3A_1005 = arith.maximumf %min3A_940, %max3A_1003 : vector<16xf32>
        %min3A_1006 = arith.minimumf %min3A_942, %add3A_989 : vector<16xf32>
        %max3A_1007 = arith.maximumf %min3A_942, %add3A_989 : vector<16xf32>
        %min3A_1008 = arith.minimumf %min3A_944, %max3A_1007 : vector<16xf32>
        %max3A_1009 = arith.maximumf %min3A_944, %max3A_1007 : vector<16xf32>
        %min3A_1010 = arith.minimumf %min3A_946, %max3A_1009 : vector<16xf32>
        %max3A_1011 = arith.maximumf %min3A_946, %max3A_1009 : vector<16xf32>
        %min3A_1012 = arith.minimumf %min3A_948, %max3A_1011 : vector<16xf32>
        %max3A_1013 = arith.maximumf %min3A_948, %max3A_1011 : vector<16xf32>
        %min3A_1014 = arith.minimumf %min3A_950, %max3A_1013 : vector<16xf32>
        %max3A_1015 = arith.maximumf %min3A_950, %max3A_1013 : vector<16xf32>
        %min3A_1016 = arith.minimumf %min3A_952, %max3A_1015 : vector<16xf32>
        %max3A_1017 = arith.maximumf %min3A_952, %max3A_1015 : vector<16xf32>
        %min3A_1018 = arith.minimumf %min3A_954, %max3A_1017 : vector<16xf32>
        %max3A_1019 = arith.maximumf %min3A_954, %max3A_1017 : vector<16xf32>
        %min3A_1020 = arith.minimumf %min3A_956, %max3A_1019 : vector<16xf32>
        %max3A_1021 = arith.maximumf %min3A_956, %max3A_1019 : vector<16xf32>
        %add3A_1022 = arith.constant 13 : i32
        %add3A_1023 = arith.addi %while3A_172, %add3A_1022 : i32
        %mul3A_1024 = arith.constant 16 : i32
        %mul3A_1025 = arith.muli %add3A_1023, %mul3A_1024 : i32
        %get3A_1026 = arith.index_cast %mul3A_1025 : i32 to index
        %get3A_1027 = tpu.vector_load %arg6[%get3A_1026] {strides = array<i32>} : memref<10528xf32, #tpu.memory_space<vmem>>, vector<16xf32>,
        %get3A_1028 = arith.index_cast %mul3A_1025 : i32 to index
        %get3A_1029 = tpu.vector_load %arg7[%get3A_1028] {strides = array<i32>} : memref<10528xf32, #tpu.memory_space<vmem>>, vector<16xf32>,
        %get3A_1030 = arith.index_cast %mul3A_1025 : i32 to index
        %get3A_1031 = tpu.vector_load %arg8[%get3A_1030] {strides = array<i32>} : memref<10528xf32, #tpu.memory_space<vmem>>, vector<16xf32>,
        %sub3A_1032 = vector.broadcast %squeeze3A : f32 to vector<16xf32>
        %sub3A_1033 = arith.subf %get3A_1027, %sub3A_1032 : vector<16xf32>
        %sub3A_1034 = vector.broadcast %squeeze3A_26 : f32 to vector<16xf32>
        %sub3A_1035 = arith.subf %get3A_1029, %sub3A_1034 : vector<16xf32>
        %sub3A_1036 = vector.broadcast %squeeze3A_30 : f32 to vector<16xf32>
        %sub3A_1037 = arith.subf %get3A_1031, %sub3A_1036 : vector<16xf32>
        %mul3A_1038 = arith.mulf %sub3A_1033, %sub3A_1033 : vector<16xf32>
        %mul3A_1039 = arith.mulf %sub3A_1035, %sub3A_1035 : vector<16xf32>
        %add3A_1040 = arith.addf %mul3A_1038, %mul3A_1039 : vector<16xf32>
        %mul3A_1041 = arith.mulf %sub3A_1037, %sub3A_1037 : vector<16xf32>
        %add3A_1042 = arith.addf %add3A_1040, %mul3A_1041 : vector<16xf32>
        %sub3A_1043 = vector.broadcast %squeeze3A_24 : f32 to vector<16xf32>
        %sub3A_1044 = arith.subf %get3A_1027, %sub3A_1043 : vector<16xf32>
        %sub3A_1045 = vector.broadcast %squeeze3A_28 : f32 to vector<16xf32>
        %sub3A_1046 = arith.subf %get3A_1029, %sub3A_1045 : vector<16xf32>
        %sub3A_1047 = vector.broadcast %squeeze3A_32 : f32 to vector<16xf32>
        %sub3A_1048 = arith.subf %get3A_1031, %sub3A_1047 : vector<16xf32>
        %mul3A_1049 = arith.mulf %sub3A_1044, %sub3A_1044 : vector<16xf32>
        %mul3A_1050 = arith.mulf %sub3A_1046, %sub3A_1046 : vector<16xf32>
        %add3A_1051 = arith.addf %mul3A_1049, %mul3A_1050 : vector<16xf32>
        %mul3A_1052 = arith.mulf %sub3A_1048, %sub3A_1048 : vector<16xf32>
        %add3A_1053 = arith.addf %add3A_1051, %mul3A_1052 : vector<16xf32>
        %min3A_1054 = arith.minimumf %min3A_990, %add3A_1042 : vector<16xf32>
        %max3A_1055 = arith.maximumf %min3A_990, %add3A_1042 : vector<16xf32>
        %min3A_1056 = arith.minimumf %min3A_992, %max3A_1055 : vector<16xf32>
        %max3A_1057 = arith.maximumf %min3A_992, %max3A_1055 : vector<16xf32>
        %min3A_1058 = arith.minimumf %min3A_994, %max3A_1057 : vector<16xf32>
        %max3A_1059 = arith.maximumf %min3A_994, %max3A_1057 : vector<16xf32>
        %min3A_1060 = arith.minimumf %min3A_996, %max3A_1059 : vector<16xf32>
        %max3A_1061 = arith.maximumf %min3A_996, %max3A_1059 : vector<16xf32>
        %min3A_1062 = arith.minimumf %min3A_998, %max3A_1061 : vector<16xf32>
        %max3A_1063 = arith.maximumf %min3A_998, %max3A_1061 : vector<16xf32>
        %min3A_1064 = arith.minimumf %min3A_1000, %max3A_1063 : vector<16xf32>
        %max3A_1065 = arith.maximumf %min3A_1000, %max3A_1063 : vector<16xf32>
        %min3A_1066 = arith.minimumf %min3A_1002, %max3A_1065 : vector<16xf32>
        %max3A_1067 = arith.maximumf %min3A_1002, %max3A_1065 : vector<16xf32>
        %min3A_1068 = arith.minimumf %min3A_1004, %max3A_1067 : vector<16xf32>
        %max3A_1069 = arith.maximumf %min3A_1004, %max3A_1067 : vector<16xf32>
        %min3A_1070 = arith.minimumf %min3A_1006, %add3A_1053 : vector<16xf32>
        %max3A_1071 = arith.maximumf %min3A_1006, %add3A_1053 : vector<16xf32>
        %min3A_1072 = arith.minimumf %min3A_1008, %max3A_1071 : vector<16xf32>
        %max3A_1073 = arith.maximumf %min3A_1008, %max3A_1071 : vector<16xf32>
        %min3A_1074 = arith.minimumf %min3A_1010, %max3A_1073 : vector<16xf32>
        %max3A_1075 = arith.maximumf %min3A_1010, %max3A_1073 : vector<16xf32>
        %min3A_1076 = arith.minimumf %min3A_1012, %max3A_1075 : vector<16xf32>
        %max3A_1077 = arith.maximumf %min3A_1012, %max3A_1075 : vector<16xf32>
        %min3A_1078 = arith.minimumf %min3A_1014, %max3A_1077 : vector<16xf32>
        %max3A_1079 = arith.maximumf %min3A_1014, %max3A_1077 : vector<16xf32>
        %min3A_1080 = arith.minimumf %min3A_1016, %max3A_1079 : vector<16xf32>
        %max3A_1081 = arith.maximumf %min3A_1016, %max3A_1079 : vector<16xf32>
        %min3A_1082 = arith.minimumf %min3A_1018, %max3A_1081 : vector<16xf32>
        %max3A_1083 = arith.maximumf %min3A_1018, %max3A_1081 : vector<16xf32>
        %min3A_1084 = arith.minimumf %min3A_1020, %max3A_1083 : vector<16xf32>
        %max3A_1085 = arith.maximumf %min3A_1020, %max3A_1083 : vector<16xf32>
        %add3A_1086 = arith.constant 14 : i32
        %add3A_1087 = arith.addi %while3A_172, %add3A_1086 : i32
        %mul3A_1088 = arith.constant 16 : i32
        %mul3A_1089 = arith.muli %add3A_1087, %mul3A_1088 : i32
        %get3A_1090 = arith.index_cast %mul3A_1089 : i32 to index
        %get3A_1091 = tpu.vector_load %arg6[%get3A_1090] {strides = array<i32>} : memref<10528xf32, #tpu.memory_space<vmem>>, vector<16xf32>,
        %get3A_1092 = arith.index_cast %mul3A_1089 : i32 to index
        %get3A_1093 = tpu.vector_load %arg7[%get3A_1092] {strides = array<i32>} : memref<10528xf32, #tpu.memory_space<vmem>>, vector<16xf32>,
        %get3A_1094 = arith.index_cast %mul3A_1089 : i32 to index
        %get3A_1095 = tpu.vector_load %arg8[%get3A_1094] {strides = array<i32>} : memref<10528xf32, #tpu.memory_space<vmem>>, vector<16xf32>,
        %sub3A_1096 = vector.broadcast %squeeze3A : f32 to vector<16xf32>
        %sub3A_1097 = arith.subf %get3A_1091, %sub3A_1096 : vector<16xf32>
        %sub3A_1098 = vector.broadcast %squeeze3A_26 : f32 to vector<16xf32>
        %sub3A_1099 = arith.subf %get3A_1093, %sub3A_1098 : vector<16xf32>
        %sub3A_1100 = vector.broadcast %squeeze3A_30 : f32 to vector<16xf32>
        %sub3A_1101 = arith.subf %get3A_1095, %sub3A_1100 : vector<16xf32>
        %mul3A_1102 = arith.mulf %sub3A_1097, %sub3A_1097 : vector<16xf32>
        %mul3A_1103 = arith.mulf %sub3A_1099, %sub3A_1099 : vector<16xf32>
        %add3A_1104 = arith.addf %mul3A_1102, %mul3A_1103 : vector<16xf32>
        %mul3A_1105 = arith.mulf %sub3A_1101, %sub3A_1101 : vector<16xf32>
        %add3A_1106 = arith.addf %add3A_1104, %mul3A_1105 : vector<16xf32>
        %sub3A_1107 = vector.broadcast %squeeze3A_24 : f32 to vector<16xf32>
        %sub3A_1108 = arith.subf %get3A_1091, %sub3A_1107 : vector<16xf32>
        %sub3A_1109 = vector.broadcast %squeeze3A_28 : f32 to vector<16xf32>
        %sub3A_1110 = arith.subf %get3A_1093, %sub3A_1109 : vector<16xf32>
        %sub3A_1111 = vector.broadcast %squeeze3A_32 : f32 to vector<16xf32>
        %sub3A_1112 = arith.subf %get3A_1095, %sub3A_1111 : vector<16xf32>
        %mul3A_1113 = arith.mulf %sub3A_1108, %sub3A_1108 : vector<16xf32>
        %mul3A_1114 = arith.mulf %sub3A_1110, %sub3A_1110 : vector<16xf32>
        %add3A_1115 = arith.addf %mul3A_1113, %mul3A_1114 : vector<16xf32>
        %mul3A_1116 = arith.mulf %sub3A_1112, %sub3A_1112 : vector<16xf32>
        %add3A_1117 = arith.addf %add3A_1115, %mul3A_1116 : vector<16xf32>
        %min3A_1118 = arith.minimumf %min3A_1054, %add3A_1106 : vector<16xf32>
        %max3A_1119 = arith.maximumf %min3A_1054, %add3A_1106 : vector<16xf32>
        %min3A_1120 = arith.minimumf %min3A_1056, %max3A_1119 : vector<16xf32>
        %max3A_1121 = arith.maximumf %min3A_1056, %max3A_1119 : vector<16xf32>
        %min3A_1122 = arith.minimumf %min3A_1058, %max3A_1121 : vector<16xf32>
        %max3A_1123 = arith.maximumf %min3A_1058, %max3A_1121 : vector<16xf32>
        %min3A_1124 = arith.minimumf %min3A_1060, %max3A_1123 : vector<16xf32>
        %max3A_1125 = arith.maximumf %min3A_1060, %max3A_1123 : vector<16xf32>
        %min3A_1126 = arith.minimumf %min3A_1062, %max3A_1125 : vector<16xf32>
        %max3A_1127 = arith.maximumf %min3A_1062, %max3A_1125 : vector<16xf32>
        %min3A_1128 = arith.minimumf %min3A_1064, %max3A_1127 : vector<16xf32>
        %max3A_1129 = arith.maximumf %min3A_1064, %max3A_1127 : vector<16xf32>
        %min3A_1130 = arith.minimumf %min3A_1066, %max3A_1129 : vector<16xf32>
        %max3A_1131 = arith.maximumf %min3A_1066, %max3A_1129 : vector<16xf32>
        %min3A_1132 = arith.minimumf %min3A_1068, %max3A_1131 : vector<16xf32>
        %max3A_1133 = arith.maximumf %min3A_1068, %max3A_1131 : vector<16xf32>
        %min3A_1134 = arith.minimumf %min3A_1070, %add3A_1117 : vector<16xf32>
        %max3A_1135 = arith.maximumf %min3A_1070, %add3A_1117 : vector<16xf32>
        %min3A_1136 = arith.minimumf %min3A_1072, %max3A_1135 : vector<16xf32>
        %max3A_1137 = arith.maximumf %min3A_1072, %max3A_1135 : vector<16xf32>
        %min3A_1138 = arith.minimumf %min3A_1074, %max3A_1137 : vector<16xf32>
        %max3A_1139 = arith.maximumf %min3A_1074, %max3A_1137 : vector<16xf32>
        %min3A_1140 = arith.minimumf %min3A_1076, %max3A_1139 : vector<16xf32>
        %max3A_1141 = arith.maximumf %min3A_1076, %max3A_1139 : vector<16xf32>
        %min3A_1142 = arith.minimumf %min3A_1078, %max3A_1141 : vector<16xf32>
        %max3A_1143 = arith.maximumf %min3A_1078, %max3A_1141 : vector<16xf32>
        %min3A_1144 = arith.minimumf %min3A_1080, %max3A_1143 : vector<16xf32>
        %max3A_1145 = arith.maximumf %min3A_1080, %max3A_1143 : vector<16xf32>
        %min3A_1146 = arith.minimumf %min3A_1082, %max3A_1145 : vector<16xf32>
        %max3A_1147 = arith.maximumf %min3A_1082, %max3A_1145 : vector<16xf32>
        %min3A_1148 = arith.minimumf %min3A_1084, %max3A_1147 : vector<16xf32>
        %max3A_1149 = arith.maximumf %min3A_1084, %max3A_1147 : vector<16xf32>
        %add3A_1150 = arith.constant 15 : i32
        %add3A_1151 = arith.addi %while3A_172, %add3A_1150 : i32
        %mul3A_1152 = arith.constant 16 : i32
        %mul3A_1153 = arith.muli %add3A_1151, %mul3A_1152 : i32
        %get3A_1154 = arith.index_cast %mul3A_1153 : i32 to index
        %get3A_1155 = tpu.vector_load %arg6[%get3A_1154] {strides = array<i32>} : memref<10528xf32, #tpu.memory_space<vmem>>, vector<16xf32>,
        %get3A_1156 = arith.index_cast %mul3A_1153 : i32 to index
        %get3A_1157 = tpu.vector_load %arg7[%get3A_1156] {strides = array<i32>} : memref<10528xf32, #tpu.memory_space<vmem>>, vector<16xf32>,
        %get3A_1158 = arith.index_cast %mul3A_1153 : i32 to index
        %get3A_1159 = tpu.vector_load %arg8[%get3A_1158] {strides = array<i32>} : memref<10528xf32, #tpu.memory_space<vmem>>, vector<16xf32>,
        %sub3A_1160 = vector.broadcast %squeeze3A : f32 to vector<16xf32>
        %sub3A_1161 = arith.subf %get3A_1155, %sub3A_1160 : vector<16xf32>
        %sub3A_1162 = vector.broadcast %squeeze3A_26 : f32 to vector<16xf32>
        %sub3A_1163 = arith.subf %get3A_1157, %sub3A_1162 : vector<16xf32>
        %sub3A_1164 = vector.broadcast %squeeze3A_30 : f32 to vector<16xf32>
        %sub3A_1165 = arith.subf %get3A_1159, %sub3A_1164 : vector<16xf32>
        %mul3A_1166 = arith.mulf %sub3A_1161, %sub3A_1161 : vector<16xf32>
        %mul3A_1167 = arith.mulf %sub3A_1163, %sub3A_1163 : vector<16xf32>
        %add3A_1168 = arith.addf %mul3A_1166, %mul3A_1167 : vector<16xf32>
        %mul3A_1169 = arith.mulf %sub3A_1165, %sub3A_1165 : vector<16xf32>
        %add3A_1170 = arith.addf %add3A_1168, %mul3A_1169 : vector<16xf32>
        %sub3A_1171 = vector.broadcast %squeeze3A_24 : f32 to vector<16xf32>
        %sub3A_1172 = arith.subf %get3A_1155, %sub3A_1171 : vector<16xf32>
        %sub3A_1173 = vector.broadcast %squeeze3A_28 : f32 to vector<16xf32>
        %sub3A_1174 = arith.subf %get3A_1157, %sub3A_1173 : vector<16xf32>
        %sub3A_1175 = vector.broadcast %squeeze3A_32 : f32 to vector<16xf32>
        %sub3A_1176 = arith.subf %get3A_1159, %sub3A_1175 : vector<16xf32>
        %mul3A_1177 = arith.mulf %sub3A_1172, %sub3A_1172 : vector<16xf32>
        %mul3A_1178 = arith.mulf %sub3A_1174, %sub3A_1174 : vector<16xf32>
        %add3A_1179 = arith.addf %mul3A_1177, %mul3A_1178 : vector<16xf32>
        %mul3A_1180 = arith.mulf %sub3A_1176, %sub3A_1176 : vector<16xf32>
        %add3A_1181 = arith.addf %add3A_1179, %mul3A_1180 : vector<16xf32>
        %min3A_1182 = arith.minimumf %min3A_1118, %add3A_1170 : vector<16xf32>
        %max3A_1183 = arith.maximumf %min3A_1118, %add3A_1170 : vector<16xf32>
        %min3A_1184 = arith.minimumf %min3A_1120, %max3A_1183 : vector<16xf32>
        %max3A_1185 = arith.maximumf %min3A_1120, %max3A_1183 : vector<16xf32>
        %min3A_1186 = arith.minimumf %min3A_1122, %max3A_1185 : vector<16xf32>
        %max3A_1187 = arith.maximumf %min3A_1122, %max3A_1185 : vector<16xf32>
        %min3A_1188 = arith.minimumf %min3A_1124, %max3A_1187 : vector<16xf32>
        %max3A_1189 = arith.maximumf %min3A_1124, %max3A_1187 : vector<16xf32>
        %min3A_1190 = arith.minimumf %min3A_1126, %max3A_1189 : vector<16xf32>
        %max3A_1191 = arith.maximumf %min3A_1126, %max3A_1189 : vector<16xf32>
        %min3A_1192 = arith.minimumf %min3A_1128, %max3A_1191 : vector<16xf32>
        %max3A_1193 = arith.maximumf %min3A_1128, %max3A_1191 : vector<16xf32>
        %min3A_1194 = arith.minimumf %min3A_1130, %max3A_1193 : vector<16xf32>
        %max3A_1195 = arith.maximumf %min3A_1130, %max3A_1193 : vector<16xf32>
        %min3A_1196 = arith.minimumf %min3A_1132, %max3A_1195 : vector<16xf32>
        %max3A_1197 = arith.maximumf %min3A_1132, %max3A_1195 : vector<16xf32>
        %min3A_1198 = arith.minimumf %min3A_1134, %add3A_1181 : vector<16xf32>
        %max3A_1199 = arith.maximumf %min3A_1134, %add3A_1181 : vector<16xf32>
        %min3A_1200 = arith.minimumf %min3A_1136, %max3A_1199 : vector<16xf32>
        %max3A_1201 = arith.maximumf %min3A_1136, %max3A_1199 : vector<16xf32>
        %min3A_1202 = arith.minimumf %min3A_1138, %max3A_1201 : vector<16xf32>
        %max3A_1203 = arith.maximumf %min3A_1138, %max3A_1201 : vector<16xf32>
        %min3A_1204 = arith.minimumf %min3A_1140, %max3A_1203 : vector<16xf32>
        %max3A_1205 = arith.maximumf %min3A_1140, %max3A_1203 : vector<16xf32>
        %min3A_1206 = arith.minimumf %min3A_1142, %max3A_1205 : vector<16xf32>
        %max3A_1207 = arith.maximumf %min3A_1142, %max3A_1205 : vector<16xf32>
        %min3A_1208 = arith.minimumf %min3A_1144, %max3A_1207 : vector<16xf32>
        %max3A_1209 = arith.maximumf %min3A_1144, %max3A_1207 : vector<16xf32>
        %min3A_1210 = arith.minimumf %min3A_1146, %max3A_1209 : vector<16xf32>
        %max3A_1211 = arith.maximumf %min3A_1146, %max3A_1209 : vector<16xf32>
        %min3A_1212 = arith.minimumf %min3A_1148, %max3A_1211 : vector<16xf32>
        %max3A_1213 = arith.maximumf %min3A_1148, %max3A_1211 : vector<16xf32>
        %sort3A = arith.constant dense<true> : vector<16xi1>
        %sort3A_1214, %sort3A_1215, %sort3A_1216 = tpu.sort %min3A_1182, %min3A_1182 masked %sort3A : (vector<16xf32>, vector<16xf32>, vector<16xi1>) -> (vector<16xi1>, vector<16xf32>, vector<16xf32>)
        %sort3A_1217 = arith.constant dense<true> : vector<16xi1>
        %sort3A_1218, %sort3A_1219, %sort3A_1220 = tpu.sort %min3A_1184, %min3A_1184 masked %sort3A_1217 : (vector<16xf32>, vector<16xf32>, vector<16xi1>) -> (vector<16xi1>, vector<16xf32>, vector<16xf32>)
        %rev3A = arith.constant 15 : i32
        %rev3A_1221 = vector.broadcast %rev3A : i32 to vector<16xi32>
        %rev3A_1222 = tpu.iota {dimensions = array<i32: 0>} : vector<16xi32>
        %rev3A_1223 = arith.subi %rev3A_1221, %rev3A_1222 : vector<16xi32>
        %rev3A_1224 = tpu.dynamic_gather %sort3A_1219[%rev3A_1223] in [0] : vector<16xf32>, vector<16xi32> -> vector<16xf32>
        %min3A_1225 = arith.minimumf %sort3A_1215, %rev3A_1224 : vector<16xf32>
        %sort3A_1226 = arith.constant dense<true> : vector<16xi1>
        %sort3A_1227, %sort3A_1228, %sort3A_1229 = tpu.sort %min3A_1225, %min3A_1225 masked %sort3A_1226 : (vector<16xf32>, vector<16xf32>, vector<16xi1>) -> (vector<16xi1>, vector<16xf32>, vector<16xf32>)
        %slice3A_1230 = vector.extract_strided_slice %sort3A_1228 {offsets = [8], sizes = [1], strides = [1]} : vector<16xf32> to vector<1xf32>
        %squeeze3A_1231 = vector.extract %slice3A_1230[0] : f32 from vector<1xf32>
        %min3A_1232 = arith.minimumf %while3A_173, %squeeze3A_1231 : f32
        %sort3A_1233 = arith.constant dense<true> : vector<16xi1>
        %sort3A_1234, %sort3A_1235, %sort3A_1236 = tpu.sort %min3A_1198, %min3A_1198 masked %sort3A_1233 : (vector<16xf32>, vector<16xf32>, vector<16xi1>) -> (vector<16xi1>, vector<16xf32>, vector<16xf32>)
        %sort3A_1237 = arith.constant dense<true> : vector<16xi1>
        %sort3A_1238, %sort3A_1239, %sort3A_1240 = tpu.sort %min3A_1200, %min3A_1200 masked %sort3A_1237 : (vector<16xf32>, vector<16xf32>, vector<16xi1>) -> (vector<16xi1>, vector<16xf32>, vector<16xf32>)
        %rev3A_1241 = arith.constant 15 : i32
        %rev3A_1242 = vector.broadcast %rev3A_1241 : i32 to vector<16xi32>
        %rev3A_1243 = tpu.iota {dimensions = array<i32: 0>} : vector<16xi32>
        %rev3A_1244 = arith.subi %rev3A_1242, %rev3A_1243 : vector<16xi32>
        %rev3A_1245 = tpu.dynamic_gather %sort3A_1239[%rev3A_1244] in [0] : vector<16xf32>, vector<16xi32> -> vector<16xf32>
        %min3A_1246 = arith.minimumf %sort3A_1235, %rev3A_1245 : vector<16xf32>
        %sort3A_1247 = arith.constant dense<true> : vector<16xi1>
        %sort3A_1248, %sort3A_1249, %sort3A_1250 = tpu.sort %min3A_1246, %min3A_1246 masked %sort3A_1247 : (vector<16xf32>, vector<16xf32>, vector<16xi1>) -> (vector<16xi1>, vector<16xf32>, vector<16xf32>)
        %slice3A_1251 = vector.extract_strided_slice %sort3A_1249 {offsets = [8], sizes = [1], strides = [1]} : vector<16xf32> to vector<1xf32>
        %squeeze3A_1252 = vector.extract %slice3A_1251[0] : f32 from vector<1xf32>
        %min3A_1253 = arith.minimumf %while3A_174, %squeeze3A_1252 : f32
        %add3A_1254 = arith.constant 16 : i32
        %add3A_1255 = arith.addi %while3A_172, %add3A_1254 : i32
        scf.yield %add3A_1255, %min3A_1232, %min3A_1253, %min3A_1182, %min3A_1184, %min3A_1186, %min3A_1188, %min3A_1190, %min3A_1192, %min3A_1194, %min3A_1196, %min3A_1198, %min3A_1200, %min3A_1202, %min3A_1204, %min3A_1206, %min3A_1208, %min3A_1210, %min3A_1212 : i32, f32, f32, vector<16xf32>, vector<16xf32>, vector<16xf32>, vector<16xf32>, vector<16xf32>, vector<16xf32>, vector<16xf32>, vector<16xf32>, vector<16xf32>, vector<16xf32>, vector<16xf32>, vector<16xf32>, vector<16xf32>, vector<16xf32>, vector<16xf32>, vector<16xf32>
      }
      %sub3A_55 = arith.constant 16 : i32
      %sub3A_56 = arith.subi %select_n3A, %sub3A_55 : i32
      %while3A_57:19 = scf.while (%while3A_172 = %sub3A_56, %while3A_173 = %while3A_54#1, %while3A_174 = %while3A_54#2, %while3A_175 = %while3A_54#3, %while3A_176 = %while3A_54#4, %while3A_177 = %while3A_54#5, %while3A_178 = %while3A_54#6, %while3A_179 = %while3A_54#7, %while3A_180 = %while3A_54#8, %while3A_181 = %while3A_54#9, %while3A_182 = %while3A_54#10, %while3A_183 = %while3A_54#11, %while3A_184 = %while3A_54#12, %while3A_185 = %while3A_54#13, %while3A_186 = %while3A_54#14, %while3A_187 = %while3A_54#15, %while3A_188 = %while3A_54#16, %while3A_189 = %while3A_54#17, %while3A_190 = %while3A_54#18) : (i32, f32, f32, vector<16xf32>, vector<16xf32>, vector<16xf32>, vector<16xf32>, vector<16xf32>, vector<16xf32>, vector<16xf32>, vector<16xf32>, vector<16xf32>, vector<16xf32>, vector<16xf32>, vector<16xf32>, vector<16xf32>, vector<16xf32>, vector<16xf32>, vector<16xf32>) -> (i32, f32, f32, vector<16xf32>, vector<16xf32>, vector<16xf32>, vector<16xf32>, vector<16xf32>, vector<16xf32>, vector<16xf32>, vector<16xf32>, vector<16xf32>, vector<16xf32>, vector<16xf32>, vector<16xf32>, vector<16xf32>, vector<16xf32>, vector<16xf32>, vector<16xf32>) {
        %mul3A_191 = arith.constant 16 : i32
        %mul3A_192 = arith.muli %while3A_172, %mul3A_191 : i32
        %add3A_193 = arith.constant 255 : i32
        %add3A_194 = arith.addi %mul3A_192, %add3A_193 : i32
        %max3A = arith.constant 0 : i32
        %max3A_195 = arith.maxsi %add3A_194, %max3A : i32
        %get3A_196 = arith.index_cast %max3A_195 : i32 to index
        %get3A_197 = tpu.vector_load %arg6[%get3A_196] {strides = array<i32>} : memref<10528xf32, #tpu.memory_space<vmem>>, vector<16xf32>,
        %slice3A_198 = vector.extract_strided_slice %get3A_197 {offsets = [0], sizes = [1], strides = [1]} : vector<16xf32> to vector<1xf32>
        %squeeze3A_199 = vector.extract %slice3A_198[0] : f32 from vector<1xf32>
        %sub3A_200 = arith.subf %squeeze3A_199, %squeeze3A : f32
        %ge3A = arith.constant 0 : i32
        %ge3A_201 = arith.cmpi sge, %while3A_172, %ge3A : i32
        %mul3A_202 = arith.mulf %sub3A_200, %sub3A_200 : f32
        %max3A_203 = arith.maximumf %while3A_173, %while3A_174 : f32
        %le3A = arith.cmpf ole, %mul3A_202, %max3A_203 : f32
        %and3A_204 = arith.andi %ge3A_201, %le3A : i1
        scf.condition(%and3A_204) %while3A_172, %while3A_173, %while3A_174, %while3A_175, %while3A_176, %while3A_177, %while3A_178, %while3A_179, %while3A_180, %while3A_181, %while3A_182, %while3A_183, %while3A_184, %while3A_185, %while3A_186, %while3A_187, %while3A_188, %while3A_189, %while3A_190 : i32, f32, f32, vector<16xf32>, vector<16xf32>, vector<16xf32>, vector<16xf32>, vector<16xf32>, vector<16xf32>, vector<16xf32>, vector<16xf32>, vector<16xf32>, vector<16xf32>, vector<16xf32>, vector<16xf32>, vector<16xf32>, vector<16xf32>, vector<16xf32>, vector<16xf32>
      } do {
      ^bb0(%while3A_172: i32, %while3A_173: f32, %while3A_174: f32, %while3A_175: vector<16xf32>, %while3A_176: vector<16xf32>, %while3A_177: vector<16xf32>, %while3A_178: vector<16xf32>, %while3A_179: vector<16xf32>, %while3A_180: vector<16xf32>, %while3A_181: vector<16xf32>, %while3A_182: vector<16xf32>, %while3A_183: vector<16xf32>, %while3A_184: vector<16xf32>, %while3A_185: vector<16xf32>, %while3A_186: vector<16xf32>, %while3A_187: vector<16xf32>, %while3A_188: vector<16xf32>, %while3A_189: vector<16xf32>, %while3A_190: vector<16xf32>):
        %add3A_191 = arith.constant 0 : i32
        %add3A_192 = arith.addi %while3A_172, %add3A_191 : i32
        %mul3A_193 = arith.constant 16 : i32
        %mul3A_194 = arith.muli %add3A_192, %mul3A_193 : i32
        %get3A_195 = arith.index_cast %mul3A_194 : i32 to index
        %get3A_196 = tpu.vector_load %arg6[%get3A_195] {strides = array<i32>} : memref<10528xf32, #tpu.memory_space<vmem>>, vector<16xf32>,
        %get3A_197 = arith.index_cast %mul3A_194 : i32 to index
        %get3A_198 = tpu.vector_load %arg7[%get3A_197] {strides = array<i32>} : memref<10528xf32, #tpu.memory_space<vmem>>, vector<16xf32>,
        %get3A_199 = arith.index_cast %mul3A_194 : i32 to index
        %get3A_200 = tpu.vector_load %arg8[%get3A_199] {strides = array<i32>} : memref<10528xf32, #tpu.memory_space<vmem>>, vector<16xf32>,
        %sub3A_201 = vector.broadcast %squeeze3A : f32 to vector<16xf32>
        %sub3A_202 = arith.subf %get3A_196, %sub3A_201 : vector<16xf32>
        %sub3A_203 = vector.broadcast %squeeze3A_26 : f32 to vector<16xf32>
        %sub3A_204 = arith.subf %get3A_198, %sub3A_203 : vector<16xf32>
        %sub3A_205 = vector.broadcast %squeeze3A_30 : f32 to vector<16xf32>
        %sub3A_206 = arith.subf %get3A_200, %sub3A_205 : vector<16xf32>
        %mul3A_207 = arith.mulf %sub3A_202, %sub3A_202 : vector<16xf32>
        %mul3A_208 = arith.mulf %sub3A_204, %sub3A_204 : vector<16xf32>
        %add3A_209 = arith.addf %mul3A_207, %mul3A_208 : vector<16xf32>
        %mul3A_210 = arith.mulf %sub3A_206, %sub3A_206 : vector<16xf32>
        %add3A_211 = arith.addf %add3A_209, %mul3A_210 : vector<16xf32>
        %sub3A_212 = vector.broadcast %squeeze3A_24 : f32 to vector<16xf32>
        %sub3A_213 = arith.subf %get3A_196, %sub3A_212 : vector<16xf32>
        %sub3A_214 = vector.broadcast %squeeze3A_28 : f32 to vector<16xf32>
        %sub3A_215 = arith.subf %get3A_198, %sub3A_214 : vector<16xf32>
        %sub3A_216 = vector.broadcast %squeeze3A_32 : f32 to vector<16xf32>
        %sub3A_217 = arith.subf %get3A_200, %sub3A_216 : vector<16xf32>
        %mul3A_218 = arith.mulf %sub3A_213, %sub3A_213 : vector<16xf32>
        %mul3A_219 = arith.mulf %sub3A_215, %sub3A_215 : vector<16xf32>
        %add3A_220 = arith.addf %mul3A_218, %mul3A_219 : vector<16xf32>
        %mul3A_221 = arith.mulf %sub3A_217, %sub3A_217 : vector<16xf32>
        %add3A_222 = arith.addf %add3A_220, %mul3A_221 : vector<16xf32>
        %min3A_223 = arith.minimumf %while3A_175, %add3A_211 : vector<16xf32>
        %max3A = arith.maximumf %while3A_175, %add3A_211 : vector<16xf32>
        %min3A_224 = arith.minimumf %while3A_176, %max3A : vector<16xf32>
        %max3A_225 = arith.maximumf %while3A_176, %max3A : vector<16xf32>
        %min3A_226 = arith.minimumf %while3A_177, %max3A_225 : vector<16xf32>
        %max3A_227 = arith.maximumf %while3A_177, %max3A_225 : vector<16xf32>
        %min3A_228 = arith.minimumf %while3A_178, %max3A_227 : vector<16xf32>
        %max3A_229 = arith.maximumf %while3A_178, %max3A_227 : vector<16xf32>
        %min3A_230 = arith.minimumf %while3A_179, %max3A_229 : vector<16xf32>
        %max3A_231 = arith.maximumf %while3A_179, %max3A_229 : vector<16xf32>
        %min3A_232 = arith.minimumf %while3A_180, %max3A_231 : vector<16xf32>
        %max3A_233 = arith.maximumf %while3A_180, %max3A_231 : vector<16xf32>
        %min3A_234 = arith.minimumf %while3A_181, %max3A_233 : vector<16xf32>
        %max3A_235 = arith.maximumf %while3A_181, %max3A_233 : vector<16xf32>
        %min3A_236 = arith.minimumf %while3A_182, %max3A_235 : vector<16xf32>
        %max3A_237 = arith.maximumf %while3A_182, %max3A_235 : vector<16xf32>
        %min3A_238 = arith.minimumf %while3A_183, %add3A_222 : vector<16xf32>
        %max3A_239 = arith.maximumf %while3A_183, %add3A_222 : vector<16xf32>
        %min3A_240 = arith.minimumf %while3A_184, %max3A_239 : vector<16xf32>
        %max3A_241 = arith.maximumf %while3A_184, %max3A_239 : vector<16xf32>
        %min3A_242 = arith.minimumf %while3A_185, %max3A_241 : vector<16xf32>
        %max3A_243 = arith.maximumf %while3A_185, %max3A_241 : vector<16xf32>
        %min3A_244 = arith.minimumf %while3A_186, %max3A_243 : vector<16xf32>
        %max3A_245 = arith.maximumf %while3A_186, %max3A_243 : vector<16xf32>
        %min3A_246 = arith.minimumf %while3A_187, %max3A_245 : vector<16xf32>
        %max3A_247 = arith.maximumf %while3A_187, %max3A_245 : vector<16xf32>
        %min3A_248 = arith.minimumf %while3A_188, %max3A_247 : vector<16xf32>
        %max3A_249 = arith.maximumf %while3A_188, %max3A_247 : vector<16xf32>
        %min3A_250 = arith.minimumf %while3A_189, %max3A_249 : vector<16xf32>
        %max3A_251 = arith.maximumf %while3A_189, %max3A_249 : vector<16xf32>
        %min3A_252 = arith.minimumf %while3A_190, %max3A_251 : vector<16xf32>
        %max3A_253 = arith.maximumf %while3A_190, %max3A_251 : vector<16xf32>
        %add3A_254 = arith.constant 1 : i32
        %add3A_255 = arith.addi %while3A_172, %add3A_254 : i32
        %mul3A_256 = arith.constant 16 : i32
        %mul3A_257 = arith.muli %add3A_255, %mul3A_256 : i32
        %get3A_258 = arith.index_cast %mul3A_257 : i32 to index
        %get3A_259 = tpu.vector_load %arg6[%get3A_258] {strides = array<i32>} : memref<10528xf32, #tpu.memory_space<vmem>>, vector<16xf32>,
        %get3A_260 = arith.index_cast %mul3A_257 : i32 to index
        %get3A_261 = tpu.vector_load %arg7[%get3A_260] {strides = array<i32>} : memref<10528xf32, #tpu.memory_space<vmem>>, vector<16xf32>,
        %get3A_262 = arith.index_cast %mul3A_257 : i32 to index
        %get3A_263 = tpu.vector_load %arg8[%get3A_262] {strides = array<i32>} : memref<10528xf32, #tpu.memory_space<vmem>>, vector<16xf32>,
        %sub3A_264 = vector.broadcast %squeeze3A : f32 to vector<16xf32>
        %sub3A_265 = arith.subf %get3A_259, %sub3A_264 : vector<16xf32>
        %sub3A_266 = vector.broadcast %squeeze3A_26 : f32 to vector<16xf32>
        %sub3A_267 = arith.subf %get3A_261, %sub3A_266 : vector<16xf32>
        %sub3A_268 = vector.broadcast %squeeze3A_30 : f32 to vector<16xf32>
        %sub3A_269 = arith.subf %get3A_263, %sub3A_268 : vector<16xf32>
        %mul3A_270 = arith.mulf %sub3A_265, %sub3A_265 : vector<16xf32>
        %mul3A_271 = arith.mulf %sub3A_267, %sub3A_267 : vector<16xf32>
        %add3A_272 = arith.addf %mul3A_270, %mul3A_271 : vector<16xf32>
        %mul3A_273 = arith.mulf %sub3A_269, %sub3A_269 : vector<16xf32>
        %add3A_274 = arith.addf %add3A_272, %mul3A_273 : vector<16xf32>
        %sub3A_275 = vector.broadcast %squeeze3A_24 : f32 to vector<16xf32>
        %sub3A_276 = arith.subf %get3A_259, %sub3A_275 : vector<16xf32>
        %sub3A_277 = vector.broadcast %squeeze3A_28 : f32 to vector<16xf32>
        %sub3A_278 = arith.subf %get3A_261, %sub3A_277 : vector<16xf32>
        %sub3A_279 = vector.broadcast %squeeze3A_32 : f32 to vector<16xf32>
        %sub3A_280 = arith.subf %get3A_263, %sub3A_279 : vector<16xf32>
        %mul3A_281 = arith.mulf %sub3A_276, %sub3A_276 : vector<16xf32>
        %mul3A_282 = arith.mulf %sub3A_278, %sub3A_278 : vector<16xf32>
        %add3A_283 = arith.addf %mul3A_281, %mul3A_282 : vector<16xf32>
        %mul3A_284 = arith.mulf %sub3A_280, %sub3A_280 : vector<16xf32>
        %add3A_285 = arith.addf %add3A_283, %mul3A_284 : vector<16xf32>
        %min3A_286 = arith.minimumf %min3A_223, %add3A_274 : vector<16xf32>
        %max3A_287 = arith.maximumf %min3A_223, %add3A_274 : vector<16xf32>
        %min3A_288 = arith.minimumf %min3A_224, %max3A_287 : vector<16xf32>
        %max3A_289 = arith.maximumf %min3A_224, %max3A_287 : vector<16xf32>
        %min3A_290 = arith.minimumf %min3A_226, %max3A_289 : vector<16xf32>
        %max3A_291 = arith.maximumf %min3A_226, %max3A_289 : vector<16xf32>
        %min3A_292 = arith.minimumf %min3A_228, %max3A_291 : vector<16xf32>
        %max3A_293 = arith.maximumf %min3A_228, %max3A_291 : vector<16xf32>
        %min3A_294 = arith.minimumf %min3A_230, %max3A_293 : vector<16xf32>
        %max3A_295 = arith.maximumf %min3A_230, %max3A_293 : vector<16xf32>
        %min3A_296 = arith.minimumf %min3A_232, %max3A_295 : vector<16xf32>
        %max3A_297 = arith.maximumf %min3A_232, %max3A_295 : vector<16xf32>
        %min3A_298 = arith.minimumf %min3A_234, %max3A_297 : vector<16xf32>
        %max3A_299 = arith.maximumf %min3A_234, %max3A_297 : vector<16xf32>
        %min3A_300 = arith.minimumf %min3A_236, %max3A_299 : vector<16xf32>
        %max3A_301 = arith.maximumf %min3A_236, %max3A_299 : vector<16xf32>
        %min3A_302 = arith.minimumf %min3A_238, %add3A_285 : vector<16xf32>
        %max3A_303 = arith.maximumf %min3A_238, %add3A_285 : vector<16xf32>
        %min3A_304 = arith.minimumf %min3A_240, %max3A_303 : vector<16xf32>
        %max3A_305 = arith.maximumf %min3A_240, %max3A_303 : vector<16xf32>
        %min3A_306 = arith.minimumf %min3A_242, %max3A_305 : vector<16xf32>
        %max3A_307 = arith.maximumf %min3A_242, %max3A_305 : vector<16xf32>
        %min3A_308 = arith.minimumf %min3A_244, %max3A_307 : vector<16xf32>
        %max3A_309 = arith.maximumf %min3A_244, %max3A_307 : vector<16xf32>
        %min3A_310 = arith.minimumf %min3A_246, %max3A_309 : vector<16xf32>
        %max3A_311 = arith.maximumf %min3A_246, %max3A_309 : vector<16xf32>
        %min3A_312 = arith.minimumf %min3A_248, %max3A_311 : vector<16xf32>
        %max3A_313 = arith.maximumf %min3A_248, %max3A_311 : vector<16xf32>
        %min3A_314 = arith.minimumf %min3A_250, %max3A_313 : vector<16xf32>
        %max3A_315 = arith.maximumf %min3A_250, %max3A_313 : vector<16xf32>
        %min3A_316 = arith.minimumf %min3A_252, %max3A_315 : vector<16xf32>
        %max3A_317 = arith.maximumf %min3A_252, %max3A_315 : vector<16xf32>
        %add3A_318 = arith.constant 2 : i32
        %add3A_319 = arith.addi %while3A_172, %add3A_318 : i32
        %mul3A_320 = arith.constant 16 : i32
        %mul3A_321 = arith.muli %add3A_319, %mul3A_320 : i32
        %get3A_322 = arith.index_cast %mul3A_321 : i32 to index
        %get3A_323 = tpu.vector_load %arg6[%get3A_322] {strides = array<i32>} : memref<10528xf32, #tpu.memory_space<vmem>>, vector<16xf32>,
        %get3A_324 = arith.index_cast %mul3A_321 : i32 to index
        %get3A_325 = tpu.vector_load %arg7[%get3A_324] {strides = array<i32>} : memref<10528xf32, #tpu.memory_space<vmem>>, vector<16xf32>,
        %get3A_326 = arith.index_cast %mul3A_321 : i32 to index
        %get3A_327 = tpu.vector_load %arg8[%get3A_326] {strides = array<i32>} : memref<10528xf32, #tpu.memory_space<vmem>>, vector<16xf32>,
        %sub3A_328 = vector.broadcast %squeeze3A : f32 to vector<16xf32>
        %sub3A_329 = arith.subf %get3A_323, %sub3A_328 : vector<16xf32>
        %sub3A_330 = vector.broadcast %squeeze3A_26 : f32 to vector<16xf32>
        %sub3A_331 = arith.subf %get3A_325, %sub3A_330 : vector<16xf32>
        %sub3A_332 = vector.broadcast %squeeze3A_30 : f32 to vector<16xf32>
        %sub3A_333 = arith.subf %get3A_327, %sub3A_332 : vector<16xf32>
        %mul3A_334 = arith.mulf %sub3A_329, %sub3A_329 : vector<16xf32>
        %mul3A_335 = arith.mulf %sub3A_331, %sub3A_331 : vector<16xf32>
        %add3A_336 = arith.addf %mul3A_334, %mul3A_335 : vector<16xf32>
        %mul3A_337 = arith.mulf %sub3A_333, %sub3A_333 : vector<16xf32>
        %add3A_338 = arith.addf %add3A_336, %mul3A_337 : vector<16xf32>
        %sub3A_339 = vector.broadcast %squeeze3A_24 : f32 to vector<16xf32>
        %sub3A_340 = arith.subf %get3A_323, %sub3A_339 : vector<16xf32>
        %sub3A_341 = vector.broadcast %squeeze3A_28 : f32 to vector<16xf32>
        %sub3A_342 = arith.subf %get3A_325, %sub3A_341 : vector<16xf32>
        %sub3A_343 = vector.broadcast %squeeze3A_32 : f32 to vector<16xf32>
        %sub3A_344 = arith.subf %get3A_327, %sub3A_343 : vector<16xf32>
        %mul3A_345 = arith.mulf %sub3A_340, %sub3A_340 : vector<16xf32>
        %mul3A_346 = arith.mulf %sub3A_342, %sub3A_342 : vector<16xf32>
        %add3A_347 = arith.addf %mul3A_345, %mul3A_346 : vector<16xf32>
        %mul3A_348 = arith.mulf %sub3A_344, %sub3A_344 : vector<16xf32>
        %add3A_349 = arith.addf %add3A_347, %mul3A_348 : vector<16xf32>
        %min3A_350 = arith.minimumf %min3A_286, %add3A_338 : vector<16xf32>
        %max3A_351 = arith.maximumf %min3A_286, %add3A_338 : vector<16xf32>
        %min3A_352 = arith.minimumf %min3A_288, %max3A_351 : vector<16xf32>
        %max3A_353 = arith.maximumf %min3A_288, %max3A_351 : vector<16xf32>
        %min3A_354 = arith.minimumf %min3A_290, %max3A_353 : vector<16xf32>
        %max3A_355 = arith.maximumf %min3A_290, %max3A_353 : vector<16xf32>
        %min3A_356 = arith.minimumf %min3A_292, %max3A_355 : vector<16xf32>
        %max3A_357 = arith.maximumf %min3A_292, %max3A_355 : vector<16xf32>
        %min3A_358 = arith.minimumf %min3A_294, %max3A_357 : vector<16xf32>
        %max3A_359 = arith.maximumf %min3A_294, %max3A_357 : vector<16xf32>
        %min3A_360 = arith.minimumf %min3A_296, %max3A_359 : vector<16xf32>
        %max3A_361 = arith.maximumf %min3A_296, %max3A_359 : vector<16xf32>
        %min3A_362 = arith.minimumf %min3A_298, %max3A_361 : vector<16xf32>
        %max3A_363 = arith.maximumf %min3A_298, %max3A_361 : vector<16xf32>
        %min3A_364 = arith.minimumf %min3A_300, %max3A_363 : vector<16xf32>
        %max3A_365 = arith.maximumf %min3A_300, %max3A_363 : vector<16xf32>
        %min3A_366 = arith.minimumf %min3A_302, %add3A_349 : vector<16xf32>
        %max3A_367 = arith.maximumf %min3A_302, %add3A_349 : vector<16xf32>
        %min3A_368 = arith.minimumf %min3A_304, %max3A_367 : vector<16xf32>
        %max3A_369 = arith.maximumf %min3A_304, %max3A_367 : vector<16xf32>
        %min3A_370 = arith.minimumf %min3A_306, %max3A_369 : vector<16xf32>
        %max3A_371 = arith.maximumf %min3A_306, %max3A_369 : vector<16xf32>
        %min3A_372 = arith.minimumf %min3A_308, %max3A_371 : vector<16xf32>
        %max3A_373 = arith.maximumf %min3A_308, %max3A_371 : vector<16xf32>
        %min3A_374 = arith.minimumf %min3A_310, %max3A_373 : vector<16xf32>
        %max3A_375 = arith.maximumf %min3A_310, %max3A_373 : vector<16xf32>
        %min3A_376 = arith.minimumf %min3A_312, %max3A_375 : vector<16xf32>
        %max3A_377 = arith.maximumf %min3A_312, %max3A_375 : vector<16xf32>
        %min3A_378 = arith.minimumf %min3A_314, %max3A_377 : vector<16xf32>
        %max3A_379 = arith.maximumf %min3A_314, %max3A_377 : vector<16xf32>
        %min3A_380 = arith.minimumf %min3A_316, %max3A_379 : vector<16xf32>
        %max3A_381 = arith.maximumf %min3A_316, %max3A_379 : vector<16xf32>
        %add3A_382 = arith.constant 3 : i32
        %add3A_383 = arith.addi %while3A_172, %add3A_382 : i32
        %mul3A_384 = arith.constant 16 : i32
        %mul3A_385 = arith.muli %add3A_383, %mul3A_384 : i32
        %get3A_386 = arith.index_cast %mul3A_385 : i32 to index
        %get3A_387 = tpu.vector_load %arg6[%get3A_386] {strides = array<i32>} : memref<10528xf32, #tpu.memory_space<vmem>>, vector<16xf32>,
        %get3A_388 = arith.index_cast %mul3A_385 : i32 to index
        %get3A_389 = tpu.vector_load %arg7[%get3A_388] {strides = array<i32>} : memref<10528xf32, #tpu.memory_space<vmem>>, vector<16xf32>,
        %get3A_390 = arith.index_cast %mul3A_385 : i32 to index
        %get3A_391 = tpu.vector_load %arg8[%get3A_390] {strides = array<i32>} : memref<10528xf32, #tpu.memory_space<vmem>>, vector<16xf32>,
        %sub3A_392 = vector.broadcast %squeeze3A : f32 to vector<16xf32>
        %sub3A_393 = arith.subf %get3A_387, %sub3A_392 : vector<16xf32>
        %sub3A_394 = vector.broadcast %squeeze3A_26 : f32 to vector<16xf32>
        %sub3A_395 = arith.subf %get3A_389, %sub3A_394 : vector<16xf32>
        %sub3A_396 = vector.broadcast %squeeze3A_30 : f32 to vector<16xf32>
        %sub3A_397 = arith.subf %get3A_391, %sub3A_396 : vector<16xf32>
        %mul3A_398 = arith.mulf %sub3A_393, %sub3A_393 : vector<16xf32>
        %mul3A_399 = arith.mulf %sub3A_395, %sub3A_395 : vector<16xf32>
        %add3A_400 = arith.addf %mul3A_398, %mul3A_399 : vector<16xf32>
        %mul3A_401 = arith.mulf %sub3A_397, %sub3A_397 : vector<16xf32>
        %add3A_402 = arith.addf %add3A_400, %mul3A_401 : vector<16xf32>
        %sub3A_403 = vector.broadcast %squeeze3A_24 : f32 to vector<16xf32>
        %sub3A_404 = arith.subf %get3A_387, %sub3A_403 : vector<16xf32>
        %sub3A_405 = vector.broadcast %squeeze3A_28 : f32 to vector<16xf32>
        %sub3A_406 = arith.subf %get3A_389, %sub3A_405 : vector<16xf32>
        %sub3A_407 = vector.broadcast %squeeze3A_32 : f32 to vector<16xf32>
        %sub3A_408 = arith.subf %get3A_391, %sub3A_407 : vector<16xf32>
        %mul3A_409 = arith.mulf %sub3A_404, %sub3A_404 : vector<16xf32>
        %mul3A_410 = arith.mulf %sub3A_406, %sub3A_406 : vector<16xf32>
        %add3A_411 = arith.addf %mul3A_409, %mul3A_410 : vector<16xf32>
        %mul3A_412 = arith.mulf %sub3A_408, %sub3A_408 : vector<16xf32>
        %add3A_413 = arith.addf %add3A_411, %mul3A_412 : vector<16xf32>
        %min3A_414 = arith.minimumf %min3A_350, %add3A_402 : vector<16xf32>
        %max3A_415 = arith.maximumf %min3A_350, %add3A_402 : vector<16xf32>
        %min3A_416 = arith.minimumf %min3A_352, %max3A_415 : vector<16xf32>
        %max3A_417 = arith.maximumf %min3A_352, %max3A_415 : vector<16xf32>
        %min3A_418 = arith.minimumf %min3A_354, %max3A_417 : vector<16xf32>
        %max3A_419 = arith.maximumf %min3A_354, %max3A_417 : vector<16xf32>
        %min3A_420 = arith.minimumf %min3A_356, %max3A_419 : vector<16xf32>
        %max3A_421 = arith.maximumf %min3A_356, %max3A_419 : vector<16xf32>
        %min3A_422 = arith.minimumf %min3A_358, %max3A_421 : vector<16xf32>
        %max3A_423 = arith.maximumf %min3A_358, %max3A_421 : vector<16xf32>
        %min3A_424 = arith.minimumf %min3A_360, %max3A_423 : vector<16xf32>
        %max3A_425 = arith.maximumf %min3A_360, %max3A_423 : vector<16xf32>
        %min3A_426 = arith.minimumf %min3A_362, %max3A_425 : vector<16xf32>
        %max3A_427 = arith.maximumf %min3A_362, %max3A_425 : vector<16xf32>
        %min3A_428 = arith.minimumf %min3A_364, %max3A_427 : vector<16xf32>
        %max3A_429 = arith.maximumf %min3A_364, %max3A_427 : vector<16xf32>
        %min3A_430 = arith.minimumf %min3A_366, %add3A_413 : vector<16xf32>
        %max3A_431 = arith.maximumf %min3A_366, %add3A_413 : vector<16xf32>
        %min3A_432 = arith.minimumf %min3A_368, %max3A_431 : vector<16xf32>
        %max3A_433 = arith.maximumf %min3A_368, %max3A_431 : vector<16xf32>
        %min3A_434 = arith.minimumf %min3A_370, %max3A_433 : vector<16xf32>
        %max3A_435 = arith.maximumf %min3A_370, %max3A_433 : vector<16xf32>
        %min3A_436 = arith.minimumf %min3A_372, %max3A_435 : vector<16xf32>
        %max3A_437 = arith.maximumf %min3A_372, %max3A_435 : vector<16xf32>
        %min3A_438 = arith.minimumf %min3A_374, %max3A_437 : vector<16xf32>
        %max3A_439 = arith.maximumf %min3A_374, %max3A_437 : vector<16xf32>
        %min3A_440 = arith.minimumf %min3A_376, %max3A_439 : vector<16xf32>
        %max3A_441 = arith.maximumf %min3A_376, %max3A_439 : vector<16xf32>
        %min3A_442 = arith.minimumf %min3A_378, %max3A_441 : vector<16xf32>
        %max3A_443 = arith.maximumf %min3A_378, %max3A_441 : vector<16xf32>
        %min3A_444 = arith.minimumf %min3A_380, %max3A_443 : vector<16xf32>
        %max3A_445 = arith.maximumf %min3A_380, %max3A_443 : vector<16xf32>
        %add3A_446 = arith.constant 4 : i32
        %add3A_447 = arith.addi %while3A_172, %add3A_446 : i32
        %mul3A_448 = arith.constant 16 : i32
        %mul3A_449 = arith.muli %add3A_447, %mul3A_448 : i32
        %get3A_450 = arith.index_cast %mul3A_449 : i32 to index
        %get3A_451 = tpu.vector_load %arg6[%get3A_450] {strides = array<i32>} : memref<10528xf32, #tpu.memory_space<vmem>>, vector<16xf32>,
        %get3A_452 = arith.index_cast %mul3A_449 : i32 to index
        %get3A_453 = tpu.vector_load %arg7[%get3A_452] {strides = array<i32>} : memref<10528xf32, #tpu.memory_space<vmem>>, vector<16xf32>,
        %get3A_454 = arith.index_cast %mul3A_449 : i32 to index
        %get3A_455 = tpu.vector_load %arg8[%get3A_454] {strides = array<i32>} : memref<10528xf32, #tpu.memory_space<vmem>>, vector<16xf32>,
        %sub3A_456 = vector.broadcast %squeeze3A : f32 to vector<16xf32>
        %sub3A_457 = arith.subf %get3A_451, %sub3A_456 : vector<16xf32>
        %sub3A_458 = vector.broadcast %squeeze3A_26 : f32 to vector<16xf32>
        %sub3A_459 = arith.subf %get3A_453, %sub3A_458 : vector<16xf32>
        %sub3A_460 = vector.broadcast %squeeze3A_30 : f32 to vector<16xf32>
        %sub3A_461 = arith.subf %get3A_455, %sub3A_460 : vector<16xf32>
        %mul3A_462 = arith.mulf %sub3A_457, %sub3A_457 : vector<16xf32>
        %mul3A_463 = arith.mulf %sub3A_459, %sub3A_459 : vector<16xf32>
        %add3A_464 = arith.addf %mul3A_462, %mul3A_463 : vector<16xf32>
        %mul3A_465 = arith.mulf %sub3A_461, %sub3A_461 : vector<16xf32>
        %add3A_466 = arith.addf %add3A_464, %mul3A_465 : vector<16xf32>
        %sub3A_467 = vector.broadcast %squeeze3A_24 : f32 to vector<16xf32>
        %sub3A_468 = arith.subf %get3A_451, %sub3A_467 : vector<16xf32>
        %sub3A_469 = vector.broadcast %squeeze3A_28 : f32 to vector<16xf32>
        %sub3A_470 = arith.subf %get3A_453, %sub3A_469 : vector<16xf32>
        %sub3A_471 = vector.broadcast %squeeze3A_32 : f32 to vector<16xf32>
        %sub3A_472 = arith.subf %get3A_455, %sub3A_471 : vector<16xf32>
        %mul3A_473 = arith.mulf %sub3A_468, %sub3A_468 : vector<16xf32>
        %mul3A_474 = arith.mulf %sub3A_470, %sub3A_470 : vector<16xf32>
        %add3A_475 = arith.addf %mul3A_473, %mul3A_474 : vector<16xf32>
        %mul3A_476 = arith.mulf %sub3A_472, %sub3A_472 : vector<16xf32>
        %add3A_477 = arith.addf %add3A_475, %mul3A_476 : vector<16xf32>
        %min3A_478 = arith.minimumf %min3A_414, %add3A_466 : vector<16xf32>
        %max3A_479 = arith.maximumf %min3A_414, %add3A_466 : vector<16xf32>
        %min3A_480 = arith.minimumf %min3A_416, %max3A_479 : vector<16xf32>
        %max3A_481 = arith.maximumf %min3A_416, %max3A_479 : vector<16xf32>
        %min3A_482 = arith.minimumf %min3A_418, %max3A_481 : vector<16xf32>
        %max3A_483 = arith.maximumf %min3A_418, %max3A_481 : vector<16xf32>
        %min3A_484 = arith.minimumf %min3A_420, %max3A_483 : vector<16xf32>
        %max3A_485 = arith.maximumf %min3A_420, %max3A_483 : vector<16xf32>
        %min3A_486 = arith.minimumf %min3A_422, %max3A_485 : vector<16xf32>
        %max3A_487 = arith.maximumf %min3A_422, %max3A_485 : vector<16xf32>
        %min3A_488 = arith.minimumf %min3A_424, %max3A_487 : vector<16xf32>
        %max3A_489 = arith.maximumf %min3A_424, %max3A_487 : vector<16xf32>
        %min3A_490 = arith.minimumf %min3A_426, %max3A_489 : vector<16xf32>
        %max3A_491 = arith.maximumf %min3A_426, %max3A_489 : vector<16xf32>
        %min3A_492 = arith.minimumf %min3A_428, %max3A_491 : vector<16xf32>
        %max3A_493 = arith.maximumf %min3A_428, %max3A_491 : vector<16xf32>
        %min3A_494 = arith.minimumf %min3A_430, %add3A_477 : vector<16xf32>
        %max3A_495 = arith.maximumf %min3A_430, %add3A_477 : vector<16xf32>
        %min3A_496 = arith.minimumf %min3A_432, %max3A_495 : vector<16xf32>
        %max3A_497 = arith.maximumf %min3A_432, %max3A_495 : vector<16xf32>
        %min3A_498 = arith.minimumf %min3A_434, %max3A_497 : vector<16xf32>
        %max3A_499 = arith.maximumf %min3A_434, %max3A_497 : vector<16xf32>
        %min3A_500 = arith.minimumf %min3A_436, %max3A_499 : vector<16xf32>
        %max3A_501 = arith.maximumf %min3A_436, %max3A_499 : vector<16xf32>
        %min3A_502 = arith.minimumf %min3A_438, %max3A_501 : vector<16xf32>
        %max3A_503 = arith.maximumf %min3A_438, %max3A_501 : vector<16xf32>
        %min3A_504 = arith.minimumf %min3A_440, %max3A_503 : vector<16xf32>
        %max3A_505 = arith.maximumf %min3A_440, %max3A_503 : vector<16xf32>
        %min3A_506 = arith.minimumf %min3A_442, %max3A_505 : vector<16xf32>
        %max3A_507 = arith.maximumf %min3A_442, %max3A_505 : vector<16xf32>
        %min3A_508 = arith.minimumf %min3A_444, %max3A_507 : vector<16xf32>
        %max3A_509 = arith.maximumf %min3A_444, %max3A_507 : vector<16xf32>
        %add3A_510 = arith.constant 5 : i32
        %add3A_511 = arith.addi %while3A_172, %add3A_510 : i32
        %mul3A_512 = arith.constant 16 : i32
        %mul3A_513 = arith.muli %add3A_511, %mul3A_512 : i32
        %get3A_514 = arith.index_cast %mul3A_513 : i32 to index
        %get3A_515 = tpu.vector_load %arg6[%get3A_514] {strides = array<i32>} : memref<10528xf32, #tpu.memory_space<vmem>>, vector<16xf32>,
        %get3A_516 = arith.index_cast %mul3A_513 : i32 to index
        %get3A_517 = tpu.vector_load %arg7[%get3A_516] {strides = array<i32>} : memref<10528xf32, #tpu.memory_space<vmem>>, vector<16xf32>,
        %get3A_518 = arith.index_cast %mul3A_513 : i32 to index
        %get3A_519 = tpu.vector_load %arg8[%get3A_518] {strides = array<i32>} : memref<10528xf32, #tpu.memory_space<vmem>>, vector<16xf32>,
        %sub3A_520 = vector.broadcast %squeeze3A : f32 to vector<16xf32>
        %sub3A_521 = arith.subf %get3A_515, %sub3A_520 : vector<16xf32>
        %sub3A_522 = vector.broadcast %squeeze3A_26 : f32 to vector<16xf32>
        %sub3A_523 = arith.subf %get3A_517, %sub3A_522 : vector<16xf32>
        %sub3A_524 = vector.broadcast %squeeze3A_30 : f32 to vector<16xf32>
        %sub3A_525 = arith.subf %get3A_519, %sub3A_524 : vector<16xf32>
        %mul3A_526 = arith.mulf %sub3A_521, %sub3A_521 : vector<16xf32>
        %mul3A_527 = arith.mulf %sub3A_523, %sub3A_523 : vector<16xf32>
        %add3A_528 = arith.addf %mul3A_526, %mul3A_527 : vector<16xf32>
        %mul3A_529 = arith.mulf %sub3A_525, %sub3A_525 : vector<16xf32>
        %add3A_530 = arith.addf %add3A_528, %mul3A_529 : vector<16xf32>
        %sub3A_531 = vector.broadcast %squeeze3A_24 : f32 to vector<16xf32>
        %sub3A_532 = arith.subf %get3A_515, %sub3A_531 : vector<16xf32>
        %sub3A_533 = vector.broadcast %squeeze3A_28 : f32 to vector<16xf32>
        %sub3A_534 = arith.subf %get3A_517, %sub3A_533 : vector<16xf32>
        %sub3A_535 = vector.broadcast %squeeze3A_32 : f32 to vector<16xf32>
        %sub3A_536 = arith.subf %get3A_519, %sub3A_535 : vector<16xf32>
        %mul3A_537 = arith.mulf %sub3A_532, %sub3A_532 : vector<16xf32>
        %mul3A_538 = arith.mulf %sub3A_534, %sub3A_534 : vector<16xf32>
        %add3A_539 = arith.addf %mul3A_537, %mul3A_538 : vector<16xf32>
        %mul3A_540 = arith.mulf %sub3A_536, %sub3A_536 : vector<16xf32>
        %add3A_541 = arith.addf %add3A_539, %mul3A_540 : vector<16xf32>
        %min3A_542 = arith.minimumf %min3A_478, %add3A_530 : vector<16xf32>
        %max3A_543 = arith.maximumf %min3A_478, %add3A_530 : vector<16xf32>
        %min3A_544 = arith.minimumf %min3A_480, %max3A_543 : vector<16xf32>
        %max3A_545 = arith.maximumf %min3A_480, %max3A_543 : vector<16xf32>
        %min3A_546 = arith.minimumf %min3A_482, %max3A_545 : vector<16xf32>
        %max3A_547 = arith.maximumf %min3A_482, %max3A_545 : vector<16xf32>
        %min3A_548 = arith.minimumf %min3A_484, %max3A_547 : vector<16xf32>
        %max3A_549 = arith.maximumf %min3A_484, %max3A_547 : vector<16xf32>
        %min3A_550 = arith.minimumf %min3A_486, %max3A_549 : vector<16xf32>
        %max3A_551 = arith.maximumf %min3A_486, %max3A_549 : vector<16xf32>
        %min3A_552 = arith.minimumf %min3A_488, %max3A_551 : vector<16xf32>
        %max3A_553 = arith.maximumf %min3A_488, %max3A_551 : vector<16xf32>
        %min3A_554 = arith.minimumf %min3A_490, %max3A_553 : vector<16xf32>
        %max3A_555 = arith.maximumf %min3A_490, %max3A_553 : vector<16xf32>
        %min3A_556 = arith.minimumf %min3A_492, %max3A_555 : vector<16xf32>
        %max3A_557 = arith.maximumf %min3A_492, %max3A_555 : vector<16xf32>
        %min3A_558 = arith.minimumf %min3A_494, %add3A_541 : vector<16xf32>
        %max3A_559 = arith.maximumf %min3A_494, %add3A_541 : vector<16xf32>
        %min3A_560 = arith.minimumf %min3A_496, %max3A_559 : vector<16xf32>
        %max3A_561 = arith.maximumf %min3A_496, %max3A_559 : vector<16xf32>
        %min3A_562 = arith.minimumf %min3A_498, %max3A_561 : vector<16xf32>
        %max3A_563 = arith.maximumf %min3A_498, %max3A_561 : vector<16xf32>
        %min3A_564 = arith.minimumf %min3A_500, %max3A_563 : vector<16xf32>
        %max3A_565 = arith.maximumf %min3A_500, %max3A_563 : vector<16xf32>
        %min3A_566 = arith.minimumf %min3A_502, %max3A_565 : vector<16xf32>
        %max3A_567 = arith.maximumf %min3A_502, %max3A_565 : vector<16xf32>
        %min3A_568 = arith.minimumf %min3A_504, %max3A_567 : vector<16xf32>
        %max3A_569 = arith.maximumf %min3A_504, %max3A_567 : vector<16xf32>
        %min3A_570 = arith.minimumf %min3A_506, %max3A_569 : vector<16xf32>
        %max3A_571 = arith.maximumf %min3A_506, %max3A_569 : vector<16xf32>
        %min3A_572 = arith.minimumf %min3A_508, %max3A_571 : vector<16xf32>
        %max3A_573 = arith.maximumf %min3A_508, %max3A_571 : vector<16xf32>
        %add3A_574 = arith.constant 6 : i32
        %add3A_575 = arith.addi %while3A_172, %add3A_574 : i32
        %mul3A_576 = arith.constant 16 : i32
        %mul3A_577 = arith.muli %add3A_575, %mul3A_576 : i32
        %get3A_578 = arith.index_cast %mul3A_577 : i32 to index
        %get3A_579 = tpu.vector_load %arg6[%get3A_578] {strides = array<i32>} : memref<10528xf32, #tpu.memory_space<vmem>>, vector<16xf32>,
        %get3A_580 = arith.index_cast %mul3A_577 : i32 to index
        %get3A_581 = tpu.vector_load %arg7[%get3A_580] {strides = array<i32>} : memref<10528xf32, #tpu.memory_space<vmem>>, vector<16xf32>,
        %get3A_582 = arith.index_cast %mul3A_577 : i32 to index
        %get3A_583 = tpu.vector_load %arg8[%get3A_582] {strides = array<i32>} : memref<10528xf32, #tpu.memory_space<vmem>>, vector<16xf32>,
        %sub3A_584 = vector.broadcast %squeeze3A : f32 to vector<16xf32>
        %sub3A_585 = arith.subf %get3A_579, %sub3A_584 : vector<16xf32>
        %sub3A_586 = vector.broadcast %squeeze3A_26 : f32 to vector<16xf32>
        %sub3A_587 = arith.subf %get3A_581, %sub3A_586 : vector<16xf32>
        %sub3A_588 = vector.broadcast %squeeze3A_30 : f32 to vector<16xf32>
        %sub3A_589 = arith.subf %get3A_583, %sub3A_588 : vector<16xf32>
        %mul3A_590 = arith.mulf %sub3A_585, %sub3A_585 : vector<16xf32>
        %mul3A_591 = arith.mulf %sub3A_587, %sub3A_587 : vector<16xf32>
        %add3A_592 = arith.addf %mul3A_590, %mul3A_591 : vector<16xf32>
        %mul3A_593 = arith.mulf %sub3A_589, %sub3A_589 : vector<16xf32>
        %add3A_594 = arith.addf %add3A_592, %mul3A_593 : vector<16xf32>
        %sub3A_595 = vector.broadcast %squeeze3A_24 : f32 to vector<16xf32>
        %sub3A_596 = arith.subf %get3A_579, %sub3A_595 : vector<16xf32>
        %sub3A_597 = vector.broadcast %squeeze3A_28 : f32 to vector<16xf32>
        %sub3A_598 = arith.subf %get3A_581, %sub3A_597 : vector<16xf32>
        %sub3A_599 = vector.broadcast %squeeze3A_32 : f32 to vector<16xf32>
        %sub3A_600 = arith.subf %get3A_583, %sub3A_599 : vector<16xf32>
        %mul3A_601 = arith.mulf %sub3A_596, %sub3A_596 : vector<16xf32>
        %mul3A_602 = arith.mulf %sub3A_598, %sub3A_598 : vector<16xf32>
        %add3A_603 = arith.addf %mul3A_601, %mul3A_602 : vector<16xf32>
        %mul3A_604 = arith.mulf %sub3A_600, %sub3A_600 : vector<16xf32>
        %add3A_605 = arith.addf %add3A_603, %mul3A_604 : vector<16xf32>
        %min3A_606 = arith.minimumf %min3A_542, %add3A_594 : vector<16xf32>
        %max3A_607 = arith.maximumf %min3A_542, %add3A_594 : vector<16xf32>
        %min3A_608 = arith.minimumf %min3A_544, %max3A_607 : vector<16xf32>
        %max3A_609 = arith.maximumf %min3A_544, %max3A_607 : vector<16xf32>
        %min3A_610 = arith.minimumf %min3A_546, %max3A_609 : vector<16xf32>
        %max3A_611 = arith.maximumf %min3A_546, %max3A_609 : vector<16xf32>
        %min3A_612 = arith.minimumf %min3A_548, %max3A_611 : vector<16xf32>
        %max3A_613 = arith.maximumf %min3A_548, %max3A_611 : vector<16xf32>
        %min3A_614 = arith.minimumf %min3A_550, %max3A_613 : vector<16xf32>
        %max3A_615 = arith.maximumf %min3A_550, %max3A_613 : vector<16xf32>
        %min3A_616 = arith.minimumf %min3A_552, %max3A_615 : vector<16xf32>
        %max3A_617 = arith.maximumf %min3A_552, %max3A_615 : vector<16xf32>
        %min3A_618 = arith.minimumf %min3A_554, %max3A_617 : vector<16xf32>
        %max3A_619 = arith.maximumf %min3A_554, %max3A_617 : vector<16xf32>
        %min3A_620 = arith.minimumf %min3A_556, %max3A_619 : vector<16xf32>
        %max3A_621 = arith.maximumf %min3A_556, %max3A_619 : vector<16xf32>
        %min3A_622 = arith.minimumf %min3A_558, %add3A_605 : vector<16xf32>
        %max3A_623 = arith.maximumf %min3A_558, %add3A_605 : vector<16xf32>
        %min3A_624 = arith.minimumf %min3A_560, %max3A_623 : vector<16xf32>
        %max3A_625 = arith.maximumf %min3A_560, %max3A_623 : vector<16xf32>
        %min3A_626 = arith.minimumf %min3A_562, %max3A_625 : vector<16xf32>
        %max3A_627 = arith.maximumf %min3A_562, %max3A_625 : vector<16xf32>
        %min3A_628 = arith.minimumf %min3A_564, %max3A_627 : vector<16xf32>
        %max3A_629 = arith.maximumf %min3A_564, %max3A_627 : vector<16xf32>
        %min3A_630 = arith.minimumf %min3A_566, %max3A_629 : vector<16xf32>
        %max3A_631 = arith.maximumf %min3A_566, %max3A_629 : vector<16xf32>
        %min3A_632 = arith.minimumf %min3A_568, %max3A_631 : vector<16xf32>
        %max3A_633 = arith.maximumf %min3A_568, %max3A_631 : vector<16xf32>
        %min3A_634 = arith.minimumf %min3A_570, %max3A_633 : vector<16xf32>
        %max3A_635 = arith.maximumf %min3A_570, %max3A_633 : vector<16xf32>
        %min3A_636 = arith.minimumf %min3A_572, %max3A_635 : vector<16xf32>
        %max3A_637 = arith.maximumf %min3A_572, %max3A_635 : vector<16xf32>
        %add3A_638 = arith.constant 7 : i32
        %add3A_639 = arith.addi %while3A_172, %add3A_638 : i32
        %mul3A_640 = arith.constant 16 : i32
        %mul3A_641 = arith.muli %add3A_639, %mul3A_640 : i32
        %get3A_642 = arith.index_cast %mul3A_641 : i32 to index
        %get3A_643 = tpu.vector_load %arg6[%get3A_642] {strides = array<i32>} : memref<10528xf32, #tpu.memory_space<vmem>>, vector<16xf32>,
        %get3A_644 = arith.index_cast %mul3A_641 : i32 to index
        %get3A_645 = tpu.vector_load %arg7[%get3A_644] {strides = array<i32>} : memref<10528xf32, #tpu.memory_space<vmem>>, vector<16xf32>,
        %get3A_646 = arith.index_cast %mul3A_641 : i32 to index
        %get3A_647 = tpu.vector_load %arg8[%get3A_646] {strides = array<i32>} : memref<10528xf32, #tpu.memory_space<vmem>>, vector<16xf32>,
        %sub3A_648 = vector.broadcast %squeeze3A : f32 to vector<16xf32>
        %sub3A_649 = arith.subf %get3A_643, %sub3A_648 : vector<16xf32>
        %sub3A_650 = vector.broadcast %squeeze3A_26 : f32 to vector<16xf32>
        %sub3A_651 = arith.subf %get3A_645, %sub3A_650 : vector<16xf32>
        %sub3A_652 = vector.broadcast %squeeze3A_30 : f32 to vector<16xf32>
        %sub3A_653 = arith.subf %get3A_647, %sub3A_652 : vector<16xf32>
        %mul3A_654 = arith.mulf %sub3A_649, %sub3A_649 : vector<16xf32>
        %mul3A_655 = arith.mulf %sub3A_651, %sub3A_651 : vector<16xf32>
        %add3A_656 = arith.addf %mul3A_654, %mul3A_655 : vector<16xf32>
        %mul3A_657 = arith.mulf %sub3A_653, %sub3A_653 : vector<16xf32>
        %add3A_658 = arith.addf %add3A_656, %mul3A_657 : vector<16xf32>
        %sub3A_659 = vector.broadcast %squeeze3A_24 : f32 to vector<16xf32>
        %sub3A_660 = arith.subf %get3A_643, %sub3A_659 : vector<16xf32>
        %sub3A_661 = vector.broadcast %squeeze3A_28 : f32 to vector<16xf32>
        %sub3A_662 = arith.subf %get3A_645, %sub3A_661 : vector<16xf32>
        %sub3A_663 = vector.broadcast %squeeze3A_32 : f32 to vector<16xf32>
        %sub3A_664 = arith.subf %get3A_647, %sub3A_663 : vector<16xf32>
        %mul3A_665 = arith.mulf %sub3A_660, %sub3A_660 : vector<16xf32>
        %mul3A_666 = arith.mulf %sub3A_662, %sub3A_662 : vector<16xf32>
        %add3A_667 = arith.addf %mul3A_665, %mul3A_666 : vector<16xf32>
        %mul3A_668 = arith.mulf %sub3A_664, %sub3A_664 : vector<16xf32>
        %add3A_669 = arith.addf %add3A_667, %mul3A_668 : vector<16xf32>
        %min3A_670 = arith.minimumf %min3A_606, %add3A_658 : vector<16xf32>
        %max3A_671 = arith.maximumf %min3A_606, %add3A_658 : vector<16xf32>
        %min3A_672 = arith.minimumf %min3A_608, %max3A_671 : vector<16xf32>
        %max3A_673 = arith.maximumf %min3A_608, %max3A_671 : vector<16xf32>
        %min3A_674 = arith.minimumf %min3A_610, %max3A_673 : vector<16xf32>
        %max3A_675 = arith.maximumf %min3A_610, %max3A_673 : vector<16xf32>
        %min3A_676 = arith.minimumf %min3A_612, %max3A_675 : vector<16xf32>
        %max3A_677 = arith.maximumf %min3A_612, %max3A_675 : vector<16xf32>
        %min3A_678 = arith.minimumf %min3A_614, %max3A_677 : vector<16xf32>
        %max3A_679 = arith.maximumf %min3A_614, %max3A_677 : vector<16xf32>
        %min3A_680 = arith.minimumf %min3A_616, %max3A_679 : vector<16xf32>
        %max3A_681 = arith.maximumf %min3A_616, %max3A_679 : vector<16xf32>
        %min3A_682 = arith.minimumf %min3A_618, %max3A_681 : vector<16xf32>
        %max3A_683 = arith.maximumf %min3A_618, %max3A_681 : vector<16xf32>
        %min3A_684 = arith.minimumf %min3A_620, %max3A_683 : vector<16xf32>
        %max3A_685 = arith.maximumf %min3A_620, %max3A_683 : vector<16xf32>
        %min3A_686 = arith.minimumf %min3A_622, %add3A_669 : vector<16xf32>
        %max3A_687 = arith.maximumf %min3A_622, %add3A_669 : vector<16xf32>
        %min3A_688 = arith.minimumf %min3A_624, %max3A_687 : vector<16xf32>
        %max3A_689 = arith.maximumf %min3A_624, %max3A_687 : vector<16xf32>
        %min3A_690 = arith.minimumf %min3A_626, %max3A_689 : vector<16xf32>
        %max3A_691 = arith.maximumf %min3A_626, %max3A_689 : vector<16xf32>
        %min3A_692 = arith.minimumf %min3A_628, %max3A_691 : vector<16xf32>
        %max3A_693 = arith.maximumf %min3A_628, %max3A_691 : vector<16xf32>
        %min3A_694 = arith.minimumf %min3A_630, %max3A_693 : vector<16xf32>
        %max3A_695 = arith.maximumf %min3A_630, %max3A_693 : vector<16xf32>
        %min3A_696 = arith.minimumf %min3A_632, %max3A_695 : vector<16xf32>
        %max3A_697 = arith.maximumf %min3A_632, %max3A_695 : vector<16xf32>
        %min3A_698 = arith.minimumf %min3A_634, %max3A_697 : vector<16xf32>
        %max3A_699 = arith.maximumf %min3A_634, %max3A_697 : vector<16xf32>
        %min3A_700 = arith.minimumf %min3A_636, %max3A_699 : vector<16xf32>
        %max3A_701 = arith.maximumf %min3A_636, %max3A_699 : vector<16xf32>
        %add3A_702 = arith.constant 8 : i32
        %add3A_703 = arith.addi %while3A_172, %add3A_702 : i32
        %mul3A_704 = arith.constant 16 : i32
        %mul3A_705 = arith.muli %add3A_703, %mul3A_704 : i32
        %get3A_706 = arith.index_cast %mul3A_705 : i32 to index
        %get3A_707 = tpu.vector_load %arg6[%get3A_706] {strides = array<i32>} : memref<10528xf32, #tpu.memory_space<vmem>>, vector<16xf32>,
        %get3A_708 = arith.index_cast %mul3A_705 : i32 to index
        %get3A_709 = tpu.vector_load %arg7[%get3A_708] {strides = array<i32>} : memref<10528xf32, #tpu.memory_space<vmem>>, vector<16xf32>,
        %get3A_710 = arith.index_cast %mul3A_705 : i32 to index
        %get3A_711 = tpu.vector_load %arg8[%get3A_710] {strides = array<i32>} : memref<10528xf32, #tpu.memory_space<vmem>>, vector<16xf32>,
        %sub3A_712 = vector.broadcast %squeeze3A : f32 to vector<16xf32>
        %sub3A_713 = arith.subf %get3A_707, %sub3A_712 : vector<16xf32>
        %sub3A_714 = vector.broadcast %squeeze3A_26 : f32 to vector<16xf32>
        %sub3A_715 = arith.subf %get3A_709, %sub3A_714 : vector<16xf32>
        %sub3A_716 = vector.broadcast %squeeze3A_30 : f32 to vector<16xf32>
        %sub3A_717 = arith.subf %get3A_711, %sub3A_716 : vector<16xf32>
        %mul3A_718 = arith.mulf %sub3A_713, %sub3A_713 : vector<16xf32>
        %mul3A_719 = arith.mulf %sub3A_715, %sub3A_715 : vector<16xf32>
        %add3A_720 = arith.addf %mul3A_718, %mul3A_719 : vector<16xf32>
        %mul3A_721 = arith.mulf %sub3A_717, %sub3A_717 : vector<16xf32>
        %add3A_722 = arith.addf %add3A_720, %mul3A_721 : vector<16xf32>
        %sub3A_723 = vector.broadcast %squeeze3A_24 : f32 to vector<16xf32>
        %sub3A_724 = arith.subf %get3A_707, %sub3A_723 : vector<16xf32>
        %sub3A_725 = vector.broadcast %squeeze3A_28 : f32 to vector<16xf32>
        %sub3A_726 = arith.subf %get3A_709, %sub3A_725 : vector<16xf32>
        %sub3A_727 = vector.broadcast %squeeze3A_32 : f32 to vector<16xf32>
        %sub3A_728 = arith.subf %get3A_711, %sub3A_727 : vector<16xf32>
        %mul3A_729 = arith.mulf %sub3A_724, %sub3A_724 : vector<16xf32>
        %mul3A_730 = arith.mulf %sub3A_726, %sub3A_726 : vector<16xf32>
        %add3A_731 = arith.addf %mul3A_729, %mul3A_730 : vector<16xf32>
        %mul3A_732 = arith.mulf %sub3A_728, %sub3A_728 : vector<16xf32>
        %add3A_733 = arith.addf %add3A_731, %mul3A_732 : vector<16xf32>
        %min3A_734 = arith.minimumf %min3A_670, %add3A_722 : vector<16xf32>
        %max3A_735 = arith.maximumf %min3A_670, %add3A_722 : vector<16xf32>
        %min3A_736 = arith.minimumf %min3A_672, %max3A_735 : vector<16xf32>
        %max3A_737 = arith.maximumf %min3A_672, %max3A_735 : vector<16xf32>
        %min3A_738 = arith.minimumf %min3A_674, %max3A_737 : vector<16xf32>
        %max3A_739 = arith.maximumf %min3A_674, %max3A_737 : vector<16xf32>
        %min3A_740 = arith.minimumf %min3A_676, %max3A_739 : vector<16xf32>
        %max3A_741 = arith.maximumf %min3A_676, %max3A_739 : vector<16xf32>
        %min3A_742 = arith.minimumf %min3A_678, %max3A_741 : vector<16xf32>
        %max3A_743 = arith.maximumf %min3A_678, %max3A_741 : vector<16xf32>
        %min3A_744 = arith.minimumf %min3A_680, %max3A_743 : vector<16xf32>
        %max3A_745 = arith.maximumf %min3A_680, %max3A_743 : vector<16xf32>
        %min3A_746 = arith.minimumf %min3A_682, %max3A_745 : vector<16xf32>
        %max3A_747 = arith.maximumf %min3A_682, %max3A_745 : vector<16xf32>
        %min3A_748 = arith.minimumf %min3A_684, %max3A_747 : vector<16xf32>
        %max3A_749 = arith.maximumf %min3A_684, %max3A_747 : vector<16xf32>
        %min3A_750 = arith.minimumf %min3A_686, %add3A_733 : vector<16xf32>
        %max3A_751 = arith.maximumf %min3A_686, %add3A_733 : vector<16xf32>
        %min3A_752 = arith.minimumf %min3A_688, %max3A_751 : vector<16xf32>
        %max3A_753 = arith.maximumf %min3A_688, %max3A_751 : vector<16xf32>
        %min3A_754 = arith.minimumf %min3A_690, %max3A_753 : vector<16xf32>
        %max3A_755 = arith.maximumf %min3A_690, %max3A_753 : vector<16xf32>
        %min3A_756 = arith.minimumf %min3A_692, %max3A_755 : vector<16xf32>
        %max3A_757 = arith.maximumf %min3A_692, %max3A_755 : vector<16xf32>
        %min3A_758 = arith.minimumf %min3A_694, %max3A_757 : vector<16xf32>
        %max3A_759 = arith.maximumf %min3A_694, %max3A_757 : vector<16xf32>
        %min3A_760 = arith.minimumf %min3A_696, %max3A_759 : vector<16xf32>
        %max3A_761 = arith.maximumf %min3A_696, %max3A_759 : vector<16xf32>
        %min3A_762 = arith.minimumf %min3A_698, %max3A_761 : vector<16xf32>
        %max3A_763 = arith.maximumf %min3A_698, %max3A_761 : vector<16xf32>
        %min3A_764 = arith.minimumf %min3A_700, %max3A_763 : vector<16xf32>
        %max3A_765 = arith.maximumf %min3A_700, %max3A_763 : vector<16xf32>
        %add3A_766 = arith.constant 9 : i32
        %add3A_767 = arith.addi %while3A_172, %add3A_766 : i32
        %mul3A_768 = arith.constant 16 : i32
        %mul3A_769 = arith.muli %add3A_767, %mul3A_768 : i32
        %get3A_770 = arith.index_cast %mul3A_769 : i32 to index
        %get3A_771 = tpu.vector_load %arg6[%get3A_770] {strides = array<i32>} : memref<10528xf32, #tpu.memory_space<vmem>>, vector<16xf32>,
        %get3A_772 = arith.index_cast %mul3A_769 : i32 to index
        %get3A_773 = tpu.vector_load %arg7[%get3A_772] {strides = array<i32>} : memref<10528xf32, #tpu.memory_space<vmem>>, vector<16xf32>,
        %get3A_774 = arith.index_cast %mul3A_769 : i32 to index
        %get3A_775 = tpu.vector_load %arg8[%get3A_774] {strides = array<i32>} : memref<10528xf32, #tpu.memory_space<vmem>>, vector<16xf32>,
        %sub3A_776 = vector.broadcast %squeeze3A : f32 to vector<16xf32>
        %sub3A_777 = arith.subf %get3A_771, %sub3A_776 : vector<16xf32>
        %sub3A_778 = vector.broadcast %squeeze3A_26 : f32 to vector<16xf32>
        %sub3A_779 = arith.subf %get3A_773, %sub3A_778 : vector<16xf32>
        %sub3A_780 = vector.broadcast %squeeze3A_30 : f32 to vector<16xf32>
        %sub3A_781 = arith.subf %get3A_775, %sub3A_780 : vector<16xf32>
        %mul3A_782 = arith.mulf %sub3A_777, %sub3A_777 : vector<16xf32>
        %mul3A_783 = arith.mulf %sub3A_779, %sub3A_779 : vector<16xf32>
        %add3A_784 = arith.addf %mul3A_782, %mul3A_783 : vector<16xf32>
        %mul3A_785 = arith.mulf %sub3A_781, %sub3A_781 : vector<16xf32>
        %add3A_786 = arith.addf %add3A_784, %mul3A_785 : vector<16xf32>
        %sub3A_787 = vector.broadcast %squeeze3A_24 : f32 to vector<16xf32>
        %sub3A_788 = arith.subf %get3A_771, %sub3A_787 : vector<16xf32>
        %sub3A_789 = vector.broadcast %squeeze3A_28 : f32 to vector<16xf32>
        %sub3A_790 = arith.subf %get3A_773, %sub3A_789 : vector<16xf32>
        %sub3A_791 = vector.broadcast %squeeze3A_32 : f32 to vector<16xf32>
        %sub3A_792 = arith.subf %get3A_775, %sub3A_791 : vector<16xf32>
        %mul3A_793 = arith.mulf %sub3A_788, %sub3A_788 : vector<16xf32>
        %mul3A_794 = arith.mulf %sub3A_790, %sub3A_790 : vector<16xf32>
        %add3A_795 = arith.addf %mul3A_793, %mul3A_794 : vector<16xf32>
        %mul3A_796 = arith.mulf %sub3A_792, %sub3A_792 : vector<16xf32>
        %add3A_797 = arith.addf %add3A_795, %mul3A_796 : vector<16xf32>
        %min3A_798 = arith.minimumf %min3A_734, %add3A_786 : vector<16xf32>
        %max3A_799 = arith.maximumf %min3A_734, %add3A_786 : vector<16xf32>
        %min3A_800 = arith.minimumf %min3A_736, %max3A_799 : vector<16xf32>
        %max3A_801 = arith.maximumf %min3A_736, %max3A_799 : vector<16xf32>
        %min3A_802 = arith.minimumf %min3A_738, %max3A_801 : vector<16xf32>
        %max3A_803 = arith.maximumf %min3A_738, %max3A_801 : vector<16xf32>
        %min3A_804 = arith.minimumf %min3A_740, %max3A_803 : vector<16xf32>
        %max3A_805 = arith.maximumf %min3A_740, %max3A_803 : vector<16xf32>
        %min3A_806 = arith.minimumf %min3A_742, %max3A_805 : vector<16xf32>
        %max3A_807 = arith.maximumf %min3A_742, %max3A_805 : vector<16xf32>
        %min3A_808 = arith.minimumf %min3A_744, %max3A_807 : vector<16xf32>
        %max3A_809 = arith.maximumf %min3A_744, %max3A_807 : vector<16xf32>
        %min3A_810 = arith.minimumf %min3A_746, %max3A_809 : vector<16xf32>
        %max3A_811 = arith.maximumf %min3A_746, %max3A_809 : vector<16xf32>
        %min3A_812 = arith.minimumf %min3A_748, %max3A_811 : vector<16xf32>
        %max3A_813 = arith.maximumf %min3A_748, %max3A_811 : vector<16xf32>
        %min3A_814 = arith.minimumf %min3A_750, %add3A_797 : vector<16xf32>
        %max3A_815 = arith.maximumf %min3A_750, %add3A_797 : vector<16xf32>
        %min3A_816 = arith.minimumf %min3A_752, %max3A_815 : vector<16xf32>
        %max3A_817 = arith.maximumf %min3A_752, %max3A_815 : vector<16xf32>
        %min3A_818 = arith.minimumf %min3A_754, %max3A_817 : vector<16xf32>
        %max3A_819 = arith.maximumf %min3A_754, %max3A_817 : vector<16xf32>
        %min3A_820 = arith.minimumf %min3A_756, %max3A_819 : vector<16xf32>
        %max3A_821 = arith.maximumf %min3A_756, %max3A_819 : vector<16xf32>
        %min3A_822 = arith.minimumf %min3A_758, %max3A_821 : vector<16xf32>
        %max3A_823 = arith.maximumf %min3A_758, %max3A_821 : vector<16xf32>
        %min3A_824 = arith.minimumf %min3A_760, %max3A_823 : vector<16xf32>
        %max3A_825 = arith.maximumf %min3A_760, %max3A_823 : vector<16xf32>
        %min3A_826 = arith.minimumf %min3A_762, %max3A_825 : vector<16xf32>
        %max3A_827 = arith.maximumf %min3A_762, %max3A_825 : vector<16xf32>
        %min3A_828 = arith.minimumf %min3A_764, %max3A_827 : vector<16xf32>
        %max3A_829 = arith.maximumf %min3A_764, %max3A_827 : vector<16xf32>
        %add3A_830 = arith.constant 10 : i32
        %add3A_831 = arith.addi %while3A_172, %add3A_830 : i32
        %mul3A_832 = arith.constant 16 : i32
        %mul3A_833 = arith.muli %add3A_831, %mul3A_832 : i32
        %get3A_834 = arith.index_cast %mul3A_833 : i32 to index
        %get3A_835 = tpu.vector_load %arg6[%get3A_834] {strides = array<i32>} : memref<10528xf32, #tpu.memory_space<vmem>>, vector<16xf32>,
        %get3A_836 = arith.index_cast %mul3A_833 : i32 to index
        %get3A_837 = tpu.vector_load %arg7[%get3A_836] {strides = array<i32>} : memref<10528xf32, #tpu.memory_space<vmem>>, vector<16xf32>,
        %get3A_838 = arith.index_cast %mul3A_833 : i32 to index
        %get3A_839 = tpu.vector_load %arg8[%get3A_838] {strides = array<i32>} : memref<10528xf32, #tpu.memory_space<vmem>>, vector<16xf32>,
        %sub3A_840 = vector.broadcast %squeeze3A : f32 to vector<16xf32>
        %sub3A_841 = arith.subf %get3A_835, %sub3A_840 : vector<16xf32>
        %sub3A_842 = vector.broadcast %squeeze3A_26 : f32 to vector<16xf32>
        %sub3A_843 = arith.subf %get3A_837, %sub3A_842 : vector<16xf32>
        %sub3A_844 = vector.broadcast %squeeze3A_30 : f32 to vector<16xf32>
        %sub3A_845 = arith.subf %get3A_839, %sub3A_844 : vector<16xf32>
        %mul3A_846 = arith.mulf %sub3A_841, %sub3A_841 : vector<16xf32>
        %mul3A_847 = arith.mulf %sub3A_843, %sub3A_843 : vector<16xf32>
        %add3A_848 = arith.addf %mul3A_846, %mul3A_847 : vector<16xf32>
        %mul3A_849 = arith.mulf %sub3A_845, %sub3A_845 : vector<16xf32>
        %add3A_850 = arith.addf %add3A_848, %mul3A_849 : vector<16xf32>
        %sub3A_851 = vector.broadcast %squeeze3A_24 : f32 to vector<16xf32>
        %sub3A_852 = arith.subf %get3A_835, %sub3A_851 : vector<16xf32>
        %sub3A_853 = vector.broadcast %squeeze3A_28 : f32 to vector<16xf32>
        %sub3A_854 = arith.subf %get3A_837, %sub3A_853 : vector<16xf32>
        %sub3A_855 = vector.broadcast %squeeze3A_32 : f32 to vector<16xf32>
        %sub3A_856 = arith.subf %get3A_839, %sub3A_855 : vector<16xf32>
        %mul3A_857 = arith.mulf %sub3A_852, %sub3A_852 : vector<16xf32>
        %mul3A_858 = arith.mulf %sub3A_854, %sub3A_854 : vector<16xf32>
        %add3A_859 = arith.addf %mul3A_857, %mul3A_858 : vector<16xf32>
        %mul3A_860 = arith.mulf %sub3A_856, %sub3A_856 : vector<16xf32>
        %add3A_861 = arith.addf %add3A_859, %mul3A_860 : vector<16xf32>
        %min3A_862 = arith.minimumf %min3A_798, %add3A_850 : vector<16xf32>
        %max3A_863 = arith.maximumf %min3A_798, %add3A_850 : vector<16xf32>
        %min3A_864 = arith.minimumf %min3A_800, %max3A_863 : vector<16xf32>
        %max3A_865 = arith.maximumf %min3A_800, %max3A_863 : vector<16xf32>
        %min3A_866 = arith.minimumf %min3A_802, %max3A_865 : vector<16xf32>
        %max3A_867 = arith.maximumf %min3A_802, %max3A_865 : vector<16xf32>
        %min3A_868 = arith.minimumf %min3A_804, %max3A_867 : vector<16xf32>
        %max3A_869 = arith.maximumf %min3A_804, %max3A_867 : vector<16xf32>
        %min3A_870 = arith.minimumf %min3A_806, %max3A_869 : vector<16xf32>
        %max3A_871 = arith.maximumf %min3A_806, %max3A_869 : vector<16xf32>
        %min3A_872 = arith.minimumf %min3A_808, %max3A_871 : vector<16xf32>
        %max3A_873 = arith.maximumf %min3A_808, %max3A_871 : vector<16xf32>
        %min3A_874 = arith.minimumf %min3A_810, %max3A_873 : vector<16xf32>
        %max3A_875 = arith.maximumf %min3A_810, %max3A_873 : vector<16xf32>
        %min3A_876 = arith.minimumf %min3A_812, %max3A_875 : vector<16xf32>
        %max3A_877 = arith.maximumf %min3A_812, %max3A_875 : vector<16xf32>
        %min3A_878 = arith.minimumf %min3A_814, %add3A_861 : vector<16xf32>
        %max3A_879 = arith.maximumf %min3A_814, %add3A_861 : vector<16xf32>
        %min3A_880 = arith.minimumf %min3A_816, %max3A_879 : vector<16xf32>
        %max3A_881 = arith.maximumf %min3A_816, %max3A_879 : vector<16xf32>
        %min3A_882 = arith.minimumf %min3A_818, %max3A_881 : vector<16xf32>
        %max3A_883 = arith.maximumf %min3A_818, %max3A_881 : vector<16xf32>
        %min3A_884 = arith.minimumf %min3A_820, %max3A_883 : vector<16xf32>
        %max3A_885 = arith.maximumf %min3A_820, %max3A_883 : vector<16xf32>
        %min3A_886 = arith.minimumf %min3A_822, %max3A_885 : vector<16xf32>
        %max3A_887 = arith.maximumf %min3A_822, %max3A_885 : vector<16xf32>
        %min3A_888 = arith.minimumf %min3A_824, %max3A_887 : vector<16xf32>
        %max3A_889 = arith.maximumf %min3A_824, %max3A_887 : vector<16xf32>
        %min3A_890 = arith.minimumf %min3A_826, %max3A_889 : vector<16xf32>
        %max3A_891 = arith.maximumf %min3A_826, %max3A_889 : vector<16xf32>
        %min3A_892 = arith.minimumf %min3A_828, %max3A_891 : vector<16xf32>
        %max3A_893 = arith.maximumf %min3A_828, %max3A_891 : vector<16xf32>
        %add3A_894 = arith.constant 11 : i32
        %add3A_895 = arith.addi %while3A_172, %add3A_894 : i32
        %mul3A_896 = arith.constant 16 : i32
        %mul3A_897 = arith.muli %add3A_895, %mul3A_896 : i32
        %get3A_898 = arith.index_cast %mul3A_897 : i32 to index
        %get3A_899 = tpu.vector_load %arg6[%get3A_898] {strides = array<i32>} : memref<10528xf32, #tpu.memory_space<vmem>>, vector<16xf32>,
        %get3A_900 = arith.index_cast %mul3A_897 : i32 to index
        %get3A_901 = tpu.vector_load %arg7[%get3A_900] {strides = array<i32>} : memref<10528xf32, #tpu.memory_space<vmem>>, vector<16xf32>,
        %get3A_902 = arith.index_cast %mul3A_897 : i32 to index
        %get3A_903 = tpu.vector_load %arg8[%get3A_902] {strides = array<i32>} : memref<10528xf32, #tpu.memory_space<vmem>>, vector<16xf32>,
        %sub3A_904 = vector.broadcast %squeeze3A : f32 to vector<16xf32>
        %sub3A_905 = arith.subf %get3A_899, %sub3A_904 : vector<16xf32>
        %sub3A_906 = vector.broadcast %squeeze3A_26 : f32 to vector<16xf32>
        %sub3A_907 = arith.subf %get3A_901, %sub3A_906 : vector<16xf32>
        %sub3A_908 = vector.broadcast %squeeze3A_30 : f32 to vector<16xf32>
        %sub3A_909 = arith.subf %get3A_903, %sub3A_908 : vector<16xf32>
        %mul3A_910 = arith.mulf %sub3A_905, %sub3A_905 : vector<16xf32>
        %mul3A_911 = arith.mulf %sub3A_907, %sub3A_907 : vector<16xf32>
        %add3A_912 = arith.addf %mul3A_910, %mul3A_911 : vector<16xf32>
        %mul3A_913 = arith.mulf %sub3A_909, %sub3A_909 : vector<16xf32>
        %add3A_914 = arith.addf %add3A_912, %mul3A_913 : vector<16xf32>
        %sub3A_915 = vector.broadcast %squeeze3A_24 : f32 to vector<16xf32>
        %sub3A_916 = arith.subf %get3A_899, %sub3A_915 : vector<16xf32>
        %sub3A_917 = vector.broadcast %squeeze3A_28 : f32 to vector<16xf32>
        %sub3A_918 = arith.subf %get3A_901, %sub3A_917 : vector<16xf32>
        %sub3A_919 = vector.broadcast %squeeze3A_32 : f32 to vector<16xf32>
        %sub3A_920 = arith.subf %get3A_903, %sub3A_919 : vector<16xf32>
        %mul3A_921 = arith.mulf %sub3A_916, %sub3A_916 : vector<16xf32>
        %mul3A_922 = arith.mulf %sub3A_918, %sub3A_918 : vector<16xf32>
        %add3A_923 = arith.addf %mul3A_921, %mul3A_922 : vector<16xf32>
        %mul3A_924 = arith.mulf %sub3A_920, %sub3A_920 : vector<16xf32>
        %add3A_925 = arith.addf %add3A_923, %mul3A_924 : vector<16xf32>
        %min3A_926 = arith.minimumf %min3A_862, %add3A_914 : vector<16xf32>
        %max3A_927 = arith.maximumf %min3A_862, %add3A_914 : vector<16xf32>
        %min3A_928 = arith.minimumf %min3A_864, %max3A_927 : vector<16xf32>
        %max3A_929 = arith.maximumf %min3A_864, %max3A_927 : vector<16xf32>
        %min3A_930 = arith.minimumf %min3A_866, %max3A_929 : vector<16xf32>
        %max3A_931 = arith.maximumf %min3A_866, %max3A_929 : vector<16xf32>
        %min3A_932 = arith.minimumf %min3A_868, %max3A_931 : vector<16xf32>
        %max3A_933 = arith.maximumf %min3A_868, %max3A_931 : vector<16xf32>
        %min3A_934 = arith.minimumf %min3A_870, %max3A_933 : vector<16xf32>
        %max3A_935 = arith.maximumf %min3A_870, %max3A_933 : vector<16xf32>
        %min3A_936 = arith.minimumf %min3A_872, %max3A_935 : vector<16xf32>
        %max3A_937 = arith.maximumf %min3A_872, %max3A_935 : vector<16xf32>
        %min3A_938 = arith.minimumf %min3A_874, %max3A_937 : vector<16xf32>
        %max3A_939 = arith.maximumf %min3A_874, %max3A_937 : vector<16xf32>
        %min3A_940 = arith.minimumf %min3A_876, %max3A_939 : vector<16xf32>
        %max3A_941 = arith.maximumf %min3A_876, %max3A_939 : vector<16xf32>
        %min3A_942 = arith.minimumf %min3A_878, %add3A_925 : vector<16xf32>
        %max3A_943 = arith.maximumf %min3A_878, %add3A_925 : vector<16xf32>
        %min3A_944 = arith.minimumf %min3A_880, %max3A_943 : vector<16xf32>
        %max3A_945 = arith.maximumf %min3A_880, %max3A_943 : vector<16xf32>
        %min3A_946 = arith.minimumf %min3A_882, %max3A_945 : vector<16xf32>
        %max3A_947 = arith.maximumf %min3A_882, %max3A_945 : vector<16xf32>
        %min3A_948 = arith.minimumf %min3A_884, %max3A_947 : vector<16xf32>
        %max3A_949 = arith.maximumf %min3A_884, %max3A_947 : vector<16xf32>
        %min3A_950 = arith.minimumf %min3A_886, %max3A_949 : vector<16xf32>
        %max3A_951 = arith.maximumf %min3A_886, %max3A_949 : vector<16xf32>
        %min3A_952 = arith.minimumf %min3A_888, %max3A_951 : vector<16xf32>
        %max3A_953 = arith.maximumf %min3A_888, %max3A_951 : vector<16xf32>
        %min3A_954 = arith.minimumf %min3A_890, %max3A_953 : vector<16xf32>
        %max3A_955 = arith.maximumf %min3A_890, %max3A_953 : vector<16xf32>
        %min3A_956 = arith.minimumf %min3A_892, %max3A_955 : vector<16xf32>
        %max3A_957 = arith.maximumf %min3A_892, %max3A_955 : vector<16xf32>
        %add3A_958 = arith.constant 12 : i32
        %add3A_959 = arith.addi %while3A_172, %add3A_958 : i32
        %mul3A_960 = arith.constant 16 : i32
        %mul3A_961 = arith.muli %add3A_959, %mul3A_960 : i32
        %get3A_962 = arith.index_cast %mul3A_961 : i32 to index
        %get3A_963 = tpu.vector_load %arg6[%get3A_962] {strides = array<i32>} : memref<10528xf32, #tpu.memory_space<vmem>>, vector<16xf32>,
        %get3A_964 = arith.index_cast %mul3A_961 : i32 to index
        %get3A_965 = tpu.vector_load %arg7[%get3A_964] {strides = array<i32>} : memref<10528xf32, #tpu.memory_space<vmem>>, vector<16xf32>,
        %get3A_966 = arith.index_cast %mul3A_961 : i32 to index
        %get3A_967 = tpu.vector_load %arg8[%get3A_966] {strides = array<i32>} : memref<10528xf32, #tpu.memory_space<vmem>>, vector<16xf32>,
        %sub3A_968 = vector.broadcast %squeeze3A : f32 to vector<16xf32>
        %sub3A_969 = arith.subf %get3A_963, %sub3A_968 : vector<16xf32>
        %sub3A_970 = vector.broadcast %squeeze3A_26 : f32 to vector<16xf32>
        %sub3A_971 = arith.subf %get3A_965, %sub3A_970 : vector<16xf32>
        %sub3A_972 = vector.broadcast %squeeze3A_30 : f32 to vector<16xf32>
        %sub3A_973 = arith.subf %get3A_967, %sub3A_972 : vector<16xf32>
        %mul3A_974 = arith.mulf %sub3A_969, %sub3A_969 : vector<16xf32>
        %mul3A_975 = arith.mulf %sub3A_971, %sub3A_971 : vector<16xf32>
        %add3A_976 = arith.addf %mul3A_974, %mul3A_975 : vector<16xf32>
        %mul3A_977 = arith.mulf %sub3A_973, %sub3A_973 : vector<16xf32>
        %add3A_978 = arith.addf %add3A_976, %mul3A_977 : vector<16xf32>
        %sub3A_979 = vector.broadcast %squeeze3A_24 : f32 to vector<16xf32>
        %sub3A_980 = arith.subf %get3A_963, %sub3A_979 : vector<16xf32>
        %sub3A_981 = vector.broadcast %squeeze3A_28 : f32 to vector<16xf32>
        %sub3A_982 = arith.subf %get3A_965, %sub3A_981 : vector<16xf32>
        %sub3A_983 = vector.broadcast %squeeze3A_32 : f32 to vector<16xf32>
        %sub3A_984 = arith.subf %get3A_967, %sub3A_983 : vector<16xf32>
        %mul3A_985 = arith.mulf %sub3A_980, %sub3A_980 : vector<16xf32>
        %mul3A_986 = arith.mulf %sub3A_982, %sub3A_982 : vector<16xf32>
        %add3A_987 = arith.addf %mul3A_985, %mul3A_986 : vector<16xf32>
        %mul3A_988 = arith.mulf %sub3A_984, %sub3A_984 : vector<16xf32>
        %add3A_989 = arith.addf %add3A_987, %mul3A_988 : vector<16xf32>
        %min3A_990 = arith.minimumf %min3A_926, %add3A_978 : vector<16xf32>
        %max3A_991 = arith.maximumf %min3A_926, %add3A_978 : vector<16xf32>
        %min3A_992 = arith.minimumf %min3A_928, %max3A_991 : vector<16xf32>
        %max3A_993 = arith.maximumf %min3A_928, %max3A_991 : vector<16xf32>
        %min3A_994 = arith.minimumf %min3A_930, %max3A_993 : vector<16xf32>
        %max3A_995 = arith.maximumf %min3A_930, %max3A_993 : vector<16xf32>
        %min3A_996 = arith.minimumf %min3A_932, %max3A_995 : vector<16xf32>
        %max3A_997 = arith.maximumf %min3A_932, %max3A_995 : vector<16xf32>
        %min3A_998 = arith.minimumf %min3A_934, %max3A_997 : vector<16xf32>
        %max3A_999 = arith.maximumf %min3A_934, %max3A_997 : vector<16xf32>
        %min3A_1000 = arith.minimumf %min3A_936, %max3A_999 : vector<16xf32>
        %max3A_1001 = arith.maximumf %min3A_936, %max3A_999 : vector<16xf32>
        %min3A_1002 = arith.minimumf %min3A_938, %max3A_1001 : vector<16xf32>
        %max3A_1003 = arith.maximumf %min3A_938, %max3A_1001 : vector<16xf32>
        %min3A_1004 = arith.minimumf %min3A_940, %max3A_1003 : vector<16xf32>
        %max3A_1005 = arith.maximumf %min3A_940, %max3A_1003 : vector<16xf32>
        %min3A_1006 = arith.minimumf %min3A_942, %add3A_989 : vector<16xf32>
        %max3A_1007 = arith.maximumf %min3A_942, %add3A_989 : vector<16xf32>
        %min3A_1008 = arith.minimumf %min3A_944, %max3A_1007 : vector<16xf32>
        %max3A_1009 = arith.maximumf %min3A_944, %max3A_1007 : vector<16xf32>
        %min3A_1010 = arith.minimumf %min3A_946, %max3A_1009 : vector<16xf32>
        %max3A_1011 = arith.maximumf %min3A_946, %max3A_1009 : vector<16xf32>
        %min3A_1012 = arith.minimumf %min3A_948, %max3A_1011 : vector<16xf32>
        %max3A_1013 = arith.maximumf %min3A_948, %max3A_1011 : vector<16xf32>
        %min3A_1014 = arith.minimumf %min3A_950, %max3A_1013 : vector<16xf32>
        %max3A_1015 = arith.maximumf %min3A_950, %max3A_1013 : vector<16xf32>
        %min3A_1016 = arith.minimumf %min3A_952, %max3A_1015 : vector<16xf32>
        %max3A_1017 = arith.maximumf %min3A_952, %max3A_1015 : vector<16xf32>
        %min3A_1018 = arith.minimumf %min3A_954, %max3A_1017 : vector<16xf32>
        %max3A_1019 = arith.maximumf %min3A_954, %max3A_1017 : vector<16xf32>
        %min3A_1020 = arith.minimumf %min3A_956, %max3A_1019 : vector<16xf32>
        %max3A_1021 = arith.maximumf %min3A_956, %max3A_1019 : vector<16xf32>
        %add3A_1022 = arith.constant 13 : i32
        %add3A_1023 = arith.addi %while3A_172, %add3A_1022 : i32
        %mul3A_1024 = arith.constant 16 : i32
        %mul3A_1025 = arith.muli %add3A_1023, %mul3A_1024 : i32
        %get3A_1026 = arith.index_cast %mul3A_1025 : i32 to index
        %get3A_1027 = tpu.vector_load %arg6[%get3A_1026] {strides = array<i32>} : memref<10528xf32, #tpu.memory_space<vmem>>, vector<16xf32>,
        %get3A_1028 = arith.index_cast %mul3A_1025 : i32 to index
        %get3A_1029 = tpu.vector_load %arg7[%get3A_1028] {strides = array<i32>} : memref<10528xf32, #tpu.memory_space<vmem>>, vector<16xf32>,
        %get3A_1030 = arith.index_cast %mul3A_1025 : i32 to index
        %get3A_1031 = tpu.vector_load %arg8[%get3A_1030] {strides = array<i32>} : memref<10528xf32, #tpu.memory_space<vmem>>, vector<16xf32>,
        %sub3A_1032 = vector.broadcast %squeeze3A : f32 to vector<16xf32>
        %sub3A_1033 = arith.subf %get3A_1027, %sub3A_1032 : vector<16xf32>
        %sub3A_1034 = vector.broadcast %squeeze3A_26 : f32 to vector<16xf32>
        %sub3A_1035 = arith.subf %get3A_1029, %sub3A_1034 : vector<16xf32>
        %sub3A_1036 = vector.broadcast %squeeze3A_30 : f32 to vector<16xf32>
        %sub3A_1037 = arith.subf %get3A_1031, %sub3A_1036 : vector<16xf32>
        %mul3A_1038 = arith.mulf %sub3A_1033, %sub3A_1033 : vector<16xf32>
        %mul3A_1039 = arith.mulf %sub3A_1035, %sub3A_1035 : vector<16xf32>
        %add3A_1040 = arith.addf %mul3A_1038, %mul3A_1039 : vector<16xf32>
        %mul3A_1041 = arith.mulf %sub3A_1037, %sub3A_1037 : vector<16xf32>
        %add3A_1042 = arith.addf %add3A_1040, %mul3A_1041 : vector<16xf32>
        %sub3A_1043 = vector.broadcast %squeeze3A_24 : f32 to vector<16xf32>
        %sub3A_1044 = arith.subf %get3A_1027, %sub3A_1043 : vector<16xf32>
        %sub3A_1045 = vector.broadcast %squeeze3A_28 : f32 to vector<16xf32>
        %sub3A_1046 = arith.subf %get3A_1029, %sub3A_1045 : vector<16xf32>
        %sub3A_1047 = vector.broadcast %squeeze3A_32 : f32 to vector<16xf32>
        %sub3A_1048 = arith.subf %get3A_1031, %sub3A_1047 : vector<16xf32>
        %mul3A_1049 = arith.mulf %sub3A_1044, %sub3A_1044 : vector<16xf32>
        %mul3A_1050 = arith.mulf %sub3A_1046, %sub3A_1046 : vector<16xf32>
        %add3A_1051 = arith.addf %mul3A_1049, %mul3A_1050 : vector<16xf32>
        %mul3A_1052 = arith.mulf %sub3A_1048, %sub3A_1048 : vector<16xf32>
        %add3A_1053 = arith.addf %add3A_1051, %mul3A_1052 : vector<16xf32>
        %min3A_1054 = arith.minimumf %min3A_990, %add3A_1042 : vector<16xf32>
        %max3A_1055 = arith.maximumf %min3A_990, %add3A_1042 : vector<16xf32>
        %min3A_1056 = arith.minimumf %min3A_992, %max3A_1055 : vector<16xf32>
        %max3A_1057 = arith.maximumf %min3A_992, %max3A_1055 : vector<16xf32>
        %min3A_1058 = arith.minimumf %min3A_994, %max3A_1057 : vector<16xf32>
        %max3A_1059 = arith.maximumf %min3A_994, %max3A_1057 : vector<16xf32>
        %min3A_1060 = arith.minimumf %min3A_996, %max3A_1059 : vector<16xf32>
        %max3A_1061 = arith.maximumf %min3A_996, %max3A_1059 : vector<16xf32>
        %min3A_1062 = arith.minimumf %min3A_998, %max3A_1061 : vector<16xf32>
        %max3A_1063 = arith.maximumf %min3A_998, %max3A_1061 : vector<16xf32>
        %min3A_1064 = arith.minimumf %min3A_1000, %max3A_1063 : vector<16xf32>
        %max3A_1065 = arith.maximumf %min3A_1000, %max3A_1063 : vector<16xf32>
        %min3A_1066 = arith.minimumf %min3A_1002, %max3A_1065 : vector<16xf32>
        %max3A_1067 = arith.maximumf %min3A_1002, %max3A_1065 : vector<16xf32>
        %min3A_1068 = arith.minimumf %min3A_1004, %max3A_1067 : vector<16xf32>
        %max3A_1069 = arith.maximumf %min3A_1004, %max3A_1067 : vector<16xf32>
        %min3A_1070 = arith.minimumf %min3A_1006, %add3A_1053 : vector<16xf32>
        %max3A_1071 = arith.maximumf %min3A_1006, %add3A_1053 : vector<16xf32>
        %min3A_1072 = arith.minimumf %min3A_1008, %max3A_1071 : vector<16xf32>
        %max3A_1073 = arith.maximumf %min3A_1008, %max3A_1071 : vector<16xf32>
        %min3A_1074 = arith.minimumf %min3A_1010, %max3A_1073 : vector<16xf32>
        %max3A_1075 = arith.maximumf %min3A_1010, %max3A_1073 : vector<16xf32>
        %min3A_1076 = arith.minimumf %min3A_1012, %max3A_1075 : vector<16xf32>
        %max3A_1077 = arith.maximumf %min3A_1012, %max3A_1075 : vector<16xf32>
        %min3A_1078 = arith.minimumf %min3A_1014, %max3A_1077 : vector<16xf32>
        %max3A_1079 = arith.maximumf %min3A_1014, %max3A_1077 : vector<16xf32>
        %min3A_1080 = arith.minimumf %min3A_1016, %max3A_1079 : vector<16xf32>
        %max3A_1081 = arith.maximumf %min3A_1016, %max3A_1079 : vector<16xf32>
        %min3A_1082 = arith.minimumf %min3A_1018, %max3A_1081 : vector<16xf32>
        %max3A_1083 = arith.maximumf %min3A_1018, %max3A_1081 : vector<16xf32>
        %min3A_1084 = arith.minimumf %min3A_1020, %max3A_1083 : vector<16xf32>
        %max3A_1085 = arith.maximumf %min3A_1020, %max3A_1083 : vector<16xf32>
        %add3A_1086 = arith.constant 14 : i32
        %add3A_1087 = arith.addi %while3A_172, %add3A_1086 : i32
        %mul3A_1088 = arith.constant 16 : i32
        %mul3A_1089 = arith.muli %add3A_1087, %mul3A_1088 : i32
        %get3A_1090 = arith.index_cast %mul3A_1089 : i32 to index
        %get3A_1091 = tpu.vector_load %arg6[%get3A_1090] {strides = array<i32>} : memref<10528xf32, #tpu.memory_space<vmem>>, vector<16xf32>,
        %get3A_1092 = arith.index_cast %mul3A_1089 : i32 to index
        %get3A_1093 = tpu.vector_load %arg7[%get3A_1092] {strides = array<i32>} : memref<10528xf32, #tpu.memory_space<vmem>>, vector<16xf32>,
        %get3A_1094 = arith.index_cast %mul3A_1089 : i32 to index
        %get3A_1095 = tpu.vector_load %arg8[%get3A_1094] {strides = array<i32>} : memref<10528xf32, #tpu.memory_space<vmem>>, vector<16xf32>,
        %sub3A_1096 = vector.broadcast %squeeze3A : f32 to vector<16xf32>
        %sub3A_1097 = arith.subf %get3A_1091, %sub3A_1096 : vector<16xf32>
        %sub3A_1098 = vector.broadcast %squeeze3A_26 : f32 to vector<16xf32>
        %sub3A_1099 = arith.subf %get3A_1093, %sub3A_1098 : vector<16xf32>
        %sub3A_1100 = vector.broadcast %squeeze3A_30 : f32 to vector<16xf32>
        %sub3A_1101 = arith.subf %get3A_1095, %sub3A_1100 : vector<16xf32>
        %mul3A_1102 = arith.mulf %sub3A_1097, %sub3A_1097 : vector<16xf32>
        %mul3A_1103 = arith.mulf %sub3A_1099, %sub3A_1099 : vector<16xf32>
        %add3A_1104 = arith.addf %mul3A_1102, %mul3A_1103 : vector<16xf32>
        %mul3A_1105 = arith.mulf %sub3A_1101, %sub3A_1101 : vector<16xf32>
        %add3A_1106 = arith.addf %add3A_1104, %mul3A_1105 : vector<16xf32>
        %sub3A_1107 = vector.broadcast %squeeze3A_24 : f32 to vector<16xf32>
        %sub3A_1108 = arith.subf %get3A_1091, %sub3A_1107 : vector<16xf32>
        %sub3A_1109 = vector.broadcast %squeeze3A_28 : f32 to vector<16xf32>
        %sub3A_1110 = arith.subf %get3A_1093, %sub3A_1109 : vector<16xf32>
        %sub3A_1111 = vector.broadcast %squeeze3A_32 : f32 to vector<16xf32>
        %sub3A_1112 = arith.subf %get3A_1095, %sub3A_1111 : vector<16xf32>
        %mul3A_1113 = arith.mulf %sub3A_1108, %sub3A_1108 : vector<16xf32>
        %mul3A_1114 = arith.mulf %sub3A_1110, %sub3A_1110 : vector<16xf32>
        %add3A_1115 = arith.addf %mul3A_1113, %mul3A_1114 : vector<16xf32>
        %mul3A_1116 = arith.mulf %sub3A_1112, %sub3A_1112 : vector<16xf32>
        %add3A_1117 = arith.addf %add3A_1115, %mul3A_1116 : vector<16xf32>
        %min3A_1118 = arith.minimumf %min3A_1054, %add3A_1106 : vector<16xf32>
        %max3A_1119 = arith.maximumf %min3A_1054, %add3A_1106 : vector<16xf32>
        %min3A_1120 = arith.minimumf %min3A_1056, %max3A_1119 : vector<16xf32>
        %max3A_1121 = arith.maximumf %min3A_1056, %max3A_1119 : vector<16xf32>
        %min3A_1122 = arith.minimumf %min3A_1058, %max3A_1121 : vector<16xf32>
        %max3A_1123 = arith.maximumf %min3A_1058, %max3A_1121 : vector<16xf32>
        %min3A_1124 = arith.minimumf %min3A_1060, %max3A_1123 : vector<16xf32>
        %max3A_1125 = arith.maximumf %min3A_1060, %max3A_1123 : vector<16xf32>
        %min3A_1126 = arith.minimumf %min3A_1062, %max3A_1125 : vector<16xf32>
        %max3A_1127 = arith.maximumf %min3A_1062, %max3A_1125 : vector<16xf32>
        %min3A_1128 = arith.minimumf %min3A_1064, %max3A_1127 : vector<16xf32>
        %max3A_1129 = arith.maximumf %min3A_1064, %max3A_1127 : vector<16xf32>
        %min3A_1130 = arith.minimumf %min3A_1066, %max3A_1129 : vector<16xf32>
        %max3A_1131 = arith.maximumf %min3A_1066, %max3A_1129 : vector<16xf32>
        %min3A_1132 = arith.minimumf %min3A_1068, %max3A_1131 : vector<16xf32>
        %max3A_1133 = arith.maximumf %min3A_1068, %max3A_1131 : vector<16xf32>
        %min3A_1134 = arith.minimumf %min3A_1070, %add3A_1117 : vector<16xf32>
        %max3A_1135 = arith.maximumf %min3A_1070, %add3A_1117 : vector<16xf32>
        %min3A_1136 = arith.minimumf %min3A_1072, %max3A_1135 : vector<16xf32>
        %max3A_1137 = arith.maximumf %min3A_1072, %max3A_1135 : vector<16xf32>
        %min3A_1138 = arith.minimumf %min3A_1074, %max3A_1137 : vector<16xf32>
        %max3A_1139 = arith.maximumf %min3A_1074, %max3A_1137 : vector<16xf32>
        %min3A_1140 = arith.minimumf %min3A_1076, %max3A_1139 : vector<16xf32>
        %max3A_1141 = arith.maximumf %min3A_1076, %max3A_1139 : vector<16xf32>
        %min3A_1142 = arith.minimumf %min3A_1078, %max3A_1141 : vector<16xf32>
        %max3A_1143 = arith.maximumf %min3A_1078, %max3A_1141 : vector<16xf32>
        %min3A_1144 = arith.minimumf %min3A_1080, %max3A_1143 : vector<16xf32>
        %max3A_1145 = arith.maximumf %min3A_1080, %max3A_1143 : vector<16xf32>
        %min3A_1146 = arith.minimumf %min3A_1082, %max3A_1145 : vector<16xf32>
        %max3A_1147 = arith.maximumf %min3A_1082, %max3A_1145 : vector<16xf32>
        %min3A_1148 = arith.minimumf %min3A_1084, %max3A_1147 : vector<16xf32>
        %max3A_1149 = arith.maximumf %min3A_1084, %max3A_1147 : vector<16xf32>
        %add3A_1150 = arith.constant 15 : i32
        %add3A_1151 = arith.addi %while3A_172, %add3A_1150 : i32
        %mul3A_1152 = arith.constant 16 : i32
        %mul3A_1153 = arith.muli %add3A_1151, %mul3A_1152 : i32
        %get3A_1154 = arith.index_cast %mul3A_1153 : i32 to index
        %get3A_1155 = tpu.vector_load %arg6[%get3A_1154] {strides = array<i32>} : memref<10528xf32, #tpu.memory_space<vmem>>, vector<16xf32>,
        %get3A_1156 = arith.index_cast %mul3A_1153 : i32 to index
        %get3A_1157 = tpu.vector_load %arg7[%get3A_1156] {strides = array<i32>} : memref<10528xf32, #tpu.memory_space<vmem>>, vector<16xf32>,
        %get3A_1158 = arith.index_cast %mul3A_1153 : i32 to index
        %get3A_1159 = tpu.vector_load %arg8[%get3A_1158] {strides = array<i32>} : memref<10528xf32, #tpu.memory_space<vmem>>, vector<16xf32>,
        %sub3A_1160 = vector.broadcast %squeeze3A : f32 to vector<16xf32>
        %sub3A_1161 = arith.subf %get3A_1155, %sub3A_1160 : vector<16xf32>
        %sub3A_1162 = vector.broadcast %squeeze3A_26 : f32 to vector<16xf32>
        %sub3A_1163 = arith.subf %get3A_1157, %sub3A_1162 : vector<16xf32>
        %sub3A_1164 = vector.broadcast %squeeze3A_30 : f32 to vector<16xf32>
        %sub3A_1165 = arith.subf %get3A_1159, %sub3A_1164 : vector<16xf32>
        %mul3A_1166 = arith.mulf %sub3A_1161, %sub3A_1161 : vector<16xf32>
        %mul3A_1167 = arith.mulf %sub3A_1163, %sub3A_1163 : vector<16xf32>
        %add3A_1168 = arith.addf %mul3A_1166, %mul3A_1167 : vector<16xf32>
        %mul3A_1169 = arith.mulf %sub3A_1165, %sub3A_1165 : vector<16xf32>
        %add3A_1170 = arith.addf %add3A_1168, %mul3A_1169 : vector<16xf32>
        %sub3A_1171 = vector.broadcast %squeeze3A_24 : f32 to vector<16xf32>
        %sub3A_1172 = arith.subf %get3A_1155, %sub3A_1171 : vector<16xf32>
        %sub3A_1173 = vector.broadcast %squeeze3A_28 : f32 to vector<16xf32>
        %sub3A_1174 = arith.subf %get3A_1157, %sub3A_1173 : vector<16xf32>
        %sub3A_1175 = vector.broadcast %squeeze3A_32 : f32 to vector<16xf32>
        %sub3A_1176 = arith.subf %get3A_1159, %sub3A_1175 : vector<16xf32>
        %mul3A_1177 = arith.mulf %sub3A_1172, %sub3A_1172 : vector<16xf32>
        %mul3A_1178 = arith.mulf %sub3A_1174, %sub3A_1174 : vector<16xf32>
        %add3A_1179 = arith.addf %mul3A_1177, %mul3A_1178 : vector<16xf32>
        %mul3A_1180 = arith.mulf %sub3A_1176, %sub3A_1176 : vector<16xf32>
        %add3A_1181 = arith.addf %add3A_1179, %mul3A_1180 : vector<16xf32>
        %min3A_1182 = arith.minimumf %min3A_1118, %add3A_1170 : vector<16xf32>
        %max3A_1183 = arith.maximumf %min3A_1118, %add3A_1170 : vector<16xf32>
        %min3A_1184 = arith.minimumf %min3A_1120, %max3A_1183 : vector<16xf32>
        %max3A_1185 = arith.maximumf %min3A_1120, %max3A_1183 : vector<16xf32>
        %min3A_1186 = arith.minimumf %min3A_1122, %max3A_1185 : vector<16xf32>
        %max3A_1187 = arith.maximumf %min3A_1122, %max3A_1185 : vector<16xf32>
        %min3A_1188 = arith.minimumf %min3A_1124, %max3A_1187 : vector<16xf32>
        %max3A_1189 = arith.maximumf %min3A_1124, %max3A_1187 : vector<16xf32>
        %min3A_1190 = arith.minimumf %min3A_1126, %max3A_1189 : vector<16xf32>
        %max3A_1191 = arith.maximumf %min3A_1126, %max3A_1189 : vector<16xf32>
        %min3A_1192 = arith.minimumf %min3A_1128, %max3A_1191 : vector<16xf32>
        %max3A_1193 = arith.maximumf %min3A_1128, %max3A_1191 : vector<16xf32>
        %min3A_1194 = arith.minimumf %min3A_1130, %max3A_1193 : vector<16xf32>
        %max3A_1195 = arith.maximumf %min3A_1130, %max3A_1193 : vector<16xf32>
        %min3A_1196 = arith.minimumf %min3A_1132, %max3A_1195 : vector<16xf32>
        %max3A_1197 = arith.maximumf %min3A_1132, %max3A_1195 : vector<16xf32>
        %min3A_1198 = arith.minimumf %min3A_1134, %add3A_1181 : vector<16xf32>
        %max3A_1199 = arith.maximumf %min3A_1134, %add3A_1181 : vector<16xf32>
        %min3A_1200 = arith.minimumf %min3A_1136, %max3A_1199 : vector<16xf32>
        %max3A_1201 = arith.maximumf %min3A_1136, %max3A_1199 : vector<16xf32>
        %min3A_1202 = arith.minimumf %min3A_1138, %max3A_1201 : vector<16xf32>
        %max3A_1203 = arith.maximumf %min3A_1138, %max3A_1201 : vector<16xf32>
        %min3A_1204 = arith.minimumf %min3A_1140, %max3A_1203 : vector<16xf32>
        %max3A_1205 = arith.maximumf %min3A_1140, %max3A_1203 : vector<16xf32>
        %min3A_1206 = arith.minimumf %min3A_1142, %max3A_1205 : vector<16xf32>
        %max3A_1207 = arith.maximumf %min3A_1142, %max3A_1205 : vector<16xf32>
        %min3A_1208 = arith.minimumf %min3A_1144, %max3A_1207 : vector<16xf32>
        %max3A_1209 = arith.maximumf %min3A_1144, %max3A_1207 : vector<16xf32>
        %min3A_1210 = arith.minimumf %min3A_1146, %max3A_1209 : vector<16xf32>
        %max3A_1211 = arith.maximumf %min3A_1146, %max3A_1209 : vector<16xf32>
        %min3A_1212 = arith.minimumf %min3A_1148, %max3A_1211 : vector<16xf32>
        %max3A_1213 = arith.maximumf %min3A_1148, %max3A_1211 : vector<16xf32>
        %sort3A = arith.constant dense<true> : vector<16xi1>
        %sort3A_1214, %sort3A_1215, %sort3A_1216 = tpu.sort %min3A_1182, %min3A_1182 masked %sort3A : (vector<16xf32>, vector<16xf32>, vector<16xi1>) -> (vector<16xi1>, vector<16xf32>, vector<16xf32>)
        %sort3A_1217 = arith.constant dense<true> : vector<16xi1>
        %sort3A_1218, %sort3A_1219, %sort3A_1220 = tpu.sort %min3A_1184, %min3A_1184 masked %sort3A_1217 : (vector<16xf32>, vector<16xf32>, vector<16xi1>) -> (vector<16xi1>, vector<16xf32>, vector<16xf32>)
        %rev3A = arith.constant 15 : i32
        %rev3A_1221 = vector.broadcast %rev3A : i32 to vector<16xi32>
        %rev3A_1222 = tpu.iota {dimensions = array<i32: 0>} : vector<16xi32>
        %rev3A_1223 = arith.subi %rev3A_1221, %rev3A_1222 : vector<16xi32>
        %rev3A_1224 = tpu.dynamic_gather %sort3A_1219[%rev3A_1223] in [0] : vector<16xf32>, vector<16xi32> -> vector<16xf32>
        %min3A_1225 = arith.minimumf %sort3A_1215, %rev3A_1224 : vector<16xf32>
        %sort3A_1226 = arith.constant dense<true> : vector<16xi1>
        %sort3A_1227, %sort3A_1228, %sort3A_1229 = tpu.sort %min3A_1225, %min3A_1225 masked %sort3A_1226 : (vector<16xf32>, vector<16xf32>, vector<16xi1>) -> (vector<16xi1>, vector<16xf32>, vector<16xf32>)
        %slice3A_1230 = vector.extract_strided_slice %sort3A_1228 {offsets = [8], sizes = [1], strides = [1]} : vector<16xf32> to vector<1xf32>
        %squeeze3A_1231 = vector.extract %slice3A_1230[0] : f32 from vector<1xf32>
        %min3A_1232 = arith.minimumf %while3A_173, %squeeze3A_1231 : f32
        %sort3A_1233 = arith.constant dense<true> : vector<16xi1>
        %sort3A_1234, %sort3A_1235, %sort3A_1236 = tpu.sort %min3A_1198, %min3A_1198 masked %sort3A_1233 : (vector<16xf32>, vector<16xf32>, vector<16xi1>) -> (vector<16xi1>, vector<16xf32>, vector<16xf32>)
        %sort3A_1237 = arith.constant dense<true> : vector<16xi1>
        %sort3A_1238, %sort3A_1239, %sort3A_1240 = tpu.sort %min3A_1200, %min3A_1200 masked %sort3A_1237 : (vector<16xf32>, vector<16xf32>, vector<16xi1>) -> (vector<16xi1>, vector<16xf32>, vector<16xf32>)
        %rev3A_1241 = arith.constant 15 : i32
        %rev3A_1242 = vector.broadcast %rev3A_1241 : i32 to vector<16xi32>
        %rev3A_1243 = tpu.iota {dimensions = array<i32: 0>} : vector<16xi32>
        %rev3A_1244 = arith.subi %rev3A_1242, %rev3A_1243 : vector<16xi32>
        %rev3A_1245 = tpu.dynamic_gather %sort3A_1239[%rev3A_1244] in [0] : vector<16xf32>, vector<16xi32> -> vector<16xf32>
        %min3A_1246 = arith.minimumf %sort3A_1235, %rev3A_1245 : vector<16xf32>
        %sort3A_1247 = arith.constant dense<true> : vector<16xi1>
        %sort3A_1248, %sort3A_1249, %sort3A_1250 = tpu.sort %min3A_1246, %min3A_1246 masked %sort3A_1247 : (vector<16xf32>, vector<16xf32>, vector<16xi1>) -> (vector<16xi1>, vector<16xf32>, vector<16xf32>)
        %slice3A_1251 = vector.extract_strided_slice %sort3A_1249 {offsets = [8], sizes = [1], strides = [1]} : vector<16xf32> to vector<1xf32>
        %squeeze3A_1252 = vector.extract %slice3A_1251[0] : f32 from vector<1xf32>
        %min3A_1253 = arith.minimumf %while3A_174, %squeeze3A_1252 : f32
        %sub3A_1254 = arith.constant 16 : i32
        %sub3A_1255 = arith.subi %while3A_172, %sub3A_1254 : i32
        scf.yield %sub3A_1255, %min3A_1232, %min3A_1253, %min3A_1182, %min3A_1184, %min3A_1186, %min3A_1188, %min3A_1190, %min3A_1192, %min3A_1194, %min3A_1196, %min3A_1198, %min3A_1200, %min3A_1202, %min3A_1204, %min3A_1206, %min3A_1208, %min3A_1210, %min3A_1212 : i32, f32, f32, vector<16xf32>, vector<16xf32>, vector<16xf32>, vector<16xf32>, vector<16xf32>, vector<16xf32>, vector<16xf32>, vector<16xf32>, vector<16xf32>, vector<16xf32>, vector<16xf32>, vector<16xf32>, vector<16xf32>, vector<16xf32>, vector<16xf32>, vector<16xf32>
      }
      %swap3A_58 = arith.index_cast %add3A_17 : i32 to index
      %swap3A_59 = tpu.vector_load %arg6[%swap3A_58] {strides = array<i32>} : memref<10528xf32, #tpu.memory_space<vmem>>, vector<16xf32>,
      tpu.vector_store %arg6[%swap3A_58], %get3A_18 {strides = array<i32>} : memref<10528xf32, #tpu.memory_space<vmem>>, vector<16xf32>,
      %swap3A_60 = arith.constant 0 : i32
      %swap3A_61 = arith.constant 0 : i32
      %swap3A_62 = arith.index_cast %scan3A_9 : i32 to index
      %swap3A_63 = arith.index_cast %swap3A_60 : i32 to index
      %swap3A_64 = arith.index_cast %swap3A_61 : i32 to index
      %swap3A_65 = arith.constant 0 : index
      %swap3A_66 = tpu.vector_load %arg9[%swap3A_62, %swap3A_63, %swap3A_64, %swap3A_65] {strides = array<i32>} : memref<157x2x1x128xf32, #tpu.memory_space<vmem>>, vector<16xf32>,
      tpu.vector_store %arg9[%swap3A_62, %swap3A_63, %swap3A_64, %swap3A_65], %while3A_57#3 {strides = array<i32>} : memref<157x2x1x128xf32, #tpu.memory_space<vmem>>, vector<16xf32>,
      %swap3A_67 = arith.constant 1 : i32
      %swap3A_68 = arith.constant 0 : i32
      %swap3A_69 = arith.index_cast %scan3A_9 : i32 to index
      %swap3A_70 = arith.index_cast %swap3A_67 : i32 to index
      %swap3A_71 = arith.index_cast %swap3A_68 : i32 to index
      %swap3A_72 = arith.constant 0 : index
      %swap3A_73 = tpu.vector_load %arg9[%swap3A_69, %swap3A_70, %swap3A_71, %swap3A_72] {strides = array<i32>} : memref<157x2x1x128xf32, #tpu.memory_space<vmem>>, vector<16xf32>,
      tpu.vector_store %arg9[%swap3A_69, %swap3A_70, %swap3A_71, %swap3A_72], %while3A_57#11 {strides = array<i32>} : memref<157x2x1x128xf32, #tpu.memory_space<vmem>>, vector<16xf32>,
      %swap3A_74 = arith.constant 0 : i32
      %swap3A_75 = arith.constant 0 : i32
      %swap3A_76 = arith.index_cast %scan3A_9 : i32 to index
      %swap3A_77 = arith.index_cast %swap3A_74 : i32 to index
      %swap3A_78 = arith.index_cast %swap3A_75 : i32 to index
      %swap3A_79 = arith.constant 16 : index
      %swap3A_80 = tpu.vector_load %arg9[%swap3A_76, %swap3A_77, %swap3A_78, %swap3A_79] {strides = array<i32>} : memref<157x2x1x128xf32, #tpu.memory_space<vmem>>, vector<16xf32>,
      tpu.vector_store %arg9[%swap3A_76, %swap3A_77, %swap3A_78, %swap3A_79], %while3A_57#4 {strides = array<i32>} : memref<157x2x1x128xf32, #tpu.memory_space<vmem>>, vector<16xf32>,
      %swap3A_81 = arith.constant 1 : i32
      %swap3A_82 = arith.constant 0 : i32
      %swap3A_83 = arith.index_cast %scan3A_9 : i32 to index
      %swap3A_84 = arith.index_cast %swap3A_81 : i32 to index
      %swap3A_85 = arith.index_cast %swap3A_82 : i32 to index
      %swap3A_86 = arith.constant 16 : index
      %swap3A_87 = tpu.vector_load %arg9[%swap3A_83, %swap3A_84, %swap3A_85, %swap3A_86] {strides = array<i32>} : memref<157x2x1x128xf32, #tpu.memory_space<vmem>>, vector<16xf32>,
      tpu.vector_store %arg9[%swap3A_83, %swap3A_84, %swap3A_85, %swap3A_86], %while3A_57#12 {strides = array<i32>} : memref<157x2x1x128xf32, #tpu.memory_space<vmem>>, vector<16xf32>,
      %swap3A_88 = arith.constant 0 : i32
      %swap3A_89 = arith.constant 0 : i32
      %swap3A_90 = arith.index_cast %scan3A_9 : i32 to index
      %swap3A_91 = arith.index_cast %swap3A_88 : i32 to index
      %swap3A_92 = arith.index_cast %swap3A_89 : i32 to index
      %swap3A_93 = arith.constant 32 : index
      %swap3A_94 = tpu.vector_load %arg9[%swap3A_90, %swap3A_91, %swap3A_92, %swap3A_93] {strides = array<i32>} : memref<157x2x1x128xf32, #tpu.memory_space<vmem>>, vector<16xf32>,
      tpu.vector_store %arg9[%swap3A_90, %swap3A_91, %swap3A_92, %swap3A_93], %while3A_57#5 {strides = array<i32>} : memref<157x2x1x128xf32, #tpu.memory_space<vmem>>, vector<16xf32>,
      %swap3A_95 = arith.constant 1 : i32
      %swap3A_96 = arith.constant 0 : i32
      %swap3A_97 = arith.index_cast %scan3A_9 : i32 to index
      %swap3A_98 = arith.index_cast %swap3A_95 : i32 to index
      %swap3A_99 = arith.index_cast %swap3A_96 : i32 to index
      %swap3A_100 = arith.constant 32 : index
      %swap3A_101 = tpu.vector_load %arg9[%swap3A_97, %swap3A_98, %swap3A_99, %swap3A_100] {strides = array<i32>} : memref<157x2x1x128xf32, #tpu.memory_space<vmem>>, vector<16xf32>,
      tpu.vector_store %arg9[%swap3A_97, %swap3A_98, %swap3A_99, %swap3A_100], %while3A_57#13 {strides = array<i32>} : memref<157x2x1x128xf32, #tpu.memory_space<vmem>>, vector<16xf32>,
      %swap3A_102 = arith.constant 0 : i32
      %swap3A_103 = arith.constant 0 : i32
      %swap3A_104 = arith.index_cast %scan3A_9 : i32 to index
      %swap3A_105 = arith.index_cast %swap3A_102 : i32 to index
      %swap3A_106 = arith.index_cast %swap3A_103 : i32 to index
      %swap3A_107 = arith.constant 48 : index
      %swap3A_108 = tpu.vector_load %arg9[%swap3A_104, %swap3A_105, %swap3A_106, %swap3A_107] {strides = array<i32>} : memref<157x2x1x128xf32, #tpu.memory_space<vmem>>, vector<16xf32>,
      tpu.vector_store %arg9[%swap3A_104, %swap3A_105, %swap3A_106, %swap3A_107], %while3A_57#6 {strides = array<i32>} : memref<157x2x1x128xf32, #tpu.memory_space<vmem>>, vector<16xf32>,
      %swap3A_109 = arith.constant 1 : i32
      %swap3A_110 = arith.constant 0 : i32
      %swap3A_111 = arith.index_cast %scan3A_9 : i32 to index
      %swap3A_112 = arith.index_cast %swap3A_109 : i32 to index
      %swap3A_113 = arith.index_cast %swap3A_110 : i32 to index
      %swap3A_114 = arith.constant 48 : index
      %swap3A_115 = tpu.vector_load %arg9[%swap3A_111, %swap3A_112, %swap3A_113, %swap3A_114] {strides = array<i32>} : memref<157x2x1x128xf32, #tpu.memory_space<vmem>>, vector<16xf32>,
      tpu.vector_store %arg9[%swap3A_111, %swap3A_112, %swap3A_113, %swap3A_114], %while3A_57#14 {strides = array<i32>} : memref<157x2x1x128xf32, #tpu.memory_space<vmem>>, vector<16xf32>,
      %swap3A_116 = arith.constant 0 : i32
      %swap3A_117 = arith.constant 0 : i32
      %swap3A_118 = arith.index_cast %scan3A_9 : i32 to index
      %swap3A_119 = arith.index_cast %swap3A_116 : i32 to index
      %swap3A_120 = arith.index_cast %swap3A_117 : i32 to index
      %swap3A_121 = arith.constant 64 : index
      %swap3A_122 = tpu.vector_load %arg9[%swap3A_118, %swap3A_119, %swap3A_120, %swap3A_121] {strides = array<i32>} : memref<157x2x1x128xf32, #tpu.memory_space<vmem>>, vector<16xf32>,
      tpu.vector_store %arg9[%swap3A_118, %swap3A_119, %swap3A_120, %swap3A_121], %while3A_57#7 {strides = array<i32>} : memref<157x2x1x128xf32, #tpu.memory_space<vmem>>, vector<16xf32>,
      %swap3A_123 = arith.constant 1 : i32
      %swap3A_124 = arith.constant 0 : i32
      %swap3A_125 = arith.index_cast %scan3A_9 : i32 to index
      %swap3A_126 = arith.index_cast %swap3A_123 : i32 to index
      %swap3A_127 = arith.index_cast %swap3A_124 : i32 to index
      %swap3A_128 = arith.constant 64 : index
      %swap3A_129 = tpu.vector_load %arg9[%swap3A_125, %swap3A_126, %swap3A_127, %swap3A_128] {strides = array<i32>} : memref<157x2x1x128xf32, #tpu.memory_space<vmem>>, vector<16xf32>,
      tpu.vector_store %arg9[%swap3A_125, %swap3A_126, %swap3A_127, %swap3A_128], %while3A_57#15 {strides = array<i32>} : memref<157x2x1x128xf32, #tpu.memory_space<vmem>>, vector<16xf32>,
      %swap3A_130 = arith.constant 0 : i32
      %swap3A_131 = arith.constant 0 : i32
      %swap3A_132 = arith.index_cast %scan3A_9 : i32 to index
      %swap3A_133 = arith.index_cast %swap3A_130 : i32 to index
      %swap3A_134 = arith.index_cast %swap3A_131 : i32 to index
      %swap3A_135 = arith.constant 80 : index
      %swap3A_136 = tpu.vector_load %arg9[%swap3A_132, %swap3A_133, %swap3A_134, %swap3A_135] {strides = array<i32>} : memref<157x2x1x128xf32, #tpu.memory_space<vmem>>, vector<16xf32>,
      tpu.vector_store %arg9[%swap3A_132, %swap3A_133, %swap3A_134, %swap3A_135], %while3A_57#8 {strides = array<i32>} : memref<157x2x1x128xf32, #tpu.memory_space<vmem>>, vector<16xf32>,
      %swap3A_137 = arith.constant 1 : i32
      %swap3A_138 = arith.constant 0 : i32
      %swap3A_139 = arith.index_cast %scan3A_9 : i32 to index
      %swap3A_140 = arith.index_cast %swap3A_137 : i32 to index
      %swap3A_141 = arith.index_cast %swap3A_138 : i32 to index
      %swap3A_142 = arith.constant 80 : index
      %swap3A_143 = tpu.vector_load %arg9[%swap3A_139, %swap3A_140, %swap3A_141, %swap3A_142] {strides = array<i32>} : memref<157x2x1x128xf32, #tpu.memory_space<vmem>>, vector<16xf32>,
      tpu.vector_store %arg9[%swap3A_139, %swap3A_140, %swap3A_141, %swap3A_142], %while3A_57#16 {strides = array<i32>} : memref<157x2x1x128xf32, #tpu.memory_space<vmem>>, vector<16xf32>,
      %swap3A_144 = arith.constant 0 : i32
      %swap3A_145 = arith.constant 0 : i32
      %swap3A_146 = arith.index_cast %scan3A_9 : i32 to index
      %swap3A_147 = arith.index_cast %swap3A_144 : i32 to index
      %swap3A_148 = arith.index_cast %swap3A_145 : i32 to index
      %swap3A_149 = arith.constant 96 : index
      %swap3A_150 = tpu.vector_load %arg9[%swap3A_146, %swap3A_147, %swap3A_148, %swap3A_149] {strides = array<i32>} : memref<157x2x1x128xf32, #tpu.memory_space<vmem>>, vector<16xf32>,
      tpu.vector_store %arg9[%swap3A_146, %swap3A_147, %swap3A_148, %swap3A_149], %while3A_57#9 {strides = array<i32>} : memref<157x2x1x128xf32, #tpu.memory_space<vmem>>, vector<16xf32>,
      %swap3A_151 = arith.constant 1 : i32
      %swap3A_152 = arith.constant 0 : i32
      %swap3A_153 = arith.index_cast %scan3A_9 : i32 to index
      %swap3A_154 = arith.index_cast %swap3A_151 : i32 to index
      %swap3A_155 = arith.index_cast %swap3A_152 : i32 to index
      %swap3A_156 = arith.constant 96 : index
      %swap3A_157 = tpu.vector_load %arg9[%swap3A_153, %swap3A_154, %swap3A_155, %swap3A_156] {strides = array<i32>} : memref<157x2x1x128xf32, #tpu.memory_space<vmem>>, vector<16xf32>,
      tpu.vector_store %arg9[%swap3A_153, %swap3A_154, %swap3A_155, %swap3A_156], %while3A_57#17 {strides = array<i32>} : memref<157x2x1x128xf32, #tpu.memory_space<vmem>>, vector<16xf32>,
      %swap3A_158 = arith.constant 0 : i32
      %swap3A_159 = arith.constant 0 : i32
      %swap3A_160 = arith.index_cast %scan3A_9 : i32 to index
      %swap3A_161 = arith.index_cast %swap3A_158 : i32 to index
      %swap3A_162 = arith.index_cast %swap3A_159 : i32 to index
      %swap3A_163 = arith.constant 112 : index
      %swap3A_164 = tpu.vector_load %arg9[%swap3A_160, %swap3A_161, %swap3A_162, %swap3A_163] {strides = array<i32>} : memref<157x2x1x128xf32, #tpu.memory_space<vmem>>, vector<16xf32>,
      tpu.vector_store %arg9[%swap3A_160, %swap3A_161, %swap3A_162, %swap3A_163], %while3A_57#10 {strides = array<i32>} : memref<157x2x1x128xf32, #tpu.memory_space<vmem>>, vector<16xf32>,
      %swap3A_165 = arith.constant 1 : i32
      %swap3A_166 = arith.constant 0 : i32
      %swap3A_167 = arith.index_cast %scan3A_9 : i32 to index
      %swap3A_168 = arith.index_cast %swap3A_165 : i32 to index
      %swap3A_169 = arith.index_cast %swap3A_166 : i32 to index
      %swap3A_170 = arith.constant 112 : index
      %swap3A_171 = tpu.vector_load %arg9[%swap3A_167, %swap3A_168, %swap3A_169, %swap3A_170] {strides = array<i32>} : memref<157x2x1x128xf32, #tpu.memory_space<vmem>>, vector<16xf32>,
      tpu.vector_store %arg9[%swap3A_167, %swap3A_168, %swap3A_169, %swap3A_170], %while3A_57#18 {strides = array<i32>} : memref<157x2x1x128xf32, #tpu.memory_space<vmem>>, vector<16xf32>,
    }
    %scan3A_8 = arith.constant 157 : i32
    "tpu.region"() ({
      %run_scoped3A = tpu.sem_alloc : memref<!tpu.dma_semaphore, #tpu.memory_space<semaphore_mem>>
      %dma_start3A = arith.constant 0 : i32
      %dma_start3A_9 = arith.constant 0 : i32
      %dma_start3A_10 = arith.constant 0 : i32
      %dma_start3A_11 = arith.constant 0 : i32
      %dma_start3A_12 = tpu.memref_slice %arg5[%dma_start3A, %add3A, %dma_start3A_9, %dma_start3A_10, %dma_start3A_11] : memref<157x32x2x1x128xf32, #tpu.memory_space<hbm>> -> memref<157x1x2x1x128xf32, #tpu.memory_space<hbm>>
      %dma_start3A_13 = tpu.memref_squeeze %dma_start3A_12 : memref<157x1x2x1x128xf32, #tpu.memory_space<hbm>> -> memref<157x2x1x128xf32, #tpu.memory_space<hbm>>
      %dma_start3A_14 = arith.constant 0 : i32
      %dma_start3A_15 = arith.constant 0 : i32
      %dma_start3A_16 = arith.constant 0 : i32
      %dma_start3A_17 = arith.constant 0 : i32
      %dma_start3A_18 = tpu.memref_slice %arg5[%dma_start3A_14, %add3A, %dma_start3A_15, %dma_start3A_16, %dma_start3A_17] : memref<157x32x2x1x128xf32, #tpu.memory_space<hbm>> -> memref<157x1x2x1x128xf32, #tpu.memory_space<hbm>>
      %dma_start3A_19 = tpu.memref_squeeze %dma_start3A_18 : memref<157x1x2x1x128xf32, #tpu.memory_space<hbm>> -> memref<157x2x1x128xf32, #tpu.memory_space<hbm>>
      tpu.enqueue_dma source(%arg9 : memref<157x2x1x128xf32, #tpu.memory_space<vmem>>) target(%dma_start3A_19 : memref<157x2x1x128xf32, #tpu.memory_space<hbm>>) target_semaphore(%run_scoped3A : memref<!tpu.dma_semaphore, #tpu.memory_space<semaphore_mem>>)
      %dma_wait3A = arith.constant 0 : i32
      %dma_wait3A_20 = arith.constant 0 : i32
      %dma_wait3A_21 = arith.constant 0 : i32
      %dma_wait3A_22 = arith.constant 0 : i32
      %dma_wait3A_23 = tpu.memref_slice %arg5[%dma_wait3A, %add3A, %dma_wait3A_20, %dma_wait3A_21, %dma_wait3A_22] : memref<157x32x2x1x128xf32, #tpu.memory_space<hbm>> -> memref<157x1x2x1x128xf32, #tpu.memory_space<hbm>>
      %dma_wait3A_24 = tpu.memref_squeeze %dma_wait3A_23 : memref<157x1x2x1x128xf32, #tpu.memory_space<hbm>> -> memref<157x2x1x128xf32, #tpu.memory_space<hbm>>
      %dma_wait3A_25 = arith.constant 0 : i32
      %dma_wait3A_26 = arith.constant 0 : i32
      %dma_wait3A_27 = arith.constant 0 : i32
      %dma_wait3A_28 = arith.constant 0 : i32
      %dma_wait3A_29 = tpu.memref_slice %arg5[%dma_wait3A_25, %add3A, %dma_wait3A_26, %dma_wait3A_27, %dma_wait3A_28] : memref<157x32x2x1x128xf32, #tpu.memory_space<hbm>> -> memref<157x1x2x1x128xf32, #tpu.memory_space<hbm>>
      %dma_wait3A_30 = tpu.memref_squeeze %dma_wait3A_29 : memref<157x1x2x1x128xf32, #tpu.memory_space<hbm>> -> memref<157x2x1x128xf32, #tpu.memory_space<hbm>>
      tpu.wait_dma2 semaphore(%run_scoped3A : memref<!tpu.dma_semaphore, #tpu.memory_space<semaphore_mem>>) src(%arg9 : memref<157x2x1x128xf32, #tpu.memory_space<vmem>>) dst(%dma_wait3A_30 : memref<157x2x1x128xf32, #tpu.memory_space<hbm>>)
      tpu.yield
    }) : () -> ()
    return
  }
}

module attributes {stable_mosaic.version = 14 : i64} {
  func.func @body(%arg0: memref<10048x128xf32, #tpu.memory_space<vmem>>, %arg1: memref<10048x1xf32, #tpu.memory_space<vmem>>, %arg2: memref<1x1xf32, #tpu.memory_space<smem>>) attributes {dimension_semantics = [], scalar_prefetch = 0 : i64, scratch_operands = 0 : i64, tpu.core_type = #tpu.core_type<tc>} {
    %get3A = arith.constant 0 : index
    %get3A_0 = arith.constant 0 : index
    %get3A_1 = vector.load %arg0[%get3A, %get3A_0] : memref<10048x128xf32, #tpu.memory_space<vmem>>, vector<10048x128xf32>
    %broadcast_in_dim3A = arith.constant 0.000000e+00 : f32
    %broadcast_in_dim3A_2 = vector.broadcast %broadcast_in_dim3A : f32 to vector<10048x1xf32>
    %reduce_min3A = arith.constant dense<0x7F800000> : vector<10048xf32>
    %reduce_min3A_3 = vector.multi_reduction <minimumf>, %get3A_1, %reduce_min3A [1] : vector<10048x128xf32> to vector<10048xf32>
    %broadcast_in_dim3A_4 = vector.shape_cast %reduce_min3A_3 : vector<10048xf32> to vector<10048x1xf32>
    %sqrt3A = math.sqrt %broadcast_in_dim3A_4 : vector<10048x1xf32>
    %add3A = arith.addf %broadcast_in_dim3A_2, %sqrt3A : vector<10048x1xf32>
    %eq3A = vector.broadcast %broadcast_in_dim3A_4 : vector<10048x1xf32> to vector<10048x128xf32>
    %eq3A_5 = arith.cmpf oeq, %get3A_1, %eq3A : vector<10048x128xf32>
    %jit3A = arith.constant 0x7F800000 : f32
    %broadcast_in_dim3A_6 = vector.broadcast %jit3A : f32 to vector<10048x128xf32>
    %select_n3A = arith.select %eq3A_5, %broadcast_in_dim3A_6, %get3A_1 : vector<10048x128xi1>, vector<10048x128xf32>
    %reduce_min3A_7 = arith.constant dense<0x7F800000> : vector<10048xf32>
    %reduce_min3A_8 = vector.multi_reduction <minimumf>, %select_n3A, %reduce_min3A_7 [1] : vector<10048x128xf32> to vector<10048xf32>
    %broadcast_in_dim3A_9 = vector.shape_cast %reduce_min3A_8 : vector<10048xf32> to vector<10048x1xf32>
    %sqrt3A_10 = math.sqrt %broadcast_in_dim3A_9 : vector<10048x1xf32>
    %add3A_11 = arith.addf %add3A, %sqrt3A_10 : vector<10048x1xf32>
    %eq3A_12 = vector.broadcast %broadcast_in_dim3A_9 : vector<10048x1xf32> to vector<10048x128xf32>
    %eq3A_13 = arith.cmpf oeq, %select_n3A, %eq3A_12 : vector<10048x128xf32>
    %jit3A_14 = arith.constant 0x7F800000 : f32
    %broadcast_in_dim3A_15 = vector.broadcast %jit3A_14 : f32 to vector<10048x128xf32>
    %select_n3A_16 = arith.select %eq3A_13, %broadcast_in_dim3A_15, %select_n3A : vector<10048x128xi1>, vector<10048x128xf32>
    %reduce_min3A_17 = arith.constant dense<0x7F800000> : vector<10048xf32>
    %reduce_min3A_18 = vector.multi_reduction <minimumf>, %select_n3A_16, %reduce_min3A_17 [1] : vector<10048x128xf32> to vector<10048xf32>
    %broadcast_in_dim3A_19 = vector.shape_cast %reduce_min3A_18 : vector<10048xf32> to vector<10048x1xf32>
    %sqrt3A_20 = math.sqrt %broadcast_in_dim3A_19 : vector<10048x1xf32>
    %add3A_21 = arith.addf %add3A_11, %sqrt3A_20 : vector<10048x1xf32>
    %eq3A_22 = vector.broadcast %broadcast_in_dim3A_19 : vector<10048x1xf32> to vector<10048x128xf32>
    %eq3A_23 = arith.cmpf oeq, %select_n3A_16, %eq3A_22 : vector<10048x128xf32>
    %jit3A_24 = arith.constant 0x7F800000 : f32
    %broadcast_in_dim3A_25 = vector.broadcast %jit3A_24 : f32 to vector<10048x128xf32>
    %select_n3A_26 = arith.select %eq3A_23, %broadcast_in_dim3A_25, %select_n3A_16 : vector<10048x128xi1>, vector<10048x128xf32>
    %reduce_min3A_27 = arith.constant dense<0x7F800000> : vector<10048xf32>
    %reduce_min3A_28 = vector.multi_reduction <minimumf>, %select_n3A_26, %reduce_min3A_27 [1] : vector<10048x128xf32> to vector<10048xf32>
    %broadcast_in_dim3A_29 = vector.shape_cast %reduce_min3A_28 : vector<10048xf32> to vector<10048x1xf32>
    %sqrt3A_30 = math.sqrt %broadcast_in_dim3A_29 : vector<10048x1xf32>
    %add3A_31 = arith.addf %add3A_21, %sqrt3A_30 : vector<10048x1xf32>
    %eq3A_32 = vector.broadcast %broadcast_in_dim3A_29 : vector<10048x1xf32> to vector<10048x128xf32>
    %eq3A_33 = arith.cmpf oeq, %select_n3A_26, %eq3A_32 : vector<10048x128xf32>
    %jit3A_34 = arith.constant 0x7F800000 : f32
    %broadcast_in_dim3A_35 = vector.broadcast %jit3A_34 : f32 to vector<10048x128xf32>
    %select_n3A_36 = arith.select %eq3A_33, %broadcast_in_dim3A_35, %select_n3A_26 : vector<10048x128xi1>, vector<10048x128xf32>
    %reduce_min3A_37 = arith.constant dense<0x7F800000> : vector<10048xf32>
    %reduce_min3A_38 = vector.multi_reduction <minimumf>, %select_n3A_36, %reduce_min3A_37 [1] : vector<10048x128xf32> to vector<10048xf32>
    %broadcast_in_dim3A_39 = vector.shape_cast %reduce_min3A_38 : vector<10048xf32> to vector<10048x1xf32>
    %sqrt3A_40 = math.sqrt %broadcast_in_dim3A_39 : vector<10048x1xf32>
    %add3A_41 = arith.addf %add3A_31, %sqrt3A_40 : vector<10048x1xf32>
    %eq3A_42 = vector.broadcast %broadcast_in_dim3A_39 : vector<10048x1xf32> to vector<10048x128xf32>
    %eq3A_43 = arith.cmpf oeq, %select_n3A_36, %eq3A_42 : vector<10048x128xf32>
    %jit3A_44 = arith.constant 0x7F800000 : f32
    %broadcast_in_dim3A_45 = vector.broadcast %jit3A_44 : f32 to vector<10048x128xf32>
    %select_n3A_46 = arith.select %eq3A_43, %broadcast_in_dim3A_45, %select_n3A_36 : vector<10048x128xi1>, vector<10048x128xf32>
    %reduce_min3A_47 = arith.constant dense<0x7F800000> : vector<10048xf32>
    %reduce_min3A_48 = vector.multi_reduction <minimumf>, %select_n3A_46, %reduce_min3A_47 [1] : vector<10048x128xf32> to vector<10048xf32>
    %broadcast_in_dim3A_49 = vector.shape_cast %reduce_min3A_48 : vector<10048xf32> to vector<10048x1xf32>
    %sqrt3A_50 = math.sqrt %broadcast_in_dim3A_49 : vector<10048x1xf32>
    %add3A_51 = arith.addf %add3A_41, %sqrt3A_50 : vector<10048x1xf32>
    %eq3A_52 = vector.broadcast %broadcast_in_dim3A_49 : vector<10048x1xf32> to vector<10048x128xf32>
    %eq3A_53 = arith.cmpf oeq, %select_n3A_46, %eq3A_52 : vector<10048x128xf32>
    %jit3A_54 = arith.constant 0x7F800000 : f32
    %broadcast_in_dim3A_55 = vector.broadcast %jit3A_54 : f32 to vector<10048x128xf32>
    %select_n3A_56 = arith.select %eq3A_53, %broadcast_in_dim3A_55, %select_n3A_46 : vector<10048x128xi1>, vector<10048x128xf32>
    %reduce_min3A_57 = arith.constant dense<0x7F800000> : vector<10048xf32>
    %reduce_min3A_58 = vector.multi_reduction <minimumf>, %select_n3A_56, %reduce_min3A_57 [1] : vector<10048x128xf32> to vector<10048xf32>
    %broadcast_in_dim3A_59 = vector.shape_cast %reduce_min3A_58 : vector<10048xf32> to vector<10048x1xf32>
    %sqrt3A_60 = math.sqrt %broadcast_in_dim3A_59 : vector<10048x1xf32>
    %add3A_61 = arith.addf %add3A_51, %sqrt3A_60 : vector<10048x1xf32>
    %eq3A_62 = vector.broadcast %broadcast_in_dim3A_59 : vector<10048x1xf32> to vector<10048x128xf32>
    %eq3A_63 = arith.cmpf oeq, %select_n3A_56, %eq3A_62 : vector<10048x128xf32>
    %jit3A_64 = arith.constant 0x7F800000 : f32
    %broadcast_in_dim3A_65 = vector.broadcast %jit3A_64 : f32 to vector<10048x128xf32>
    %select_n3A_66 = arith.select %eq3A_63, %broadcast_in_dim3A_65, %select_n3A_56 : vector<10048x128xi1>, vector<10048x128xf32>
    %reduce_min3A_67 = arith.constant dense<0x7F800000> : vector<10048xf32>
    %reduce_min3A_68 = vector.multi_reduction <minimumf>, %select_n3A_66, %reduce_min3A_67 [1] : vector<10048x128xf32> to vector<10048xf32>
    %broadcast_in_dim3A_69 = vector.shape_cast %reduce_min3A_68 : vector<10048xf32> to vector<10048x1xf32>
    %sqrt3A_70 = math.sqrt %broadcast_in_dim3A_69 : vector<10048x1xf32>
    %add3A_71 = arith.addf %add3A_61, %sqrt3A_70 : vector<10048x1xf32>
    %mul3A = arith.constant 1.250000e-01 : f32
    %mul3A_72 = vector.broadcast %mul3A : f32 to vector<10048x1xf32>
    %mul3A_73 = arith.mulf %add3A_71, %mul3A_72 : vector<10048x1xf32>
    %get3A_74 = arith.constant 0 : index
    %get3A_75 = arith.constant 0 : index
    %get3A_76 = vector.load %arg1[%get3A_74, %get3A_75] : memref<10048x1xf32, #tpu.memory_space<vmem>>, vector<10048x1xf32>
    %sub3A = arith.subf %get3A_76, %mul3A_73 : vector<10048x1xf32>
    %mul3A_77 = arith.mulf %sub3A, %sub3A : vector<10048x1xf32>
    %iota3A = tpu.iota {dimensions = array<i32: 0>} : vector<10048x1xi32>
    %lt3A = arith.constant 10000 : i32
    %lt3A_78 = vector.broadcast %lt3A : i32 to vector<10048x1xi32>
    %lt3A_79 = arith.cmpi slt, %iota3A, %lt3A_78 : vector<10048x1xi32>
    %jit3A_80 = arith.constant 0.000000e+00 : f32
    %broadcast_in_dim3A_81 = vector.broadcast %jit3A_80 : f32 to vector<10048x1xf32>
    %select_n3A_82 = arith.select %lt3A_79, %mul3A_77, %broadcast_in_dim3A_81 : vector<10048x1xi1>, vector<10048x1xf32>
    %reduce_sum3A = vector.shape_cast %select_n3A_82 : vector<10048x1xf32> to vector<1x10048x1xf32>
    %reduce_sum3A_83 = arith.constant dense<0.000000e+00> : vector<1xf32>
    %reduce_sum3A_84 = vector.multi_reduction <add>, %reduce_sum3A, %reduce_sum3A_83 [1, 2] : vector<1x10048x1xf32> to vector<1xf32>
    %reduce_sum3A_85 = vector.shape_cast %reduce_sum3A_84 : vector<1xf32> to vector<1x1x1xf32>
    %reduce_sum3A_86 = vector.extract %reduce_sum3A_85[0, 0, 0] : f32 from vector<1x1x1xf32>
    %div3A = arith.constant 1.000000e+04 : f32
    %div3A_87 = arith.divf %reduce_sum3A_86, %div3A : f32
    %swap3A = arith.constant 0 : index
    %swap3A_88 = arith.constant 0 : index
    %swap3A_89 = memref.load %arg2[%swap3A, %swap3A_88] : memref<1x1xf32, #tpu.memory_space<smem>>
    memref.store %div3A_87, %arg2[%swap3A, %swap3A_88] : memref<1x1xf32, #tpu.memory_space<smem>>
    return
  }
}

</mosaic_0001>

<sc_bundles>
// kernel: kernel.4.cloned.1.call-start
scs
__scs_entry_jumppad:
0x0: {  	(pc) =	sbr.rel $0x88, $3  }
0x1: {  	(tag) =	ssettag $0x0;
	lr =	simm.s32 $0x1  }
0x2: {  	[smem:$0x3F9F] =	sst lr;
	_ =	strace $0xD0000000  }
0x3: {  	_ = 	snop  }
0x4: {  	_ = 	snop  }
0x5: {  	_ = 	snop  }
0x6: {  	_ = 	snop  }
0x7: {  	_ = 	snop  }
__scs_overlays_trampoline_lowered:
0x8: {  	[smem:$0x3FAE] =	sst s0  }
0x9: {  	[smem:$0x3FAF] =	sst s1  }
0xa: {  	[smem:$0x3FB0] =	sst s2  }
0xb: {  	[smem:$0x3FB1] =	sst s3  }
0xc: {  	[smem:$0x3FB2] =	sst s4  }
0xd: {  	[smem:$0x3FB3] =	sst s5  }
0xe: {  	[smem:$0x3FB4] =	sst s6  }
0xf: {  	[smem:$0x3FB5] =	sst s7  }
0x10: {  	[smem:$0x3FB6] =	sst s8  }
0x11: {  	[smem:$0x3FB7] =	sst s9;
	s0 =	simm.s32 @!p0 $0x0  }
0x12: {  	s1 =	sld [smem:$0x3F9D];
	s0 =	simm.s32 @p0 $0x1  }
0x13: {  	[smem:$0x3FB8] =	sst s0;
	s0 =	simm.s32 @!p1 $0x0  }
0x14: {  	s2 =	sld [smem:$0x3F9C];
	s0 =	simm.s32 @p1 $0x1  }
0x15: {  	[smem:$0x3FB9] =	sst s0;
	s0 =	simm.s32 @!p2 $0x0  }
0x16: {  	s3 =	sld [smem:$0x3FDB];
	s0 =	simm.s32 @p2 $0x1  }
0x17: {  	s4 =	simm.s32 $0x1BF5;
	[smem:$0x3FBB] =	sst s0  }
0x18: {  	s0 =	sld [smem:$0x3F9E];
	_ =	swait.ge [sflag:s4], $0x0  }
0x19: {  	s7 =	sld [smem:$0x3F9F]  }
0x1a: {  	s8 =	sadd.s32 $0xFFFFE003, lr  }
0x1b: {  	s9 =	sadd.s32 $0xFFFFFEF7, lr;
	s5 =	simm.s32 $0xFFFFFFFF;
	p2 =	slt.u32 s8, $0xFFFFF086  }
0x1c: {  	p1 =	slt.u32 s9, $0xF7A;
	s5 =	simm.s32 @!p2 $0x0  }
0x1d: {  	s5 =	simm.s32 @p1 $0x1;
	p0 =	seq.s32 s7, s2  }
0x1e: {  	s7 =	smul.u32 @!p0 $0xF7A, s2;
	p2 =	seq.s32 @!p0 s5, $0x0  }
0x1f: {  	s9 =	smul.u32 $0xF7A, s1;
	s8 =	simm.s32 @!p0 $0x1BF5;
	p2 =	por !p2, p0  }
0x20: {  	[sflag:s8] =	ssyncset.s32 @!p0 $0xFFFFF086;
	s6 =	sadd.s32 @!p0 s3, s7;
	s7 =	simm.s32 @!p0 $0x108  }
0x21: {  	s3 =	sadd.s32 s3, s9;
	s6 =	sadd.s32 @!p0 $0x88, s6;
	s7 =	simm.s32 @p2 $0x1082  }
0x22: {  	[simem:s7], [sflag:s8] =	dma.local @!p0 [hbm:s6], $0xF7A  }
0x23: {  	s9 =	sor.u32 $0xD0000000, s2;
	s6 =	simm.s32 $0x108;
	_ =	swait.ge @!p0 [sflag:s8], $0x0  }
0x24: {  	s3 =	sadd.s32 $0x88, s3;
	s6 =	simm.s32 @!p1 $0x1082;
	[sflag:s4] =	ssyncset.s32 $0xFFFFF086  }
0x25: {  	[simem:s6], [sflag:s4] =	dma.local [hbm:s3], $0xF7A  }
0x26: {  	[smem:$0x3F9F] =	sst s1;
	(tag) =	ssettag s2;
	_ =	strace s9  }
0x27: {  	s1 =	sld [smem:$0x3FAF]  }
0x28: {  	s2 =	sld [smem:$0x3FB0]  }
0x29: {  	s4 =	sld [smem:$0x3FB2]  }
0x2a: {  	p0 =	seq.s32 s5, $0x0;
	s5 =	sld [smem:$0x3FB3]  }
0x2b: {  	s6 =	sld [smem:$0x3FB4]  }
0x2c: {  	s7 =	sld [smem:$0x3FB5]  }
0x2d: {  	s3 =	simm.s32 $0x108;
	s8 =	sld [smem:$0x3FB6]  }
0x2e: {  	s3 =	simm.s32 @!p0 $0x1082;
	s9 =	sld [smem:$0x3FB7]  }
0x2f: {  	lr =	sadd.s32 s0, s3;
	s0 =	sld [smem:$0x3FAE]  }
0x30: {  	s3 =	sld [smem:$0x3FB1]  }
0x31: {  	[smem:$0x3FBA] =	sst s10  }
0x32: {  	s10 =	sld [smem:$0x3FB8];
	_ =	sdelay $0x3  }
0x33: {  	p0 =	seq.s32 s10, $0x1;
	s10 =	sld [smem:$0x3FBA];
	_ =	sdelay $0x3  }
0x34: {  	[smem:$0x3FBA] =	sst s10  }
0x35: {  	s10 =	sld [smem:$0x3FB9];
	_ =	sdelay $0x3  }
0x36: {  	p1 =	seq.s32 s10, $0x1;
	s10 =	sld [smem:$0x3FBA];
	_ =	sdelay $0x3  }
0x37: {  	[smem:$0x3FBA] =	sst s10  }
0x38: {  	s10 =	sld [smem:$0x3FBB]  }
0x39: {  	_ = 	snop;
	(pc) =	sbr.ind lr, $3  }
0x3a: {  	_ = 	snop  }
0x3b: {  	_ = 	snop  }
0x3c: {  	p2 =	seq.s32 s10, $0x1;
	s10 =	sld [smem:$0x3FBA]  }
0x3d: {  	_ =	shalt  }
0x3e: {  	_ =	shalt  }
0x3f: {  	_ =	shalt  }
0x40: {  	_ =	shalt  }
0x41: {  	_ =	shalt  }
0x42: {  	_ =	shalt  }
0x43: {  	_ =	shalt  }
0x44: {  	_ =	shalt  }
0x45: {  	_ =	shalt  }
0x46: {  	_ =	shalt  }
0x47: {  	_ =	shalt  }
0x48: {  	_ =	shalt  }
0x49: {  	_ =	shalt  }
0x4a: {  	_ =	shalt  }
0x4b: {  	_ =	shalt  }
0x4c: {  	_ =	shalt  }
0x4d: {  	_ =	shalt  }
0x4e: {  	_ =	shalt  }
0x4f: {  	_ =	shalt  }
0x50: {  	_ =	shalt  }
0x51: {  	_ =	shalt  }
0x52: {  	_ =	shalt  }
0x53: {  	_ =	shalt  }
0x54: {  	_ =	shalt  }
0x55: {  	_ =	shalt  }
0x56: {  	_ =	shalt  }
0x57: {  	_ =	shalt  }
0x58: {  	_ =	shalt  }
0x59: {  	_ =	shalt  }
0x5a: {  	_ =	shalt  }
0x5b: {  	_ =	shalt  }
0x5c: {  	_ =	shalt  }
0x5d: {  	_ =	shalt  }
0x5e: {  	_ =	shalt  }
0x5f: {  	_ =	shalt  }
0x60: {  	_ =	shalt  }
0x61: {  	_ =	shalt  }
0x62: {  	_ =	shalt  }
0x63: {  	_ =	shalt  }
0x64: {  	_ =	shalt  }
0x65: {  	_ =	shalt  }
0x66: {  	_ =	shalt  }
0x67: {  	_ =	shalt  }
0x68: {  	_ =	shalt  }
0x69: {  	_ =	shalt  }
0x6a: {  	_ =	shalt  }
0x6b: {  	_ =	shalt  }
0x6c: {  	_ =	shalt  }
0x6d: {  	_ =	shalt  }
0x6e: {  	_ =	shalt  }
0x6f: {  	_ =	shalt  }
0x70: {  	_ =	shalt  }
0x71: {  	_ =	shalt  }
0x72: {  	_ =	shalt  }
0x73: {  	_ =	shalt  }
0x74: {  	_ =	shalt  }
0x75: {  	_ =	shalt  }
0x76: {  	_ =	shalt  }
0x77: {  	_ =	shalt  }
0x78: {  	_ =	shalt  }
0x79: {  	_ =	shalt  }
0x7a: {  	_ =	shalt  }
0x7b: {  	_ =	shalt  }
0x7c: {  	_ =	shalt  }
0x7d: {  	_ =	shalt  }
0x7e: {  	_ =	shalt  }
0x7f: {  	_ =	shalt  }
0x80: {  	_ =	shalt  }
0x81: {  	_ =	shalt  }
0x82: {  	_ =	shalt  }
0x83: {  	_ =	shalt  }
0x84: {  	_ =	shalt  }
0x85: {  	_ =	shalt  }
0x86: {  	_ =	shalt  }
0x87: {  	_ =	shalt  }
.Lfunc_end0:
.L_simem_size_0:
called_computation_lowered:
.L_overlay_start_0:
0x88: {  	s2 =	sld [smem:$0x3FD9]  }
0x89: {  	s3 =	sld [smem:$0x3FFE];
	_ =	sdelay $0x1  }
0x8a: {  	s1 =	srdreg.scid  }
0x8b: {  	s0 =	sand.u32 $0x1, s1  }
0x8c: {  	s16 =	sshll.u32 s0, $0xA;
	s2 =	sadd.s32 s3, s2  }
0x8d: {  	s2 =	sadd.s32 s2, s16  }
0x8e: {  	[smem:$0x3FC6] =	sst s2  }
0x8f: {  	_ = 	snop  }
0x90: {  	(tm) =	ssettm $0x1  }
0x91: {  	s17 =	sld [smem:$0x3FFB];
	_ =	sdelay $0x3  }
0x92: {  	_ =	strace s17  }
0x93: {  	s2 =	sld [smem:$0x3FFC];
	_ =	sdelay $0x3  }
0x94: {  	_ =	strace s2  }
0x95: {  	s2 =	sld [smem:$0x3FFD];
	_ =	sdelay $0x3  }
0x96: {  	_ =	strace s2  }
0x97: {  	_ =	strace $0x8FFFFFFF  }
0x98: {  	s18 =	sld [smem:$0x3FDB];
	_ =	sdelay $0x1  }
0x99: {  	s19 =	simm.s32 $_scs_section_size  }
0x9a: {  	s4 =	simm.s32 $_size__tile_overlayer_lowered;
	s5 =	simm.s32 $_tile_overlayer_lowered  }
0x9b: {  	s22 =	simm.s32 $0x1BFF;
	s21 =	sshll.u32 s5, $0x1;
	s2 =	sadd.s32 s19, s18  }
0x9c: {  	s6 =	simm.s32 $0x0;
	s20 =	sshll.u32 s4, $0x1;
	s4 =	sadd.s32 s21, s2  }
0x9d: {  	[timem:s6], [sflag:s22] =	dma.local [hbm:s4], s20  }
0x9e: {  	_ =	swait.ge [sflag:s22], s20  }
0x9f: {  	s3 =	ssub.s32 $0x0, s20;
	[sflag:s22] =	ssyncset.done $0x0  }
0xa0: {  	[sflag:s22] =	ssyncadd.s32 s3;
	_ =	sdelay $0x1  }
0xa1: {  	s23 =	simm.s32 $0x1B8B  }
0xa2: {  	_ =	swait.ge [sflag:s23], $0x1  }
0xa3: {  	[sflag:s23] =	ssyncset.done $0x0  }
0xa4: {  	s25 =	simm.s32 $0x1B8E;
	s24 =	sld [smem:$0x3FFE];
	[sflag:s23] =	ssyncadd.s32 $0xFFFFFFFF  }
0xa5: {  	s26 =	simm.s32 $execute0_lowered;
	[smem:$0x3FD2] =	sst s25  }
0xa6: {  	s4 =	sshll.u32 s26, $0x1;
	_ =	strace $0x80000046;
	[dreg:$0x1] =	wrdreg $0xFFFFFFFF  }
0xa7: {  	s28 =	simm.s32 $_size_execute0_lowered;
	s2 =	sadd.s32 s2, s4;
	[dreg:$0x0] =	wrdreg $0x0  }
0xa8: {  	s4 =	sshll.u32 s28, $0x1;
	[dreg:$0x2] =	wrdreg s2  }
0xa9: {  	[dreg:$0x3] =	wrdreg s4  }
0xaa: {  	[dreg:$0x4] =	wrdreg $0xC0  }
0xab: {  	_ =	task [dreg:s6], $0x5FFFF  }
0xac: {  	[dreg:$0x1] =	wrdreg $0xFFFFFFFF  }
0xad: {  	[dreg:$0x0] =	wrdreg $0x60  }
0xae: {  	[dreg:$0x2] =	wrdreg s24  }
0xaf: {  	[dreg:$0x3] =	wrdreg $0x9  }
0xb0: {  	_ =	task.clear_ibuf [dreg:s6], $0x4FFFF;
	_ =	strace $0x90000046  }
0xb1: {  	s29 =	simm.s32 $0x9;
	_ =	strace $0x80000048  }
0xb2: {  	_ =	swait.ge [sflag:s29], $0x1  }
0xb3: {  	[sflag:s29] =	ssyncadd.s32 $0xFFFFFFFF  }
0xb4: {  	_ =	strace $0x90000048  }
0xb5: {  	_ =	sfence  }
0xb6: {  	s30 =	sld [smem:$0x0];
	_ =	sdelay $0x2  }
0xb7: {  	s31 =	sshll.u32 s1, $0xD;
	s1 =	sshrl.u32 s1, $0x2  }
0xb8: {  	s3 =	sand.u32 $0x4000, s31;
	s1 =	sadd.s32 s1, s30  }
0xb9: {  	s0 =	sor.u32 s3, s0;
	s1 =	sshll.u32 s1, $0x11  }
0xba: {  	s0 =	sor.u32 s1, s0  }
0xbb: {  	s0 =	sadd.s32 $0x8F2B, s0  }
0xbc: {  	[sflag:s0] =	ssyncadd.remote.s32 $0x1  }
0xbd: {  	_ =	sfence.sel $0xFFFF  }
0xbe: {  	[dreg:$0x0] =	wrdreg $0xFFFFFFFF;
	(pc) =	sbr.abs _section_cstart, $3  }
0xbf: {  	[dreg:$0x1] =	wrdreg $0xFFFFFFFF  }
0xc0: {  	_ =	task.clear_ibuf [dreg:s6], $0x2FFFF;
	_ =	strace $0x9FFFFFFF  }
0xc1: {  	(tm) =	ssettm $0x7FFFFFFF  }
tec
execute0_lowered:
.L_overlay_start_1:
0x0: {  	(tag) =	ssettag $0x1  }
0x1: {  	s1 =	rddreg [dreg:$0x0];
	s3 =	simm.s32 $0x0  }
0x2: {  	s4 =	srdreg.scid;
	s0 =	stileid.u32;
	s12 =	simm.s32 $0x5300  }
0x3: {  	s13 =	simm.s32 $0x100;
	s14 =	simm.s32 $0x2000;
	s15 =	simm.s32 $0x7C80  }
0x4: {  	s16 =	simm.s32 $0x0;
	[smem:$0x7FF] =	sst s3;
	s8 =	sand.u32 $0x1, s4  }
0x5: {  	s5 =	sshll.u32 s0, $0x1;
	s4 =	sadd.s32 $0xC00, s1;
	s31 =	sshll.u32 s0, $0x2  }
.Ltmp0:
0x6: {  	_ =	strace $0x80000047;
	s6 =	sor.u32 s8, s5;
	(pc) =	sbr.rel .LBB2_1-.Ltmp0, $4  }
0x7: {  	v0 =	vlaneseq.u32;
	s7 =	ssub.s32 $0x2, s8;
	s5 =	sadd.s32 $0x600, s1;
	s9 =	sshll.u32 s6, $0x5  }
0x8: {  	v0 =	vmul.u32 $0xFFFFFFFF, v0;
	s11 =	sshll.u32 s8, $0x1;
	s10 =	sshrl.u32 s7, $0x1;
	s9 =	sadd.s32 s9, s1  }
0x9: {  	s6 =	sshll.u32 s6, $0x1;
	s10 =	ssub.s32 s7, s10;
	s7 =	sadd.s32 $0x1200, s9  }
0xa: {  	vm0 =	vmmov $0x3;
	v0 =	vadd.s32 $0xF, v0;
	s8 =	smax.u32 s10, $0x1;
	s9 =	sor.u32 s11, s31;
	s10 =	simm.s32 $0x1  }
.LBB2_9:
0xb: {  	s16 =	sadd.s32 $0x1, s16  }
0xc: {  	p0 =	sne.s32 s16, s8  }
.Ltmp1:
0xd: {  	_ = 	snop;
	(pc) =	sbr.rel @!p0 .LBB2_10-.Ltmp1, $4  }
0xe: {  	[hbm4b:s7+s13] =	stream.strided.scatter [tilespmem:s15], [sflag:$0x1], $0x9D00, s14, s13, $0x38;
	[tilespmem:$0x11980] =	vst v63  }
0xf: {  	_ =	swait.ge [sflag:s10], $0x9D00  }
0x10: {  	[sflag:s10] =	ssyncset.done $0x0  }
0x11: {  	[sflag:s10] =	ssyncadd.s32 $0xFFFF6300  }
.LBB2_1:
0x12: {  	[tilespmem:s3], [sflag:$0x1] =	stream.linear.gather [hbm4b:s4+s3], $0x2980, $0x38;
	[tilespmem:$0x11980] =	vst v63  }
0x13: {  	_ =	swait.ge [sflag:s10], $0x2980  }
0x14: {  	[sflag:s10] =	ssyncset.done $0x0  }
0x15: {  	s0 =	simm.s32 $0x2980;
	[sflag:s10] =	ssyncadd.s32 $0xFFFFD680  }
0x16: {  	[tilespmem:s0], [sflag:$0x1] =	stream.linear.gather [hbm4b:s1+s3], $0x2980, $0x38;
	[tilespmem:$0x11980] =	vst v63  }
0x17: {  	_ =	swait.ge [sflag:s10], $0x2980  }
0x18: {  	[sflag:s10] =	ssyncset.done $0x0  }
.Ltmp2:
0x19: {  	[sflag:s10] =	ssyncadd.s32 $0xFFFFD680;
	(pc) =	sbr.rel .LBB2_2-.Ltmp2, $4  }
0x1a: {  	[tilespmem:s12], [sflag:$0x1] =	stream.linear.gather [hbm4b:s5+s3], $0x2980, $0x38;
	[tilespmem:$0x11980] =	vst v63  }
0x1b: {  	_ =	swait.ge [sflag:s10], $0x2980  }
0x1c: {  	[sflag:s10] =	ssyncset.done $0x0  }
0x1d: {  	s17 =	smov.u32 s9;
	s18 =	simm.s32 $0x0;
	[sflag:s10] =	ssyncadd.s32 $0xFFFFD680  }
.LBB2_8:
0x1e: {  	s0 =	sshll.u32 s18, $0x8  }
0x1f: {  	[tilespmem:s19+$0x0] =	vst v1;
	s0 =	sand.u32 $0x3FFFFF00, s0  }
0x20: {  	[tilespmem:s0+$0x7C80] =	vst v8  }
0x21: {  	[tilespmem:s0+$0x7D00] =	vst v10  }
0x22: {  	[tilespmem:s0+$0x7C90] =	vst v9  }
0x23: {  	[tilespmem:s0+$0x7D10] =	vst v11  }
0x24: {  	[tilespmem:s0+$0x7CA0] =	vst v12  }
0x25: {  	[tilespmem:s0+$0x7D20] =	vst v23  }
0x26: {  	[tilespmem:s0+$0x7CB0] =	vst v13  }
0x27: {  	[tilespmem:s0+$0x7D30] =	vst v21  }
0x28: {  	[tilespmem:s0+$0x7CC0] =	vst v14  }
0x29: {  	s18 =	sadd.s32 $0x1, s18;
	[tilespmem:s0+$0x7D40] =	vst v19  }
0x2a: {  	p0 =	sne.s32 s18, $0x9D;
	[tilespmem:s0+$0x7CD0] =	vst v15  }
.Ltmp3:
0x2b: {  	[tilespmem:s0+$0x7D50] =	vst v22;
	(pc) =	sbr.rel @!p0 .LBB2_9-.Ltmp3, $4  }
0x2c: {  	[tilespmem:s0+$0x7CE0] =	vst v16  }
0x2d: {  	[tilespmem:s0+$0x7D60] =	vst v20  }
0x2e: {  	[tilespmem:s0+$0x7CF0] =	vst v18  }
0x2f: {  	s17 =	sadd.s32 $0x40, s17;
	[tilespmem:s0+$0x7D70] =	vst v17  }
.LBB2_2:
0x30: {  	s19 =	sshll.u32 s18, $0x6  }
0x31: {  	s19 =	sor.u32 s6, s19  }
0x32: {  	s19 =	smin.u32 s19, $0x270E  }
0x33: {  	s21 =	sadd.s32 $0x100, s19  }
0x34: {  	s19 =	sand.u32 $0x7E, s19;
	s20 =	sand.u32 $0x7F80, s21  }
0x35: {  	s19 =	sor.u32 s19, s20  }
0x36: {  	v1 =	vld [tilespmem:s19+$0x0];
	_ =	sdelay $0x4  }
0x37: {  	v2 =	vsel vm0, $0x47C35000, v1  }
0x38: {  	s30 =	sand.u32 $0x7FF0, s21;
	[tilespmem:s19+$0x0] =	vst v2  }
0x39: {  	v14 =	vld [tilespmem:s30+$0x0];
	_ =	sdelay $0x3  }
0x3a: {  	(v2sf) =	vpush v1, $0x0  }
0x3b: {  	(v2sf) =	vpush v14, $0x0;
	_ =	sdelay $0xd  }
0x3c: {  	s20 =	spop (v2sf)  }
0x3d: {  	s22 =	spop (v2sf)  }
0x3e: {  	s22 =	ssub.f32 s22, s20  }
0x3f: {  	v6 =	vld [tilespmem:s19+$0x2980]  }
0x40: {  	v7 =	vld [tilespmem:s19+$0x5300];
	s22 =	smul.f32 s22, s22  }
0x41: {  	p0 =	slt.s32 s17, $0x270E;
	s23 =	smov.u32 s17  }
0x42: {  	s23 =	simm.s32 @!p0 $0x270E;
	p0 =	sne.f32 s22, s22  }
.Ltmp4:
0x43: {  	_ = 	snop;
	(pc) =	sbr.rel @p0 .LBB2_3-.Ltmp4, $4  }
0x44: {  	_ = 	snop  }
0x45: {  	v3 =	vbroadcast v6, $0x0;
	v4 =	vbroadcast v7, $0x0  }
0x46: {  	s31 =	sadd.s32 $0x100, s23;
	v5 =	vbroadcast v1, $0x1;
	v6 =	vbroadcast v6, $0x1  }
0x47: {  	s24 =	sand.u32 $0xFFFFFFF0, s31;
	s23 =	sand.u32 $0x3FFFFFF0, s31;
	s25 =	sshrl.u32 s21, $0x4;
	v7 =	vbroadcast v7, $0x1;
	v2 =	vbroadcast v1, $0x0  }
0x48: {  	v17 =	vimm.f32 $+Inf  }
0x49: {  	v20 =	vimm.f32 $+Inf;
	v22 =	vimm.f32 $+Inf;
	v19 =	vimm.f32 $+Inf  }
0x4a: {  	v21 =	vimm.f32 $+Inf;
	v23 =	vimm.f32 $+Inf;
	v11 =	vimm.f32 $+Inf  }
0x4b: {  	v10 =	vimm.f32 $+Inf;
	v18 =	vimm.f32 $+Inf;
	v16 =	vimm.f32 $+Inf;
	s26 =	sadd.s32 $0x5390, s23  }
0x4c: {  	s28 =	sadd.s32 $0x2A10, s23;
	v24 =	vimm.f32 $+Inf;
	v15 =	vimm.f32 $+Inf;
	v13 =	vimm.f32 $+Inf;
	s29 =	sadd.s32 $0x90, s23;
	s21 =	simm.f32 $+Inf  }
0x4d: {  	s30 =	smov.u32 s24;
	v12 =	vimm.f32 $+Inf;
	v9 =	vimm.f32 $+Inf;
	v8 =	vimm.f32 $+Inf;
	s22 =	simm.f32 $+Inf;
	s31 =	smov.u32 s25  }
.LBB2_12:
0x4e: {  	v25 =	vld [tilespmem:s28+$0xFFFFFF70]  }
0x4f: {  	v26 =	vld [tilespmem:s26+$0xFFFFFF70]  }
0x50: {  	v50 =	vld [tilespmem:s29+$0xFFFFFF80]  }
0x51: {  	v31 =	vld [tilespmem:s28+$0xFFFFFF80]  }
0x52: {  	v58 =	vld [tilespmem:s29+$0xFFFFFF90]  }
0x53: {  	v27 =	vsub.f32 v14, v2;
	v34 =	vld [tilespmem:s29+$0xFFFFFFA0]  }
0x54: {  	v14 =	vsub.f32 v14, v5;
	v36 =	vld [tilespmem:s28+$0xFFFFFFA0];
	v28 =	vsub.f32 v25, v3  }
0x55: {  	v45 =	vld [tilespmem:s29+$0xFFFFFFC0];
	v27 =	vmul.f32 v27, v27;
	v29 =	vsub.f32 v26, v4;
	v25 =	vsub.f32 v25, v6  }
0x56: {  	v26 =	vsub.f32 v26, v7;
	v52 =	vsub.f32 v50, v2;
	v28 =	vmul.f32 v28, v28  }
0x57: {  	v32 =	vsub.f32 v31, v3;
	v53 =	vsub.f32 v31, v6  }
0x58: {  	v60 =	vsub.f32 v58, v2;
	v49 =	vmul.f32 v29, v29;
	v27 =	vadd.f32 v28, v27  }
0x59: {  	v14 =	vmul.f32 v14, v14;
	v37 =	vsub.f32 v34, v2;
	v38 =	vsub.f32 v36, v3  }
0x5a: {  	v47 =	vsub.f32 v45, v2;
	v25 =	vmul.f32 v25, v25;
	v27 =	vadd.f32 v49, v27  }
0x5b: {  	v32 =	vmul.f32 v32, v32;
	v29 =	vsub.f32 v50, v5;
	v55 =	vmul.f32 v53, v53  }
0x5c: {  	v14 =	vadd.f32 v25, v14;
	v25 =	vmul.f32 v26, v26;
	v28 =	vmax.f32 v8, v27  }
0x5d: {  	v31 =	vmul.f32 v60, v60;
	v54 =	vmul.f32 v29, v29;
	v26 =	vmax.f32 v9, v28  }
0x5e: {  	v51 =	vld [tilespmem:s26+$0xFFFFFF80];
	v29 =	vsub.f32 v36, v6;
	v14 =	vadd.f32 v25, v14;
	v30 =	vmax.f32 v12, v26  }
0x5f: {  	v8 =	vmin.f32 v8, v27;
	v12 =	vmin.f32 v12, v26;
	v25 =	vmax.f32 v13, v30  }
0x60: {  	v13 =	vmin.f32 v13, v30;
	v30 =	vmul.f32 v52, v52;
	v27 =	vmax.f32 v15, v25  }
0x61: {  	v15 =	vmin.f32 v15, v25;
	v26 =	vmax.f32 v24, v27;
	v24 =	vmin.f32 v24, v27  }
0x62: {  	v27 =	vmax.f32 v10, v14;
	v25 =	vmax.f32 v16, v26;
	v16 =	vmin.f32 v16, v26  }
0x63: {  	v26 =	vsub.f32 v51, v4;
	v18 =	vmin.f32 v18, v25;
	v25 =	vmax.f32 v11, v27  }
0x64: {  	v9 =	vmin.f32 v9, v28;
	v10 =	vmin.f32 v10, v14;
	v14 =	vmin.f32 v23, v25  }
0x65: {  	v23 =	vmax.f32 v23, v25;
	v25 =	vadd.f32 v32, v30;
	v26 =	vmul.f32 v26, v26  }
0x66: {  	v11 =	vmin.f32 v11, v27;
	v27 =	vmax.f32 v21, v23;
	v21 =	vmin.f32 v21, v23  }
0x67: {  	v23 =	vmax.f32 v19, v27;
	v25 =	vadd.f32 v26, v25;
	v26 =	vsub.f32 v51, v7  }
0x68: {  	v19 =	vmin.f32 v19, v27;
	v27 =	vmin.f32 v22, v23;
	v22 =	vmax.f32 v22, v23  }
0x69: {  	v23 =	vadd.f32 v55, v54;
	v26 =	vmul.f32 v26, v26;
	v56 =	vmax.f32 v8, v25  }
0x6a: {  	v52 =	vld [tilespmem:s29+$0xFFFFFFD0];
	v57 =	vmin.f32 v20, v22;
	v20 =	vmax.f32 v20, v22;
	v22 =	vmax.f32 v9, v56  }
0x6b: {  	v17 =	vmin.f32 v17, v20;
	v20 =	vadd.f32 v26, v23;
	v23 =	vmax.f32 v12, v22;
	v26 =	vld [tilespmem:s28+$0xFFFFFF90]  }
0x6c: {  	v28 =	vmul.f32 v37, v37;
	v8 =	vmin.f32 v8, v25;
	v25 =	vmax.f32 v13, v23  }
0x6d: {  	v12 =	vmin.f32 v12, v22;
	v13 =	vmin.f32 v13, v23;
	v23 =	vld [tilespmem:s26+$0xFFFFFF90];
	v22 =	vmax.f32 v15, v25  }
0x6e: {  	v15 =	vmin.f32 v15, v25;
	v25 =	vmin.f32 v24, v22;
	v22 =	vmax.f32 v24, v22  }
0x6f: {  	v30 =	vsub.f32 v58, v5;
	v55 =	vsub.f32 v52, v2;
	v24 =	vmin.f32 v16, v22  }
0x70: {  	v54 =	vld [tilespmem:s28+$0xFFFFFFD0];
	v16 =	vmax.f32 v16, v22;
	v22 =	vmax.f32 v10, v20;
	v61 =	vsub.f32 v26, v3  }
0x71: {  	v10 =	vmin.f32 v10, v20;
	v59 =	vmax.f32 v11, v22;
	v16 =	vmin.f32 v18, v16  }
0x72: {  	v18 =	vmax.f32 v14, v59;
	v20 =	vsub.f32 v23, v4;
	v32 =	vmul.f32 v61, v61  }
0x73: {  	v11 =	vmin.f32 v11, v22;
	v26 =	vsub.f32 v26, v6;
	v22 =	vmin.f32 v21, v18  }
0x74: {  	v18 =	vmax.f32 v21, v18;
	v20 =	vmul.f32 v20, v20;
	v21 =	vadd.f32 v32, v31  }
0x75: {  	v9 =	vmin.f32 v9, v56;
	v56 =	vsub.f32 v54, v3;
	v14 =	vmin.f32 v14, v59  }
0x76: {  	v26 =	vmul.f32 v26, v26;
	v62 =	vmax.f32 v19, v18;
	v20 =	vadd.f32 v20, v21  }
0x77: {  	v18 =	vmin.f32 v19, v18;
	v21 =	vsub.f32 v23, v7;
	v23 =	vmul.f32 v30, v30  }
0x78: {  	v19 =	vmax.f32 v27, v62;
	v27 =	vmin.f32 v27, v62;
	v33 =	vmax.f32 v8, v20  }
0x79: {  	v31 =	vmul.f32 v47, v47;
	v23 =	vadd.f32 v26, v23;
	v26 =	vmax.f32 v9, v33  }
0x7a: {  	v63 =	vmax.f32 v57, v19;
	v21 =	vmul.f32 v21, v21;
	v35 =	vmax.f32 v12, v26  }
0x7b: {  	v8 =	vmin.f32 v8, v20;
	v12 =	vmin.f32 v12, v26;
	v26 =	vld [tilespmem:s26+$0xFFFFFFA0];
	v20 =	vmax.f32 v13, v35  }
0x7c: {  	v19 =	vmin.f32 v57, v19;
	v21 =	vadd.f32 v21, v23;
	v23 =	vmax.f32 v15, v20  }
0x7d: {  	v17 =	vmin.f32 v17, v63;
	v15 =	vmin.f32 v15, v20;
	v20 =	vmax.f32 v25, v23  }
0x7e: {  	v30 =	vmul.f32 v38, v38;
	v23 =	vmin.f32 v25, v23;
	v25 =	vmin.f32 v24, v20  }
0x7f: {  	v20 =	vmax.f32 v24, v20;
	v24 =	vmax.f32 v10, v21;
	v10 =	vmin.f32 v10, v21  }
0x80: {  	v16 =	vmin.f32 v16, v20;
	v20 =	vmax.f32 v11, v24;
	v21 =	vsub.f32 v26, v4  }
0x81: {  	v11 =	vmin.f32 v11, v24;
	v24 =	vmin.f32 v14, v20;
	v14 =	vmax.f32 v14, v20  }
0x82: {  	v28 =	vadd.f32 v30, v28;
	v9 =	vmin.f32 v9, v33;
	v20 =	vmin.f32 v22, v14  }
0x83: {  	v21 =	vmul.f32 v21, v21;
	v14 =	vmax.f32 v22, v14;
	v22 =	vsub.f32 v34, v5  }
0x84: {  	v13 =	vmin.f32 v13, v35;
	v39 =	vmin.f32 v18, v14;
	v14 =	vmax.f32 v18, v14  }
0x85: {  	v43 =	vld [tilespmem:s28+$0xFFFFFFB0];
	v18 =	vadd.f32 v21, v28;
	v21 =	vsub.f32 v26, v7;
	v22 =	vmul.f32 v22, v22  }
0x86: {  	v41 =	vld [tilespmem:s29+$0xFFFFFFB0];
	v26 =	vmul.f32 v29, v29;
	v40 =	vmin.f32 v27, v14;
	v14 =	vmax.f32 v27, v14  }
0x87: {  	v42 =	vmin.f32 v19, v14;
	v14 =	vmax.f32 v19, v14;
	v27 =	vmax.f32 v8, v18  }
0x88: {  	v22 =	vadd.f32 v26, v22;
	v21 =	vmul.f32 v21, v21;
	v14 =	vmin.f32 v17, v14  }
0x89: {  	v8 =	vmin.f32 v8, v18;
	v26 =	vmax.f32 v9, v27;
	v9 =	vmin.f32 v9, v27  }
0x8a: {  	v27 =	vsub.f32 v43, v3;
	v19 =	vmax.f32 v12, v26;
	v17 =	vadd.f32 v21, v22  }
0x8b: {  	v22 =	vld [tilespmem:s26+$0xFFFFFFB0];
	v12 =	vmin.f32 v12, v26;
	v26 =	vsub.f32 v41, v2;
	v21 =	vmax.f32 v13, v19  }
0x8c: {  	v13 =	vmin.f32 v13, v19;
	v27 =	vmul.f32 v27, v27;
	v18 =	vmax.f32 v15, v21  }
0x8d: {  	v15 =	vmin.f32 v15, v21;
	v26 =	vmul.f32 v26, v26;
	v19 =	vmax.f32 v23, v18  }
0x8e: {  	v18 =	vmin.f32 v23, v18;
	v23 =	vmax.f32 v10, v17;
	v21 =	vmax.f32 v25, v19  }
0x8f: {  	v19 =	vmin.f32 v25, v19;
	v16 =	vmin.f32 v16, v21;
	v21 =	vmax.f32 v11, v23  }
0x90: {  	v25 =	vsub.f32 v22, v4;
	v11 =	vmin.f32 v11, v23;
	v23 =	vadd.f32 v27, v26  }
0x91: {  	v10 =	vmin.f32 v10, v17;
	v26 =	vsub.f32 v41, v5;
	v27 =	vsub.f32 v43, v6  }
0x92: {  	s0 =	sand.u32 $0x3FF0, s30;
	v17 =	vmin.f32 v24, v21;
	v21 =	vmax.f32 v24, v21;
	v24 =	vmul.f32 v25, v25  }
0x93: {  	v63 =	vld [tilespmem:s0+$0x80];
	v22 =	vsub.f32 v22, v7;
	v25 =	vmax.f32 v20, v21;
	v20 =	vmin.f32 v20, v21  }
0x94: {  	v21 =	vmax.f32 v39, v25;
	v23 =	vadd.f32 v24, v23;
	v24 =	vmul.f32 v26, v26  }
0x95: {  	v26 =	vmul.f32 v27, v27;
	v27 =	vmin.f32 v40, v21;
	v21 =	vmax.f32 v40, v21  }
0x96: {  	v30 =	vsub.f32 v45, v5;
	v22 =	vmul.f32 v22, v22;
	v28 =	vmin.f32 v42, v21  }
0x97: {  	v21 =	vmax.f32 v42, v21;
	v24 =	vadd.f32 v26, v24;
	v26 =	vmax.f32 v8, v23  }
0x98: {  	v37 =	vsub.f32 v63, v2;
	v14 =	vmin.f32 v14, v21;
	v44 =	vmax.f32 v9, v26  }
0x99: {  	v9 =	vmin.f32 v9, v26;
	v26 =	vld [tilespmem:s26+$0xFFFFFFC0];
	v21 =	vadd.f32 v22, v24;
	v22 =	vmax.f32 v12, v44  }
0x9a: {  	v29 =	vsub.f32 v54, v6;
	v8 =	vmin.f32 v8, v23;
	v24 =	vld [tilespmem:s28+$0xFFFFFFC0];
	v23 =	vmax.f32 v13, v22  }
0x9b: {  	v12 =	vmin.f32 v12, v44;
	v44 =	vld [tilespmem:s28+$0x0];
	v13 =	vmin.f32 v13, v22;
	v22 =	vmax.f32 v15, v23  }
0x9c: {  	v15 =	vmin.f32 v15, v23;
	v23 =	vmin.f32 v18, v22;
	v18 =	vmax.f32 v18, v22  }
0x9d: {  	v25 =	vmin.f32 v39, v25;
	v22 =	vmin.f32 v19, v18;
	v18 =	vmax.f32 v19, v18  }
0x9e: {  	v19 =	vmax.f32 v10, v21;
	v10 =	vmin.f32 v10, v21;
	v21 =	vsub.f32 v26, v4  }
0x9f: {  	v46 =	vmax.f32 v11, v19;
	v48 =	vsub.f32 v24, v3;
	v16 =	vmin.f32 v16, v18  }
0xa0: {  	v11 =	vmin.f32 v11, v19;
	v24 =	vsub.f32 v24, v6;
	v45 =	vsub.f32 v44, v3  }
0xa1: {  	v47 =	vsub.f32 v44, v6;
	v18 =	vmax.f32 v17, v46;
	v17 =	vmin.f32 v17, v46  }
0xa2: {  	v32 =	vmul.f32 v48, v48;
	v19 =	vmin.f32 v20, v18;
	v18 =	vmax.f32 v20, v18  }
0xa3: {  	v21 =	vmul.f32 v21, v21;
	v24 =	vmul.f32 v24, v24;
	v49 =	vmax.f32 v25, v18  }
0xa4: {  	v18 =	vmin.f32 v25, v18;
	v20 =	vadd.f32 v32, v31;
	v25 =	vmax.f32 v27, v49  }
0xa5: {  	v27 =	vmin.f32 v27, v49;
	v31 =	vmul.f32 v45, v45;
	v49 =	vmul.f32 v47, v47  }
0xa6: {  	v50 =	vmax.f32 v28, v25;
	v25 =	vmin.f32 v28, v25;
	v20 =	vadd.f32 v21, v20  }
0xa7: {  	v28 =	vmul.f32 v55, v55;
	v21 =	vsub.f32 v26, v7;
	v26 =	vmul.f32 v30, v30  }
0xa8: {  	v14 =	vmin.f32 v14, v50;
	v30 =	vmul.f32 v56, v56;
	v50 =	vld [tilespmem:s26+$0x10];
	v51 =	vmax.f32 v8, v20  }
0xa9: {  	v24 =	vadd.f32 v24, v26;
	v21 =	vmul.f32 v21, v21;
	v26 =	vmax.f32 v9, v51  }
0xaa: {  	v8 =	vmin.f32 v8, v20;
	v53 =	vmax.f32 v12, v26;
	v12 =	vmin.f32 v12, v26;
	v26 =	vld [tilespmem:s26+$0xFFFFFFD0]  }
0xab: {  	v28 =	vadd.f32 v30, v28;
	v9 =	vmin.f32 v9, v51;
	v20 =	vmax.f32 v13, v53  }
0xac: {  	v21 =	vadd.f32 v21, v24;
	v13 =	vmin.f32 v13, v53;
	v24 =	vmax.f32 v15, v20  }
0xad: {  	v51 =	vsub.f32 v50, v4;
	v15 =	vmin.f32 v15, v20;
	v20 =	vmax.f32 v23, v24  }
0xae: {  	v23 =	vmin.f32 v23, v24;
	v24 =	vmin.f32 v22, v20;
	v20 =	vmax.f32 v22, v20  }
0xaf: {  	v22 =	vmax.f32 v10, v21;
	v10 =	vmin.f32 v10, v21;
	v21 =	vsub.f32 v26, v4  }
0xb0: {  	v16 =	vmin.f32 v16, v20;
	v20 =	vmax.f32 v11, v22;
	v11 =	vmin.f32 v11, v22  }
0xb1: {  	v22 =	vmin.f32 v17, v20;
	v17 =	vmax.f32 v17, v20;
	v21 =	vmul.f32 v21, v21  }
0xb2: {  	v20 =	vmin.f32 v19, v17;
	v17 =	vmax.f32 v19, v17;
	v19 =	vsub.f32 v52, v5  }
0xb3: {  	v57 =	vmin.f32 v18, v17;
	v17 =	vmax.f32 v18, v17;
	v18 =	vadd.f32 v21, v28  }
0xb4: {  	v61 =	vld [tilespmem:s28+$0xFFFFFFE0];
	v21 =	vsub.f32 v26, v7;
	v19 =	vmul.f32 v19, v19;
	v26 =	vmul.f32 v29, v29  }
0xb5: {  	v59 =	vld [tilespmem:s29+$0xFFFFFFE0];
	v58 =	vmin.f32 v27, v17;
	v17 =	vmax.f32 v27, v17;
	v29 =	vsub.f32 v50, v7  }
0xb6: {  	v60 =	vmin.f32 v25, v17;
	v17 =	vmax.f32 v25, v17;
	v27 =	vmax.f32 v8, v18  }
0xb7: {  	v19 =	vadd.f32 v26, v19;
	v21 =	vmul.f32 v21, v21;
	v14 =	vmin.f32 v14, v17  }
0xb8: {  	v8 =	vmin.f32 v8, v18;
	v26 =	vmax.f32 v9, v27;
	v9 =	vmin.f32 v9, v27  }
0xb9: {  	v27 =	vsub.f32 v61, v3;
	v25 =	vmax.f32 v12, v26;
	v17 =	vadd.f32 v21, v19  }
0xba: {  	v21 =	vld [tilespmem:s26+$0xFFFFFFE0];
	v12 =	vmin.f32 v12, v26;
	v26 =	vsub.f32 v59, v2;
	v19 =	vmax.f32 v13, v25  }
0xbb: {  	v13 =	vmin.f32 v13, v25;
	v27 =	vmul.f32 v27, v27;
	v18 =	vmax.f32 v15, v19  }
0xbc: {  	v15 =	vmin.f32 v15, v19;
	v26 =	vmul.f32 v26, v26;
	v25 =	vmax.f32 v23, v18  }
0xbd: {  	v18 =	vmin.f32 v23, v18;
	v23 =	vmax.f32 v10, v17;
	v19 =	vmax.f32 v24, v25  }
0xbe: {  	v10 =	vmin.f32 v10, v17;
	v24 =	vmin.f32 v24, v25;
	v16 =	vmin.f32 v16, v19  }
0xbf: {  	v19 =	vmax.f32 v11, v23;
	v25 =	vsub.f32 v21, v4;
	v21 =	vsub.f32 v21, v7  }
0xc0: {  	v45 =	vld [tilespmem:s28+$0x40];
	v17 =	vmin.f32 v22, v19;
	v19 =	vmax.f32 v22, v19;
	v22 =	vadd.f32 v27, v26  }
0xc1: {  	v11 =	vmin.f32 v11, v23;
	v26 =	vsub.f32 v59, v5;
	v27 =	vsub.f32 v61, v6  }
0xc2: {  	v23 =	vmul.f32 v25, v25;
	v25 =	vmax.f32 v20, v19;
	v19 =	vmin.f32 v20, v19  }
0xc3: {  	v21 =	vmul.f32 v21, v21;
	v20 =	vmax.f32 v57, v25;
	v25 =	vmin.f32 v57, v25  }
0xc4: {  	v22 =	vadd.f32 v23, v22;
	v23 =	vmul.f32 v26, v26;
	v26 =	vmul.f32 v27, v27  }
0xc5: {  	v57 =	vsub.f32 v45, v3;
	v27 =	vmin.f32 v58, v20;
	v20 =	vmax.f32 v58, v20  }
0xc6: {  	v28 =	vmin.f32 v60, v20;
	v23 =	vadd.f32 v26, v23;
	v26 =	vmax.f32 v8, v22  }
0xc7: {  	v50 =	vld [tilespmem:s28+$0x60];
	v20 =	vmax.f32 v60, v20;
	v30 =	vmul.f32 v57, v57;
	v62 =	vmax.f32 v9, v26  }
0xc8: {  	v14 =	vmin.f32 v14, v20;
	v20 =	vadd.f32 v21, v23;
	v21 =	vmax.f32 v12, v62  }
0xc9: {  	v8 =	vmin.f32 v8, v22;
	v9 =	vmin.f32 v9, v26;
	v23 =	vld [tilespmem:s0+$0x2A00];
	v22 =	vmax.f32 v13, v21  }
0xca: {  	v26 =	vld [tilespmem:s0+$0x5380];
	v12 =	vmin.f32 v12, v62;
	v13 =	vmin.f32 v13, v21;
	v21 =	vmax.f32 v15, v22  }
0xcb: {  	v15 =	vmin.f32 v15, v22;
	v22 =	vmin.f32 v18, v21;
	v18 =	vmax.f32 v18, v21  }
0xcc: {  	v62 =	vsub.f32 v50, v3;
	v33 =	vmin.f32 v10, v20;
	v21 =	vmin.f32 v24, v18  }
0xcd: {  	v18 =	vmax.f32 v24, v18;
	v24 =	vmax.f32 v10, v20;
	v20 =	vmul.f32 v37, v37  }
0xce: {  	v36 =	vmax.f32 v11, v24;
	v38 =	vsub.f32 v23, v3;
	v16 =	vmin.f32 v16, v18  }
0xcf: {  	v18 =	vsub.f32 v26, v4;
	v11 =	vmin.f32 v11, v24;
	v23 =	vsub.f32 v23, v6  }
0xd0: {  	v42 =	vld [tilespmem:s29+$0x0];
	v10 =	vmax.f32 v17, v36;
	v24 =	vmin.f32 v17, v36;
	v39 =	vmul.f32 v38, v38  }
0xd1: {  	v36 =	vld [tilespmem:s29+$0x20];
	v40 =	vmin.f32 v19, v10;
	v10 =	vmax.f32 v19, v10;
	v18 =	vmul.f32 v18, v18  }
0xd2: {  	v23 =	vmul.f32 v23, v23;
	v38 =	vld [tilespmem:s28+$0x20];
	v19 =	vmax.f32 v25, v10;
	v17 =	vadd.f32 v39, v20  }
0xd3: {  	v25 =	vmin.f32 v25, v10;
	v20 =	vsub.f32 v63, v5;
	v10 =	vmax.f32 v27, v19  }
0xd4: {  	v41 =	vmin.f32 v28, v10;
	v17 =	vadd.f32 v18, v17;
	v18 =	vsub.f32 v26, v7  }
0xd5: {  	v20 =	vmul.f32 v20, v20;
	v26 =	vmin.f32 v27, v19;
	v19 =	vmax.f32 v28, v10  }
0xd6: {  	v28 =	vsub.f32 v42, v5;
	v53 =	vsub.f32 v36, v2;
	v14 =	vmin.f32 v14, v19  }
0xd7: {  	v54 =	vsub.f32 v38, v3;
	v38 =	vsub.f32 v38, v6;
	v27 =	vmax.f32 v8, v17  }
0xd8: {  	v20 =	vadd.f32 v23, v20;
	v18 =	vmul.f32 v18, v18;
	v8 =	vmin.f32 v8, v17  }
0xd9: {  	v23 =	vmax.f32 v9, v27;
	v9 =	vmin.f32 v9, v27;
	v27 =	vsub.f32 v42, v2  }
0xda: {  	v38 =	vmul.f32 v38, v38;
	v10 =	vmax.f32 v12, v23;
	v43 =	vadd.f32 v18, v20  }
0xdb: {  	v42 =	vld [tilespmem:s28+$0x30];
	v18 =	vmin.f32 v12, v23;
	v17 =	vmax.f32 v13, v10;
	v20 =	vmin.f32 v13, v10  }
0xdc: {  	v27 =	vmul.f32 v27, v27;
	v12 =	vmax.f32 v15, v17;
	v19 =	vmin.f32 v15, v17  }
0xdd: {  	v13 =	vld [tilespmem:s26+$0x0];
	v10 =	vmax.f32 v22, v12;
	v17 =	vmin.f32 v22, v12;
	v12 =	vmax.f32 v33, v43  }
0xde: {  	v31 =	vadd.f32 v31, v27;
	v27 =	vmul.f32 v28, v28;
	v15 =	vmin.f32 v21, v10  }
0xdf: {  	v46 =	vld [tilespmem:s29+$0x10];
	v10 =	vmax.f32 v21, v10;
	v22 =	vmax.f32 v11, v12;
	v23 =	vmin.f32 v11, v12  }
0xe0: {  	v56 =	vsub.f32 v42, v3;
	v16 =	vmin.f32 v16, v10;
	v10 =	vmin.f32 v33, v43  }
0xe1: {  	v12 =	vld [tilespmem:s28+$0x10];
	v21 =	vmin.f32 v24, v22;
	v11 =	vmax.f32 v24, v22;
	v28 =	vadd.f32 v49, v27  }
0xe2: {  	v22 =	vmin.f32 v40, v11;
	v11 =	vmax.f32 v40, v11;
	v48 =	vsub.f32 v13, v4  }
0xe3: {  	v33 =	vmul.f32 v53, v53;
	v13 =	vsub.f32 v13, v7;
	v24 =	vmin.f32 v25, v11  }
0xe4: {  	v11 =	vmax.f32 v25, v11;
	v25 =	vsub.f32 v46, v2;
	v32 =	vmul.f32 v48, v48  }
0xe5: {  	v13 =	vmul.f32 v13, v13;
	v27 =	vmin.f32 v26, v11;
	v11 =	vmax.f32 v26, v11  }
0xe6: {  	v34 =	vsub.f32 v12, v3;
	v25 =	vmul.f32 v25, v25;
	v12 =	vsub.f32 v12, v6  }
0xe7: {  	v35 =	vmax.f32 v41, v11;
	v26 =	vadd.f32 v32, v31;
	v31 =	vadd.f32 v13, v28;
	v13 =	vld [tilespmem:s26+$0x20]  }
0xe8: {  	v28 =	vmin.f32 v41, v11;
	v11 =	vsub.f32 v46, v5;
	v32 =	vmul.f32 v51, v51  }
0xe9: {  	v42 =	vsub.f32 v42, v6;
	v46 =	vld [tilespmem:s26+$0x30];
	v34 =	vmul.f32 v34, v34;
	v12 =	vmul.f32 v12, v12  }
0xea: {  	v44 =	vld [tilespmem:s29+$0x40];
	v52 =	vmin.f32 v8, v26;
	v11 =	vmul.f32 v11, v11;
	v8 =	vmax.f32 v8, v26  }
0xeb: {  	v39 =	vld [tilespmem:s29+$0x30];
	v25 =	vadd.f32 v34, v25;
	v34 =	vmul.f32 v54, v54;
	v43 =	vmax.f32 v9, v8  }
0xec: {  	v51 =	vld [tilespmem:s26+$0x50];
	v11 =	vadd.f32 v12, v11;
	v12 =	vmul.f32 v29, v29;
	v37 =	vsub.f32 v13, v4  }
0xed: {  	v54 =	vld [tilespmem:s26+$0x60];
	v29 =	vmul.f32 v56, v56;
	v26 =	vadd.f32 v34, v33;
	v25 =	vadd.f32 v32, v25  }
0xee: {  	v32 =	vld [tilespmem:s26+$0x40];
	v58 =	vsub.f32 v46, v4;
	v11 =	vadd.f32 v12, v11;
	v55 =	vmul.f32 v37, v37  }
0xef: {  	v47 =	vld [tilespmem:s29+$0x50];
	v12 =	vmin.f32 v52, v25;
	v41 =	vmax.f32 v52, v25;
	v25 =	vsub.f32 v44, v2  }
0xf0: {  	v48 =	vld [tilespmem:s28+$0x50];
	v37 =	vmin.f32 v9, v8;
	v8 =	vadd.f32 v55, v26;
	v26 =	vsub.f32 v39, v2  }
0xf1: {  	v49 =	vld [tilespmem:s29+$0x60];
	v63 =	vsub.f32 v51, v4;
	v9 =	vsub.f32 v36, v5;
	v60 =	vmul.f32 v58, v58  }
0xf2: {  	v52 =	vsub.f32 v13, v7;
	v25 =	vmul.f32 v25, v25;
	v26 =	vmul.f32 v26, v26  }
0xf3: {  	v53 =	vmul.f32 v9, v9;
	v55 =	vsub.f32 v54, v4;
	v59 =	vsub.f32 v32, v4  }
0xf4: {  	v9 =	vmin.f32 v12, v8;
	v40 =	vmax.f32 v12, v8;
	v26 =	vadd.f32 v29, v26  }
0xf5: {  	v8 =	vsub.f32 v47, v2;
	v12 =	vsub.f32 v48, v3;
	v55 =	vmul.f32 v55, v55  }
0xf6: {  	v61 =	vmul.f32 v59, v59;
	v13 =	vadd.f32 v60, v26;
	v26 =	vsub.f32 v49, v2  }
0xf7: {  	v25 =	vadd.f32 v30, v25;
	v8 =	vmul.f32 v8, v8;
	v12 =	vmul.f32 v12, v12  }
0xf8: {  	v34 =	vmin.f32 v37, v41;
	v29 =	vmul.f32 v62, v62;
	v26 =	vmul.f32 v26, v26  }
0xf9: {  	v25 =	vadd.f32 v61, v25;
	v8 =	vadd.f32 v12, v8;
	v12 =	vmul.f32 v63, v63  }
0xfa: {  	v36 =	vmax.f32 v9, v13;
	v9 =	vmin.f32 v9, v13;
	v26 =	vadd.f32 v29, v26  }
0xfb: {  	v33 =	vmin.f32 v34, v40;
	v8 =	vadd.f32 v12, v8;
	v12 =	vmin.f32 v9, v25  }
0xfc: {  	v30 =	vmax.f32 v9, v25;
	v29 =	vmin.f32 v33, v36;
	v9 =	vadd.f32 v55, v26  }
0xfd: {  	v13 =	vmin.f32 v12, v8;
	v25 =	vmin.f32 v29, v30;
	v26 =	vmax.f32 v12, v8  }
0xfe: {  	v12 =	vmin.f32 v25, v26;
	v8 =	vmin.f32 v13, v9;
	v13 =	vmax.f32 v13, v9  }
0xff: {  	v42 =	vmul.f32 v42, v42;
	v9 =	vmin.f32 v12, v13;
	(xrf1) =	vsort.ascd.msk.f32 $0xffff, v8, v8  }
0x100: {  	v57 =	vmin.f32 v10, v31;
	v39 =	vsub.f32 v39, v5;
	(xrf1) =	vsort.ascd.msk.f32 $0xffff, v9, v9  }
0x101: {  	v58 =	vsub.f32 v46, v7;
	v46 =	vmax.f32 v57, v11;
	v32 =	vsub.f32 v32, v7  }
0x102: {  	v52 =	vmul.f32 v52, v52;
	v39 =	vmul.f32 v39, v39;
	v61 =	vsub.f32 v45, v6  }
0x103: {  	v38 =	vadd.f32 v38, v53;
	v32 =	vmul.f32 v32, v32;
	v62 =	vsub.f32 v47, v5  }
0x104: {  	v59 =	vadd.f32 v42, v39;
	v53 =	vmul.f32 v61, v61;
	v61 =	vsub.f32 v54, v7  }
0x105: {  	v60 =	vsub.f32 v44, v5;
	v63 =	vsub.f32 v48, v6;
	v56 =	vmul.f32 v62, v62  }
0x106: {  	v54 =	vmul.f32 v61, v61;
	v55 =	vmax.f32 v10, v31;
	v10 =	vmin.f32 v57, v11  }
0x107: {  	v11 =	vadd.f32 v52, v38;
	v31 =	vmul.f32 v58, v58;
	v52 =	vmul.f32 v60, v60  }
0x108: {  	v57 =	vmul.f32 v63, v63;
	v60 =	vsub.f32 v50, v6;
	v45 =	vmin.f32 v23, v55  }
0x109: {  	v31 =	vadd.f32 v31, v59;
	v48 =	vmin.f32 v45, v46;
	v58 =	vmin.f32 v10, v11  }
0x10a: {  	v47 =	vmax.f32 v10, v11;
	v10 =	vsub.f32 v51, v7;
	v59 =	vsub.f32 v49, v5  }
0x10b: {  	v38 =	vadd.f32 v53, v52;
	v11 =	vadd.f32 v57, v56;
	v44 =	vmul.f32 v60, v60  }
0x10c: {  	v51 =	vmin.f32 v48, v47;
	v10 =	vmul.f32 v10, v10;
	v62 =	vmul.f32 v59, v59  }
0x10d: {  	v49 =	vmax.f32 v58, v31;
	v31 =	vmin.f32 v58, v31;
	v32 =	vadd.f32 v32, v38;
	v63, _, _ =	vpop (xrf1)  }
0x10e: {  	v42 =	vmin.f32 v51, v49;
	v10 =	vadd.f32 v10, v11;
	v11 =	vadd.f32 v44, v62;
	v56, _, _ =	vpop (xrf1)  }
0x10f: {  	v57 =	vmin.f32 v31, v32;
	v44 =	vmax.f32 v31, v32;
	v58 =	vperm.xlane v56, v0  }
0x110: {  	v38 =	vmin.f32 v42, v44;
	v11 =	vadd.f32 v54, v11;
	v39 =	vmax.f32 v57, v10  }
0x111: {  	v50 =	vmin.f32 v57, v10;
	v31 =	vmin.f32 v38, v39;
	v59 =	vmin.f32 v63, v58  }
0x112: {  	v10 =	vmin.f32 v50, v11;
	v32 =	vmax.f32 v50, v11;
	(xrf1) =	vsort.ascd.msk.f32 $0xffff, v59, v59  }
0x113: {  	v11 =	vmin.f32 v31, v32;
	(xrf1) =	vsort.ascd.msk.f32 $0xffff, v10, v10  }
0x114: {  	(xrf1) =	vsort.ascd.msk.f32 $0xffff, v11, v11;
	_ =	sdelay $0x3  }
0x115: {  	v14 =	vmin.f32 v14, v35;
	v37 =	vmax.f32 v37, v41;
	v34 =	vmax.f32 v34, v40  }
0x116: {  	v33 =	vmax.f32 v33, v36;
	v23 =	vmax.f32 v23, v55;
	v60 =	vmax.f32 v18, v43  }
0x117: {  	v18 =	vmin.f32 v18, v43;
	v53 =	vmax.f32 v21, v23;
	v21 =	vmin.f32 v21, v23  }
0x118: {  	v61 =	vmax.f32 v20, v60;
	v20 =	vmin.f32 v20, v60;
	v41 =	vmax.f32 v18, v37  }
0x119: {  	v18 =	vmin.f32 v18, v37;
	v62 =	vmax.f32 v19, v61;
	v19 =	vmin.f32 v19, v61  }
0x11a: {  	v54 =	vmax.f32 v22, v53;
	v22 =	vmin.f32 v22, v53;
	v57 =	vmax.f32 v45, v46  }
0x11b: {  	v45 =	vmax.f32 v18, v34;
	v18 =	vmin.f32 v18, v34;
	v23 =	vmax.f32 v24, v54  }
0x11c: {  	v24 =	vmin.f32 v24, v54;
	v54 =	vmax.f32 v48, v47;
	v55 =	vmax.f32 v27, v23  }
0x11d: {  	v23 =	vmin.f32 v27, v23;
	v27 =	vmax.f32 v28, v55;
	v28 =	vmin.f32 v28, v55;
	v43, _, _ =	vpop (xrf1)  }
0x11e: {  	v14 =	vmin.f32 v14, v27;
	v27 =	vmax.f32 v20, v41;
	v20 =	vmin.f32 v20, v41;
	v60, _, _ =	vpop (xrf1)  }
0x11f: {  	v50 =	vmax.f32 v20, v45;
	v63 =	vmax.f32 v17, v62;
	v17 =	vmin.f32 v17, v62;
	v62, _, _ =	vpop (xrf1)  }
0x120: {  	v20 =	vmin.f32 v20, v45;
	v56 =	vmax.f32 v19, v27;
	v37 =	vperm.xlane v62, v0  }
0x121: {  	v19 =	vmin.f32 v19, v27;
	v52 =	vmax.f32 v15, v63;
	v15 =	vmin.f32 v15, v63  }
0x122: {  	v27 =	vmax.f32 v17, v56;
	v17 =	vmin.f32 v17, v56;
	v46 =	vmin.f32 v60, v37  }
0x123: {  	v59 =	vmax.f32 v21, v57;
	v21 =	vmin.f32 v21, v57;
	(xrf1) =	vsort.ascd.msk.f32 $0xffff, v46, v46  }
0x124: {  	v16 =	vmin.f32 v16, v52;
	v58 =	vmax.f32 v15, v27;
	v15 =	vmin.f32 v15, v27  }
0x125: {  	v27 =	vmax.f32 v22, v59;
	v22 =	vmin.f32 v22, v59;
	v52 =	vmax.f32 v19, v50  }
0x126: {  	v19 =	vmin.f32 v19, v50;
	v56 =	vmax.f32 v21, v54;
	v16 =	vmin.f32 v16, v58  }
0x127: {  	v61 =	vmax.f32 v24, v27;
	v24 =	vmin.f32 v24, v27;
	v57 =	vmax.f32 v22, v56  }
0x128: {  	v27 =	vmin.f32 v23, v61;
	v23 =	vmax.f32 v23, v61;
	v58 =	vmax.f32 v24, v57  }
0x129: {  	v63 =	vmax.f32 v28, v23;
	v23 =	vmin.f32 v28, v23;
	v59 =	vmax.f32 v27, v58  }
0x12a: {  	v61 =	vmax.f32 v18, v33;
	v14 =	vmin.f32 v14, v63;
	v60 =	vmax.f32 v23, v59  }
0x12b: {  	v53 =	vmax.f32 v17, v52;
	v62 =	vmin.f32 v14, v60;
	v14 =	vmax.f32 v20, v61  }
0x12c: {  	v17 =	vmin.f32 v17, v52;
	v55 =	vmax.f32 v15, v53;
	v63 =	vmax.f32 v19, v14  }
0x12d: {  	v15 =	vmin.f32 v15, v53;
	v19 =	vmin.f32 v19, v14;
	v14 =	vmax.f32 v17, v63  }
0x12e: {  	v29 =	vmax.f32 v29, v30;
	v37 =	vmax.f32 v15, v14;
	v15 =	vmin.f32 v15, v14;
	v14 =	vld [tilespmem:s29+$0x70]  }
0x12f: {  	v25 =	vmax.f32 v25, v26;
	v13 =	vmax.f32 v12, v13;
	v36 =	vmax.f32 v51, v49  }
0x130: {  	v51 =	vmax.f32 v42, v44;
	v21 =	vmin.f32 v21, v54;
	v22 =	vmin.f32 v22, v56  }
0x131: {  	v40 =	vmax.f32 v21, v36;
	v21 =	vmin.f32 v21, v36;
	(v2sf) =	vpush v43, $0x8;
	v48, _, _ =	vpop (xrf1)  }
0x132: {  	v24 =	vmin.f32 v24, v57;
	v18 =	vmin.f32 v18, v33;
	(v2sf) =	vpush v48, $0x8  }
0x133: {  	v41 =	vmax.f32 v22, v40;
	v22 =	vmin.f32 v22, v40;
	(v2sf) =	vpush v14, $0x0  }
0x134: {  	v52 =	vmax.f32 v21, v51;
	v21 =	vmin.f32 v21, v51;
	v16 =	vmin.f32 v16, v55  }
0x135: {  	v27 =	vmin.f32 v27, v58;
	v45 =	vmax.f32 v24, v41;
	v58 =	vmax.f32 v38, v39  }
0x136: {  	v24 =	vmin.f32 v24, v41;
	v23 =	vmin.f32 v23, v59;
	v59 =	vmax.f32 v21, v58  }
0x137: {  	v21 =	vmin.f32 v21, v58;
	v46 =	vmin.f32 v27, v45;
	v27 =	vmax.f32 v27, v45  }
0x138: {  	v20 =	vmin.f32 v20, v61;
	v47 =	vmin.f32 v23, v27;
	v23 =	vmax.f32 v23, v27  }
0x139: {  	v27 =	vmax.f32 v18, v29;
	v18 =	vmin.f32 v18, v29;
	v17 =	vmin.f32 v17, v63  }
0x13a: {  	v23 =	vmin.f32 v62, v23;
	v49 =	vmax.f32 v20, v27;
	v20 =	vmin.f32 v20, v27  }
0x13b: {  	v55 =	vmax.f32 v18, v25;
	v18 =	vmin.f32 v18, v25;
	v27 =	vmax.f32 v19, v49  }
0x13c: {  	v19 =	vmin.f32 v19, v49;
	v56 =	vmax.f32 v20, v55;
	v20 =	vmin.f32 v20, v55  }
0x13d: {  	v12 =	vmin.f32 v18, v13;
	v16 =	vmin.f32 v16, v37;
	v50 =	vmax.f32 v17, v27  }
0x13e: {  	v17 =	vmin.f32 v17, v27;
	v25 =	vmax.f32 v19, v56;
	v19 =	vmin.f32 v19, v56  }
0x13f: {  	v27 =	vmax.f32 v15, v50;
	v15 =	vmin.f32 v15, v50;
	v57 =	vmax.f32 v17, v25  }
0x140: {  	v17 =	vmin.f32 v17, v25;
	v16 =	vmin.f32 v16, v27;
	v27 =	vmax.f32 v22, v52;
	s0 =	spop (v2sf)  }
0x141: {  	v22 =	vmin.f32 v22, v52;
	v25 =	vmax.f32 v15, v57;
	v28 =	vmin.f32 v15, v57;
	s2 =	spop (v2sf)  }
0x142: {  	v53 =	vmax.f32 v24, v27;
	v24 =	vmin.f32 v24, v27;
	v25 =	vmin.f32 v16, v25;
	s11 =	spop (v2sf)  }
0x143: {  	v15 =	vmax.f32 v22, v59;
	v27 =	vmax.f32 v46, v53;
	v26 =	vmin.f32 v46, v53;
	s11 =	ssub.f32 s11, s20  }
0x144: {  	v16 =	vmax.f32 v24, v15;
	v60 =	vmin.f32 v24, v15;
	v54 =	vmax.f32 v47, v27;
	s22 =	smin.f32 s22, s0  }
0x145: {  	v27 =	vmin.f32 v47, v27;
	v61 =	vmin.f32 v26, v16;
	v15 =	vmax.f32 v26, v16;
	s21 =	smin.f32 s21, s2;
	s0 =	smul.f32 s11, s11  }
0x146: {  	p0 =	sgt.u32 s31, $0x271;
	v23 =	vmin.f32 v23, v54;
	v26 =	vmin.f32 v27, v15;
	v15 =	vmax.f32 v27, v15;
	s2 =	smax.f32 s22, s21  }
0x147: {  	v22 =	vmin.f32 v22, v59;
	v27 =	vmin.f32 v23, v15;
	v15 =	vmax.f32 v18, v13;
	p1 =	sle.f32 @!p0 s0, s2  }
0x148: {  	v13 =	vmin.f32 v20, v15;
	v16 =	vmax.f32 v20, v15;
	v20 =	vmax.f32 v31, v32  }
0x149: {  	v15 =	vmin.f32 v19, v16;
	v16 =	vmax.f32 v19, v16;
	v19 =	vmax.f32 v21, v20;
	p1 =	por p0, !p1  }
.Ltmp5:
0x14a: {  	v24 =	vmin.f32 v17, v16;
	v17 =	vmax.f32 v17, v16;
	v62 =	vmax.f32 v22, v19;
	(pc) =	sbr.rel @!p1 .LBB2_12-.Ltmp5, $4  }
0x14b: {  	v16 =	vmin.f32 v28, v17;
	v17 =	vmax.f32 v28, v17;
	v63 =	vmax.f32 v60, v62  }
0x14c: {  	v23 =	vmin.f32 v21, v20;
	v18 =	vmin.f32 v25, v17;
	v17 =	vmax.f32 v61, v63  }
0x14d: {  	s31 =	sadd.s32 $0x10, s31;
	s30 =	sadd.s32 $0x100, s30;
	v21 =	vmin.f32 v22, v19;
	v19 =	vmin.f32 v60, v62;
	v25 =	vmax.f32 v26, v17  }
0x14e: {  	s28 =	sadd.s32 $0x100, s28;
	s26 =	sadd.s32 $0x100, s26;
	s29 =	sadd.s32 $0x100, s29;
	v22 =	vmin.f32 v61, v63;
	v20 =	vmin.f32 v26, v17;
	v17 =	vmin.f32 v27, v25  }
0x14f: {  	v8 =	vpsel p0, v8, v8  }
0x150: {  	v9 =	vpsel p0, v9, v9;
	v12 =	vpsel p0, v12, v12;
	v13 =	vpsel p0, v13, v13  }
0x151: {  	v14 =	vpsel p0, v15, v15;
	v15 =	vpsel p0, v24, v24;
	v16 =	vpsel p0, v16, v16  }
0x152: {  	v18 =	vpsel p0, v18, v18;
	v10 =	vpsel p0, v10, v10;
	v11 =	vpsel p0, v11, v11  }
0x153: {  	v23 =	vpsel p0, v23, v23;
	v21 =	vpsel p0, v21, v21;
	v19 =	vpsel p0, v19, v19  }
0x154: {  	s22 =	smov.u32 @p0 s22;
	s21 =	smov.u32 @p0 s21;
	v22 =	vpsel p0, v22, v22;
	v20 =	vpsel p0, v20, v20;
	v17 =	vpsel p0, v17, v17  }
.LBB2_4:
0x155: {  	s25 =	sadd.s32 $0xFFFFFFF0, s25  }
0x156: {  	s26 =	sshll.u32 s25, $0x4  }
0x157: {  	s26 =	sadd.s32 $0xFF, s26  }
0x158: {  	p0 =	sgt.s32 s26, $0x0  }
0x159: {  	s26 =	simm.s32 @!p0 $0x0  }
0x15a: {  	v24 =	vld [tilespmem:s26+$0x0];
	_ =	sdelay $0x4  }
0x15b: {  	(v2sf) =	vpush v24, $0x0;
	_ =	sdelay $0xe  }
0x15c: {  	s31 =	spop (v2sf)  }
0x15d: {  	s26 =	ssub.f32 s31, s20;
	_ =	sdelay $0x1  }
0x15e: {  	s26 =	smul.f32 s26, s26  }
0x15f: {  	s28 =	smax.f32 s22, s21  }
0x160: {  	p0 =	sle.f32 s26, s28  }
.Ltmp6:
0x161: {  	_ = 	snop;
	(pc) =	sbr.rel @!p0 .LBB2_8-.Ltmp6, $1  }
0x162: {  	_ =	sdelay $0x3  }
0x163: {  	s28 =	sadd.s32 $0xFFFFFE00, s24  }
0x164: {  	s24 =	sadd.s32 $0x5290, s23;
	s26 =	sadd.s32 $0x2910, s23;
	s23 =	sadd.s32 $0xFFFFFF90, s23  }
.LBB2_6:
0x165: {  	v24 =	vld [tilespmem:s23+$0xFFFFFF70]  }
0x166: {  	v25 =	vld [tilespmem:s26+$0xFFFFFF70]  }
0x167: {  	v26 =	vld [tilespmem:s24+$0xFFFFFF70]  }
0x168: {  	v55 =	vld [tilespmem:s23+$0xFFFFFF80]  }
0x169: {  	v31 =	vld [tilespmem:s26+$0xFFFFFF80]  }
0x16a: {  	v58 =	vld [tilespmem:s24+$0xFFFFFF80]  }
0x16b: {  	v27 =	vsub.f32 v24, v2;
	v28 =	vsub.f32 v25, v3  }
0x16c: {  	v29 =	vsub.f32 v26, v4;
	v24 =	vsub.f32 v24, v5  }
0x16d: {  	v25 =	vsub.f32 v25, v6;
	v26 =	vsub.f32 v26, v7  }
0x16e: {  	v62 =	vsub.f32 v55, v2;
	v32 =	vsub.f32 v31, v3  }
0x16f: {  	v47 =	vld [tilespmem:s23+$0xFFFFFF90];
	v36 =	vsub.f32 v58, v4;
	v27 =	vmul.f32 v27, v27;
	v28 =	vmul.f32 v28, v28  }
0x170: {  	v48 =	vld [tilespmem:s26+$0xFFFFFF90];
	v40 =	vsub.f32 v31, v6;
	v24 =	vmul.f32 v24, v24;
	v25 =	vmul.f32 v25, v25  }
0x171: {  	v41 =	vsub.f32 v58, v7;
	v52 =	vmul.f32 v29, v29;
	v27 =	vadd.f32 v28, v27  }
0x172: {  	v53 =	vmul.f32 v26, v26;
	v29 =	vsub.f32 v55, v5;
	v24 =	vadd.f32 v25, v24  }
0x173: {  	v32 =	vmul.f32 v32, v32;
	v26 =	vmul.f32 v36, v36;
	v27 =	vadd.f32 v52, v27  }
0x174: {  	v43 =	vmul.f32 v40, v40;
	v42 =	vmul.f32 v29, v29;
	v24 =	vadd.f32 v53, v24  }
0x175: {  	v52 =	vsub.f32 v47, v2;
	v53 =	vsub.f32 v48, v3;
	v28 =	vmax.f32 v8, v27  }
0x176: {  	v8 =	vmin.f32 v8, v27;
	v61 =	vmax.f32 v10, v24;
	v10 =	vmin.f32 v10, v24  }
0x177: {  	v31 =	vmul.f32 v52, v52;
	v54 =	vmax.f32 v9, v28;
	v9 =	vmin.f32 v9, v28  }
0x178: {  	v63 =	vmax.f32 v11, v61;
	v11 =	vmin.f32 v11, v61;
	v30 =	vmax.f32 v12, v54  }
0x179: {  	v12 =	vmin.f32 v12, v54;
	v37 =	vmin.f32 v23, v63;
	v23 =	vmax.f32 v23, v63  }
0x17a: {  	v56 =	vmax.f32 v13, v30;
	v13 =	vmin.f32 v13, v30;
	v30 =	vmul.f32 v62, v62  }
0x17b: {  	v39 =	vmax.f32 v21, v23;
	v21 =	vmin.f32 v21, v23;
	v57 =	vmax.f32 v14, v56  }
0x17c: {  	v61 =	vld [tilespmem:s26+$0xFFFFFFA0];
	v14 =	vmin.f32 v14, v56;
	v23 =	vmax.f32 v19, v39;
	v19 =	vmin.f32 v19, v39  }
0x17d: {  	v59 =	vmax.f32 v15, v57;
	v15 =	vmin.f32 v15, v57;
	v38 =	vadd.f32 v32, v30  }
0x17e: {  	v44 =	vmin.f32 v22, v23;
	v22 =	vmax.f32 v22, v23;
	v23 =	vadd.f32 v43, v42  }
0x17f: {  	v32 =	vmul.f32 v53, v53;
	v30 =	vsub.f32 v47, v5;
	v60 =	vmax.f32 v16, v59  }
0x180: {  	v43 =	vld [tilespmem:s23+$0xFFFFFFB0];
	v16 =	vmin.f32 v16, v59;
	v46 =	vmin.f32 v20, v22;
	v20 =	vmax.f32 v20, v22  }
0x181: {  	v29 =	vsub.f32 v61, v6;
	v25 =	vadd.f32 v26, v38;
	v26 =	vmul.f32 v41, v41  }
0x182: {  	v59 =	vld [tilespmem:s23+$0xFFFFFFA0];
	v36 =	vsub.f32 v61, v3;
	v18 =	vmin.f32 v18, v60;
	v17 =	vmin.f32 v17, v20  }
0x183: {  	v39 =	vmul.f32 v29, v29;
	v45 =	vmax.f32 v8, v25;
	v20 =	vadd.f32 v26, v23  }
0x184: {  	v8 =	vmin.f32 v8, v25;
	v26 =	vsub.f32 v48, v6;
	v22 =	vmax.f32 v9, v45  }
0x185: {  	v9 =	vmin.f32 v9, v45;
	v45 =	vld [tilespmem:s26+$0xFFFFFFB0];
	v47 =	vsub.f32 v43, v2;
	v23 =	vmax.f32 v12, v22  }
0x186: {  	v12 =	vmin.f32 v12, v22;
	v26 =	vmul.f32 v26, v26;
	v49 =	vmax.f32 v13, v23  }
0x187: {  	v35 =	vsub.f32 v59, v2;
	v13 =	vmin.f32 v13, v23;
	v23 =	vld [tilespmem:s24+$0xFFFFFF90];
	v22 =	vmax.f32 v14, v49  }
0x188: {  	v14 =	vmin.f32 v14, v49;
	v50 =	vmin.f32 v15, v22;
	v15 =	vmax.f32 v15, v22  }
0x189: {  	v28 =	vmul.f32 v35, v35;
	v22 =	vmin.f32 v16, v15;
	v15 =	vmax.f32 v16, v15  }
0x18a: {  	v16 =	vmax.f32 v10, v20;
	v10 =	vmin.f32 v10, v20;
	v48 =	vsub.f32 v45, v3  }
0x18b: {  	v52 =	vsub.f32 v45, v6;
	v51 =	vmax.f32 v11, v16;
	v15 =	vmin.f32 v18, v15  }
0x18c: {  	v11 =	vmin.f32 v11, v16;
	v18 =	vmax.f32 v37, v51;
	v20 =	vsub.f32 v23, v4  }
0x18d: {  	v16 =	vmin.f32 v37, v51;
	v37 =	vsub.f32 v59, v5;
	v51 =	vsub.f32 v43, v5  }
0x18e: {  	v54 =	vmin.f32 v21, v18;
	v18 =	vmax.f32 v21, v18;
	v21 =	vadd.f32 v32, v31  }
0x18f: {  	v20 =	vmul.f32 v20, v20;
	v55 =	vmax.f32 v19, v18;
	v18 =	vmin.f32 v19, v18  }
0x190: {  	v24 =	vmul.f32 v37, v37;
	v53 =	vmul.f32 v51, v51;
	v19 =	vmax.f32 v44, v55  }
0x191: {  	v27 =	vmin.f32 v44, v55;
	v20 =	vadd.f32 v20, v21;
	v21 =	vsub.f32 v23, v7  }
0x192: {  	v23 =	vmul.f32 v30, v30;
	v56 =	vmax.f32 v46, v19;
	v19 =	vmin.f32 v46, v19  }
0x193: {  	v30 =	vmul.f32 v36, v36;
	v24 =	vadd.f32 v39, v24;
	v46 =	vld [tilespmem:s24+$0xFFFFFFB0];
	v17 =	vmin.f32 v17, v56  }
0x194: {  	v57 =	vmax.f32 v8, v20;
	v23 =	vadd.f32 v26, v23;
	v21 =	vmul.f32 v21, v21  }
0x195: {  	v8 =	vmin.f32 v8, v20;
	v28 =	vadd.f32 v30, v28;
	v58 =	vmax.f32 v9, v57  }
0x196: {  	v62 =	vld [tilespmem:s24+$0xFFFFFFA0];
	v26 =	vmul.f32 v47, v47;
	v9 =	vmin.f32 v9, v57;
	v60 =	vmax.f32 v12, v58  }
0x197: {  	v21 =	vadd.f32 v21, v23;
	v12 =	vmin.f32 v12, v58;
	v58 =	vld [tilespmem:s23+$0xFFFFFFC0];
	v20 =	vmax.f32 v13, v60  }
0x198: {  	v13 =	vmin.f32 v13, v60;
	v49 =	vsub.f32 v46, v4;
	v23 =	vmax.f32 v14, v20  }
0x199: {  	v14 =	vmin.f32 v14, v20;
	v20 =	vmax.f32 v50, v23;
	v23 =	vmin.f32 v50, v23  }
0x19a: {  	v63 =	vmin.f32 v22, v20;
	v20 =	vmax.f32 v22, v20;
	v22 =	vmax.f32 v10, v21  }
0x19b: {  	v10 =	vmin.f32 v10, v21;
	v21 =	vsub.f32 v62, v4;
	v15 =	vmin.f32 v15, v20  }
0x19c: {  	v20 =	vmax.f32 v11, v22;
	v11 =	vmin.f32 v11, v22;
	v30 =	vsub.f32 v58, v5  }
0x19d: {  	v22 =	vmin.f32 v16, v20;
	v16 =	vmax.f32 v16, v20;
	v21 =	vmul.f32 v21, v21  }
0x19e: {  	v20 =	vmin.f32 v54, v16;
	v16 =	vmax.f32 v54, v16;
	v54 =	vmul.f32 v52, v52  }
0x19f: {  	v38 =	vmin.f32 v18, v16;
	v16 =	vmax.f32 v18, v16;
	v18 =	vadd.f32 v21, v28  }
0x1a0: {  	v21 =	vsub.f32 v62, v7;
	v62 =	vsub.f32 v58, v2;
	v40 =	vmin.f32 v27, v16  }
0x1a1: {  	v16 =	vmax.f32 v27, v16;
	v27 =	vmul.f32 v48, v48;
	v41 =	vmax.f32 v8, v18  }
0x1a2: {  	v58 =	vld [tilespmem:s26+$0xFFFFFFE0];
	v21 =	vmul.f32 v21, v21;
	v44 =	vmin.f32 v19, v16;
	v16 =	vmax.f32 v19, v16  }
0x1a3: {  	v8 =	vmin.f32 v8, v18;
	v31 =	vmul.f32 v62, v62;
	v42 =	vmax.f32 v9, v41  }
0x1a4: {  	v16 =	vmin.f32 v17, v16;
	v9 =	vmin.f32 v9, v41;
	v19 =	vmax.f32 v12, v42  }
0x1a5: {  	v59 =	vld [tilespmem:s26+$0xFFFFFFC0];
	v17 =	vadd.f32 v21, v24;
	v12 =	vmin.f32 v12, v42;
	v21 =	vmax.f32 v13, v19  }
0x1a6: {  	v24 =	vadd.f32 v54, v53;
	v42 =	vld [tilespmem:s23+$0xFFFFFFD0];
	v13 =	vmin.f32 v13, v19;
	v18 =	vmax.f32 v14, v21  }
0x1a7: {  	v34 =	vsub.f32 v58, v6;
	v14 =	vmin.f32 v14, v21;
	v19 =	vmax.f32 v23, v18  }
0x1a8: {  	v18 =	vmin.f32 v23, v18;
	v23 =	vmax.f32 v10, v17;
	v10 =	vmin.f32 v10, v17  }
0x1a9: {  	v35 =	vmul.f32 v34, v34;
	v21 =	vmax.f32 v63, v19;
	v19 =	vmin.f32 v63, v19  }
0x1aa: {  	v63 =	vsub.f32 v59, v3;
	v15 =	vmin.f32 v15, v21;
	v21 =	vmax.f32 v11, v23  }
0x1ab: {  	v11 =	vmin.f32 v11, v23;
	v23 =	vmul.f32 v49, v49;
	v48 =	vsub.f32 v42, v2  }
0x1ac: {  	v17 =	vmin.f32 v22, v21;
	v21 =	vmax.f32 v22, v21;
	v22 =	vadd.f32 v27, v26  }
0x1ad: {  	v32 =	vmul.f32 v63, v63;
	v50 =	vmax.f32 v20, v21;
	v20 =	vmin.f32 v20, v21  }
0x1ae: {  	v21 =	vmax.f32 v38, v50;
	v22 =	vadd.f32 v23, v22;
	v23 =	vsub.f32 v46, v7  }
0x1af: {  	v25 =	vmin.f32 v38, v50;
	v38 =	vmul.f32 v30, v30;
	v55 =	vmin.f32 v40, v21  }
0x1b0: {  	v21 =	vmax.f32 v40, v21;
	v23 =	vmul.f32 v23, v23;
	v56 =	vmax.f32 v8, v22  }
0x1b1: {  	v28 =	vmin.f32 v44, v21;
	v21 =	vmax.f32 v44, v21;
	v8 =	vmin.f32 v8, v22;
	v44 =	vld [tilespmem:s26+$0xFFFFFFD0]  }
0x1b2: {  	v57 =	vmax.f32 v9, v56;
	v16 =	vmin.f32 v16, v21;
	v9 =	vmin.f32 v9, v56  }
0x1b3: {  	v60 =	vld [tilespmem:s24+$0xFFFFFFC0];
	v21 =	vadd.f32 v23, v24;
	v23 =	vmax.f32 v12, v57;
	v24 =	vsub.f32 v59, v6  }
0x1b4: {  	v12 =	vmin.f32 v12, v57;
	v22 =	vmax.f32 v13, v23;
	v13 =	vmin.f32 v13, v23  }
0x1b5: {  	v23 =	vmax.f32 v14, v22;
	v14 =	vmin.f32 v14, v22;
	v24 =	vmul.f32 v24, v24  }
0x1b6: {  	v22 =	vmin.f32 v18, v23;
	v18 =	vmax.f32 v18, v23;
	v49 =	vsub.f32 v44, v3  }
0x1b7: {  	v29 =	vsub.f32 v44, v6;
	v23 =	vmin.f32 v19, v18;
	v18 =	vmax.f32 v19, v18  }
0x1b8: {  	v19 =	vmax.f32 v10, v21;
	v10 =	vmin.f32 v10, v21;
	v21 =	vsub.f32 v60, v4  }
0x1b9: {  	v24 =	vadd.f32 v24, v38;
	v61 =	vmax.f32 v11, v19;
	v15 =	vmin.f32 v15, v18  }
0x1ba: {  	v11 =	vmin.f32 v11, v19;
	v30 =	vmul.f32 v49, v49;
	v51 =	vmul.f32 v29, v29  }
0x1bb: {  	v18 =	vmax.f32 v17, v61;
	v17 =	vmin.f32 v17, v61;
	v21 =	vmul.f32 v21, v21  }
0x1bc: {  	v19 =	vmin.f32 v20, v18;
	v18 =	vmax.f32 v20, v18;
	v20 =	vadd.f32 v32, v31  }
0x1bd: {  	v61 =	vsub.f32 v58, v3;
	v36 =	vmax.f32 v25, v18;
	v18 =	vmin.f32 v25, v18  }
0x1be: {  	v37 =	vmax.f32 v55, v36;
	v20 =	vadd.f32 v21, v20;
	v21 =	vsub.f32 v60, v7  }
0x1bf: {  	v27 =	vmin.f32 v55, v36;
	v55 =	vld [tilespmem:s23+$0xFFFFFFE0];
	v39 =	vmax.f32 v28, v37;
	v25 =	vmin.f32 v28, v37  }
0x1c0: {  	v28 =	vmul.f32 v48, v48;
	v40 =	vmax.f32 v8, v20;
	v21 =	vmul.f32 v21, v21  }
0x1c1: {  	v16 =	vmin.f32 v16, v39;
	v8 =	vmin.f32 v8, v20;
	v41 =	vmax.f32 v9, v40  }
0x1c2: {  	v9 =	vmin.f32 v9, v40;
	v28 =	vadd.f32 v30, v28;
	v43 =	vmax.f32 v12, v41  }
0x1c3: {  	v46 =	vld [tilespmem:s24+$0xFFFFFFD0];
	v21 =	vadd.f32 v21, v24;
	v12 =	vmin.f32 v12, v41;
	v20 =	vmax.f32 v13, v43  }
0x1c4: {  	s0 =	sadd.s32 $0x100, s28;
	v13 =	vmin.f32 v13, v43;
	v60 =	vsub.f32 v55, v2;
	v45 =	vmax.f32 v14, v20  }
0x1c5: {  	s0 =	sand.u32 $0xFFFFFFF0, s0;
	v33 =	vsub.f32 v55, v5;
	v14 =	vmin.f32 v14, v20;
	v20 =	vmax.f32 v22, v45  }
0x1c6: {  	v39 =	vld [tilespmem:s0+$0x80];
	v22 =	vmin.f32 v22, v45;
	v26 =	vmul.f32 v60, v60;
	v47 =	vmin.f32 v23, v20  }
0x1c7: {  	v20 =	vmax.f32 v23, v20;
	v23 =	vmax.f32 v10, v21;
	v10 =	vmin.f32 v10, v21  }
0x1c8: {  	v60 =	vld [tilespmem:s24+$0x10];
	v21 =	vsub.f32 v46, v4;
	v15 =	vmin.f32 v15, v20;
	v20 =	vmax.f32 v11, v23  }
0x1c9: {  	v11 =	vmin.f32 v11, v23;
	v23 =	vmin.f32 v17, v20;
	v17 =	vmax.f32 v17, v20  }
0x1ca: {  	v21 =	vmul.f32 v21, v21;
	v20 =	vmin.f32 v19, v17;
	v17 =	vmax.f32 v19, v17  }
0x1cb: {  	v43 =	vsub.f32 v39, v2;
	v19 =	vsub.f32 v42, v5;
	v50 =	vmin.f32 v18, v17  }
0x1cc: {  	v17 =	vmax.f32 v18, v17;
	v18 =	vadd.f32 v21, v28;
	v21 =	vsub.f32 v46, v7  }
0x1cd: {  	v29 =	vsub.f32 v60, v7;
	v19 =	vmul.f32 v19, v19;
	v52 =	vmin.f32 v27, v17  }
0x1ce: {  	v49 =	vld [tilespmem:s23+$0x0];
	v17 =	vmax.f32 v27, v17;
	v27 =	vmul.f32 v61, v61;
	v53 =	vmax.f32 v8, v18  }
0x1cf: {  	v21 =	vmul.f32 v21, v21;
	v56 =	vmin.f32 v25, v17;
	v17 =	vmax.f32 v25, v17  }
0x1d0: {  	v8 =	vmin.f32 v8, v18;
	v19 =	vadd.f32 v51, v19;
	v54 =	vmax.f32 v9, v53  }
0x1d1: {  	v16 =	vmin.f32 v16, v17;
	v9 =	vmin.f32 v9, v53;
	v51 =	vld [tilespmem:s26+$0x0];
	v57 =	vmax.f32 v12, v54  }
0x1d2: {  	v12 =	vmin.f32 v12, v54;
	v17 =	vadd.f32 v21, v19;
	v19 =	vmax.f32 v13, v57  }
0x1d3: {  	v21 =	vld [tilespmem:s24+$0xFFFFFFE0];
	v13 =	vmin.f32 v13, v57;
	v57 =	vsub.f32 v49, v5;
	v18 =	vmax.f32 v14, v19  }
0x1d4: {  	v14 =	vmin.f32 v14, v19;
	v59 =	vmax.f32 v22, v18;
	v18 =	vmin.f32 v22, v18  }
0x1d5: {  	v22 =	vmax.f32 v10, v17;
	v10 =	vmin.f32 v10, v17;
	v19 =	vmax.f32 v47, v59  }
0x1d6: {  	v24 =	vmin.f32 v47, v59;
	v53 =	vsub.f32 v51, v3;
	v59 =	vmul.f32 v57, v57  }
0x1d7: {  	v15 =	vmin.f32 v15, v19;
	v19 =	vmax.f32 v11, v22;
	v11 =	vmin.f32 v11, v22  }
0x1d8: {  	v62 =	vsub.f32 v21, v4;
	v17 =	vmin.f32 v23, v19;
	v19 =	vmax.f32 v23, v19  }
0x1d9: {  	v22 =	vadd.f32 v27, v26;
	v21 =	vsub.f32 v21, v7;
	v63 =	vmax.f32 v20, v19  }
0x1da: {  	v19 =	vmin.f32 v20, v19;
	v23 =	vmul.f32 v62, v62;
	v20 =	vmax.f32 v50, v63  }
0x1db: {  	v25 =	vmin.f32 v50, v63;
	v21 =	vmul.f32 v21, v21;
	v36 =	vmin.f32 v52, v20  }
0x1dc: {  	v20 =	vmax.f32 v52, v20;
	v22 =	vadd.f32 v23, v22;
	v23 =	vmul.f32 v33, v33  }
0x1dd: {  	v62 =	vsub.f32 v60, v4;
	v52 =	vsub.f32 v49, v2;
	v28 =	vmin.f32 v56, v20  }
0x1de: {  	v20 =	vmax.f32 v56, v20;
	v23 =	vadd.f32 v35, v23;
	v37 =	vmax.f32 v8, v22  }
0x1df: {  	v56 =	vmul.f32 v53, v53;
	v16 =	vmin.f32 v16, v20;
	v38 =	vmax.f32 v9, v37  }
0x1e0: {  	v9 =	vmin.f32 v9, v37;
	v37 =	vld [tilespmem:s26+$0x20];
	v20 =	vadd.f32 v21, v23;
	v21 =	vmax.f32 v12, v38  }
0x1e1: {  	v55 =	vmul.f32 v52, v52;
	v8 =	vmin.f32 v8, v22;
	v23 =	vld [tilespmem:s0+$0x2A00];
	v22 =	vmax.f32 v13, v21  }
0x1e2: {  	v40 =	vld [tilespmem:s0+$0x5380];
	v13 =	vmin.f32 v13, v21;
	v21 =	vmax.f32 v14, v22;
	v22 =	vmin.f32 v14, v22  }
0x1e3: {  	v41 =	vmin.f32 v18, v21;
	v14 =	vmax.f32 v18, v21;
	v18 =	vmax.f32 v10, v20  }
0x1e4: {  	v34 =	vmin.f32 v10, v20;
	v21 =	vmin.f32 v24, v14;
	v42 =	vmax.f32 v11, v18  }
0x1e5: {  	v11 =	vmin.f32 v11, v18;
	v18 =	vsub.f32 v39, v5;
	v49 =	vsub.f32 v37, v3  }
0x1e6: {  	v14 =	vmax.f32 v24, v14;
	v37 =	vsub.f32 v37, v6;
	v44 =	vsub.f32 v23, v3  }
0x1e7: {  	v33 =	vmin.f32 v15, v14;
	v10 =	vmax.f32 v17, v42;
	v14 =	vsub.f32 v40, v4  }
0x1e8: {  	v39 =	vld [tilespmem:s23+$0x30];
	v15 =	vmul.f32 v43, v43;
	v24 =	vmin.f32 v17, v42;
	v45 =	vmin.f32 v19, v10  }
0x1e9: {  	v10 =	vmax.f32 v19, v10;
	v19 =	vsub.f32 v23, v6;
	v18 =	vmul.f32 v18, v18  }
0x1ea: {  	v20 =	vmul.f32 v44, v44;
	v14 =	vmul.f32 v14, v14;
	v17 =	vmax.f32 v25, v10  }
0x1eb: {  	v42 =	vld [tilespmem:s26+$0x30];
	v23 =	vmin.f32 v25, v10;
	v10 =	vmax.f32 v36, v17;
	v19 =	vmul.f32 v19, v19  }
0x1ec: {  	v46 =	vmin.f32 v36, v17;
	v15 =	vadd.f32 v20, v15;
	v17 =	vmax.f32 v28, v10  }
0x1ed: {  	v48 =	vmin.f32 v28, v10;
	v28 =	vsub.f32 v51, v6;
	v52 =	vsub.f32 v39, v2  }
0x1ee: {  	v30 =	vmul.f32 v62, v62;
	v39 =	vsub.f32 v39, v5;
	v15 =	vadd.f32 v14, v15  }
0x1ef: {  	v12 =	vmin.f32 v12, v38;
	v18 =	vadd.f32 v19, v18;
	v14 =	vsub.f32 v40, v7  }
0x1f0: {  	v53 =	vsub.f32 v42, v3;
	v42 =	vsub.f32 v42, v6;
	v20 =	vmax.f32 v8, v15  }
0x1f1: {  	v28 =	vmul.f32 v28, v28;
	v19 =	vmul.f32 v14, v14;
	v47 =	vmax.f32 v9, v20  }
0x1f2: {  	v14 =	vmin.f32 v16, v17;
	v8 =	vmin.f32 v8, v15;
	v10 =	vmax.f32 v12, v47  }
0x1f3: {  	v28 =	vadd.f32 v28, v59;
	v9 =	vmin.f32 v9, v20;
	v15 =	vmax.f32 v13, v10  }
0x1f4: {  	v50 =	vadd.f32 v19, v18;
	v18 =	vmin.f32 v12, v47;
	v12 =	vmax.f32 v22, v15  }
0x1f5: {  	v20 =	vmin.f32 v13, v10;
	v13 =	vld [tilespmem:s24+$0x0];
	v19 =	vmin.f32 v22, v15;
	v10 =	vmax.f32 v41, v12  }
0x1f6: {  	v47 =	vld [tilespmem:s24+$0x40];
	v17 =	vmin.f32 v41, v12;
	v12 =	vmax.f32 v34, v50;
	v15 =	vmin.f32 v21, v10  }
0x1f7: {  	v54 =	vld [tilespmem:s23+$0x10];
	v10 =	vmax.f32 v21, v10;
	v22 =	vmax.f32 v11, v12;
	v25 =	vmin.f32 v11, v12  }
0x1f8: {  	v12 =	vld [tilespmem:s26+$0x10];
	v16 =	vmin.f32 v33, v10;
	v10 =	vmin.f32 v34, v50;
	v11 =	vmax.f32 v24, v22  }
0x1f9: {  	v21 =	vmin.f32 v24, v22;
	v24 =	vadd.f32 v56, v55;
	v22 =	vmin.f32 v45, v11  }
0x1fa: {  	v11 =	vmax.f32 v45, v11;
	v58 =	vsub.f32 v13, v4;
	v13 =	vsub.f32 v13, v7  }
0x1fb: {  	v36 =	vld [tilespmem:s23+$0x20];
	v56 =	vsub.f32 v47, v4;
	v26 =	vmin.f32 v23, v11;
	v11 =	vmax.f32 v23, v11  }
0x1fc: {  	v45 =	vld [tilespmem:s26+$0x40];
	v23 =	vsub.f32 v54, v2;
	v31 =	vmul.f32 v58, v58;
	v13 =	vmul.f32 v13, v13  }
0x1fd: {  	v27 =	vmin.f32 v46, v11;
	v11 =	vmax.f32 v46, v11;
	v61 =	vsub.f32 v12, v3  }
0x1fe: {  	v23 =	vmul.f32 v23, v23;
	v35 =	vmax.f32 v48, v11;
	v12 =	vsub.f32 v12, v6  }
0x1ff: {  	v46 =	vld [tilespmem:s24+$0x30];
	v24 =	vadd.f32 v31, v24;
	v31 =	vadd.f32 v13, v28;
	v28 =	vmin.f32 v48, v11  }
0x200: {  	v13 =	vld [tilespmem:s24+$0x20];
	v11 =	vsub.f32 v54, v5;
	v48 =	vsub.f32 v36, v2;
	v34 =	vmul.f32 v61, v61  }
0x201: {  	v12 =	vmul.f32 v12, v12;
	v54 =	vsub.f32 v45, v3;
	v63 =	vmin.f32 v8, v24  }
0x202: {  	v11 =	vmul.f32 v11, v11;
	v33 =	vmul.f32 v48, v48;
	v8 =	vmax.f32 v8, v24  }
0x203: {  	v24 =	vmul.f32 v52, v52;
	v23 =	vadd.f32 v34, v23;
	v34 =	vmul.f32 v49, v49  }
0x204: {  	v43 =	vld [tilespmem:s23+$0x40];
	v44 =	vmax.f32 v9, v8;
	v55 =	vsub.f32 v46, v4;
	v11 =	vadd.f32 v12, v11  }
0x205: {  	v32 =	vld [tilespmem:s23+$0x50];
	v12 =	vmul.f32 v29, v29;
	v29 =	vmul.f32 v53, v53;
	v38 =	vsub.f32 v13, v4  }
0x206: {  	v49 =	vld [tilespmem:s23+$0x60];
	v50 =	vadd.f32 v34, v33;
	v23 =	vadd.f32 v30, v23;
	v30 =	vmul.f32 v54, v54  }
0x207: {  	v57 =	vmul.f32 v55, v55;
	v54 =	vld [tilespmem:s24+$0x60];
	v11 =	vadd.f32 v12, v11;
	v51 =	vmul.f32 v38, v38  }
0x208: {  	v48 =	vld [tilespmem:s26+$0x50];
	v24 =	vadd.f32 v29, v24;
	v38 =	vmin.f32 v9, v8;
	v12 =	vmin.f32 v63, v23  }
0x209: {  	v41 =	vmax.f32 v63, v23;
	v23 =	vsub.f32 v43, v2;
	v8 =	vadd.f32 v51, v50;
	v50 =	vld [tilespmem:s26+$0x60]  }
0x20a: {  	v58 =	vmul.f32 v56, v56;
	v52 =	vsub.f32 v13, v7;
	v9 =	vsub.f32 v36, v5;
	v51 =	vld [tilespmem:s24+$0x50]  }
0x20b: {  	v13 =	vadd.f32 v57, v24;
	v59 =	vsub.f32 v49, v2;
	v23 =	vmul.f32 v23, v23  }
0x20c: {  	v53 =	vmul.f32 v9, v9;
	v55 =	vsub.f32 v54, v4;
	v9 =	vmin.f32 v12, v8  }
0x20d: {  	v40 =	vmax.f32 v12, v8;
	v8 =	vsub.f32 v32, v2;
	v12 =	vsub.f32 v48, v3  }
0x20e: {  	v34 =	vmin.f32 v38, v41;
	v23 =	vadd.f32 v30, v23;
	v60 =	vsub.f32 v50, v3  }
0x20f: {  	v8 =	vmul.f32 v8, v8;
	v12 =	vmul.f32 v12, v12;
	v61 =	vsub.f32 v51, v4  }
0x210: {  	v24 =	vmul.f32 v59, v59;
	v36 =	vmax.f32 v9, v13;
	v29 =	vmul.f32 v60, v60  }
0x211: {  	v23 =	vadd.f32 v58, v23;
	v8 =	vadd.f32 v12, v8;
	v12 =	vmul.f32 v61, v61  }
0x212: {  	v55 =	vmul.f32 v55, v55;
	v9 =	vmin.f32 v9, v13;
	v24 =	vadd.f32 v29, v24  }
0x213: {  	v33 =	vmin.f32 v34, v40;
	v30 =	vmax.f32 v9, v23;
	v8 =	vadd.f32 v12, v8  }
0x214: {  	v29 =	vmin.f32 v33, v36;
	v12 =	vmin.f32 v9, v23;
	v9 =	vadd.f32 v55, v24  }
0x215: {  	v23 =	vmin.f32 v29, v30;
	v13 =	vmin.f32 v12, v8;
	v24 =	vmax.f32 v12, v8  }
0x216: {  	v12 =	vmin.f32 v23, v24;
	v8 =	vmin.f32 v13, v9;
	v13 =	vmax.f32 v13, v9  }
0x217: {  	v37 =	vmul.f32 v37, v37;
	v9 =	vmin.f32 v12, v13;
	(xrf1) =	vsort.ascd.msk.f32 $0xffff, v8, v8  }
0x218: {  	v39 =	vmul.f32 v39, v39;
	v42 =	vmul.f32 v42, v42;
	(xrf1) =	vsort.ascd.msk.f32 $0xffff, v9, v9  }
0x219: {  	v56 =	vsub.f32 v43, v5;
	v62 =	vmin.f32 v10, v31;
	v52 =	vmul.f32 v52, v52  }
0x21a: {  	v63 =	vsub.f32 v46, v7;
	v46 =	vmax.f32 v62, v11;
	v32 =	vsub.f32 v32, v5  }
0x21b: {  	v57 =	vsub.f32 v45, v6;
	v59 =	vmul.f32 v56, v56;
	v58 =	vsub.f32 v48, v6  }
0x21c: {  	v56 =	vsub.f32 v54, v7;
	v37 =	vadd.f32 v37, v53;
	v32 =	vmul.f32 v32, v32  }
0x21d: {  	v53 =	vadd.f32 v42, v39;
	v60 =	vmul.f32 v57, v57;
	v61 =	vmul.f32 v58, v58  }
0x21e: {  	v55 =	vmax.f32 v10, v31;
	v10 =	vmin.f32 v62, v11;
	v11 =	vadd.f32 v52, v37  }
0x21f: {  	v31 =	vmul.f32 v63, v63;
	v37 =	vadd.f32 v60, v59;
	v63 =	vsub.f32 v47, v7  }
0x220: {  	v52 =	vsub.f32 v49, v5;
	v59 =	vmul.f32 v56, v56;
	v45 =	vmin.f32 v25, v55  }
0x221: {  	v31 =	vadd.f32 v31, v53;
	v48 =	vmin.f32 v45, v46;
	v62 =	vmin.f32 v10, v11  }
0x222: {  	v47 =	vmax.f32 v10, v11;
	v10 =	vsub.f32 v51, v7;
	v53 =	vsub.f32 v50, v6  }
0x223: {  	v11 =	vadd.f32 v61, v32;
	v43 =	vmul.f32 v63, v63;
	v32 =	vmul.f32 v52, v52  }
0x224: {  	v51 =	vmin.f32 v48, v47;
	v10 =	vmul.f32 v10, v10;
	v57 =	vmul.f32 v53, v53  }
0x225: {  	v49 =	vmax.f32 v62, v31;
	v31 =	vmin.f32 v62, v31;
	v37 =	vadd.f32 v43, v37;
	v58, _, _ =	vpop (xrf1)  }
0x226: {  	v42 =	vmin.f32 v51, v49;
	v10 =	vadd.f32 v10, v11;
	v11 =	vadd.f32 v57, v32;
	v60, _, _ =	vpop (xrf1)  }
0x227: {  	v61 =	vmin.f32 v31, v37;
	v43 =	vmax.f32 v31, v37;
	v62 =	vperm.xlane v60, v0  }
0x228: {  	v37 =	vmin.f32 v42, v43;
	v11 =	vadd.f32 v59, v11;
	v39 =	vmax.f32 v61, v10  }
0x229: {  	v63 =	vmin.f32 v61, v10;
	v31 =	vmin.f32 v37, v39;
	v53 =	vmin.f32 v58, v62  }
0x22a: {  	v10 =	vmin.f32 v63, v11;
	v32 =	vmax.f32 v63, v11;
	(xrf1) =	vsort.ascd.msk.f32 $0xffff, v53, v53  }
0x22b: {  	v11 =	vmin.f32 v31, v32;
	(xrf1) =	vsort.ascd.msk.f32 $0xffff, v10, v10  }
0x22c: {  	(xrf1) =	vsort.ascd.msk.f32 $0xffff, v11, v11;
	_ =	sdelay $0x3  }
0x22d: {  	v14 =	vmin.f32 v14, v35;
	v38 =	vmax.f32 v38, v41;
	v25 =	vmax.f32 v25, v55  }
0x22e: {  	v54 =	vmax.f32 v18, v44;
	v18 =	vmin.f32 v18, v44;
	v60 =	vmax.f32 v21, v25  }
0x22f: {  	v41 =	vmax.f32 v18, v38;
	v18 =	vmin.f32 v18, v38;
	v61 =	vmax.f32 v22, v60  }
0x230: {  	v34 =	vmax.f32 v34, v40;
	v33 =	vmax.f32 v33, v36;
	v62 =	vmax.f32 v26, v61  }
0x231: {  	v29 =	vmax.f32 v29, v30;
	v56 =	vmax.f32 v20, v54;
	v63 =	vmax.f32 v27, v62  }
0x232: {  	v20 =	vmin.f32 v20, v54;
	v57 =	vmax.f32 v19, v56;
	v44 =	vmax.f32 v28, v63  }
0x233: {  	v23 =	vmax.f32 v23, v24;
	v50 =	vmax.f32 v20, v41;
	v58 =	vmax.f32 v17, v57  }
0x234: {  	v20 =	vmin.f32 v20, v41;
	v54 =	vmax.f32 v45, v46;
	v47 =	vmax.f32 v48, v47  }
0x235: {  	v13 =	vmax.f32 v12, v13;
	v19 =	vmin.f32 v19, v56;
	v14 =	vmin.f32 v14, v44;
	v44, _, _ =	vpop (xrf1)  }
0x236: {  	v52 =	vmax.f32 v19, v50;
	v59 =	vmax.f32 v15, v58;
	v15 =	vmin.f32 v15, v58;
	v58, _, _ =	vpop (xrf1)  }
0x237: {  	v19 =	vmin.f32 v19, v50;
	v21 =	vmin.f32 v21, v25;
	v26 =	vmin.f32 v26, v61;
	v61, _, _ =	vpop (xrf1)  }
0x238: {  	v22 =	vmin.f32 v22, v60;
	v56 =	vmax.f32 v21, v54;
	v38 =	vperm.xlane v61, v0  }
0x239: {  	v21 =	vmin.f32 v21, v54;
	v17 =	vmin.f32 v17, v57;
	v57 =	vmax.f32 v22, v56  }
0x23a: {  	v22 =	vmin.f32 v22, v56;
	v50 =	vmax.f32 v21, v47;
	v40 =	vmin.f32 v58, v38  }
0x23b: {  	v21 =	vmin.f32 v21, v47;
	v25 =	vmin.f32 v27, v62;
	(xrf1) =	vsort.ascd.msk.f32 $0xffff, v40, v40  }
0x23c: {  	v53 =	vmax.f32 v17, v52;
	v17 =	vmin.f32 v17, v52;
	v52 =	vmax.f32 v22, v50  }
0x23d: {  	v22 =	vmin.f32 v22, v50;
	v16 =	vmin.f32 v16, v59;
	v28 =	vmin.f32 v28, v63  }
0x23e: {  	v55 =	vmax.f32 v15, v53;
	v15 =	vmin.f32 v15, v53;
	v59 =	vmax.f32 v26, v57  }
0x23f: {  	v26 =	vmin.f32 v26, v57;
	v63 =	vmax.f32 v18, v34;
	v18 =	vmin.f32 v18, v34  }
0x240: {  	v16 =	vmin.f32 v16, v55;
	v60 =	vmin.f32 v25, v59;
	v25 =	vmax.f32 v25, v59  }
0x241: {  	v41 =	vmax.f32 v20, v63;
	v20 =	vmin.f32 v20, v63;
	v53 =	vmax.f32 v26, v52  }
0x242: {  	v26 =	vmin.f32 v26, v52;
	v56 =	vmax.f32 v18, v33;
	v18 =	vmin.f32 v18, v33  }
0x243: {  	v62 =	vmax.f32 v28, v25;
	v25 =	vmin.f32 v28, v25;
	v45 =	vmax.f32 v19, v41  }
0x244: {  	p0 =	sgt.s32 s28, $0xFFFFFF01;
	v19 =	vmin.f32 v19, v41;
	v54 =	vmax.f32 v60, v53;
	v27 =	vmin.f32 v60, v53  }
0x245: {  	s29 =	sadd.s32 $0xFFFFFF00, s28;
	s28 =	simm.s32 @!p0 $0xFFFFFF01;
	v57 =	vmax.f32 v20, v56;
	v20 =	vmin.f32 v20, v56;
	v60 =	vmax.f32 v51, v49  }
0x246: {  	v36 =	vld [tilespmem:s28+$0xFF];
	v49 =	vmax.f32 v42, v43;
	v14 =	vmin.f32 v14, v62;
	v46 =	vmax.f32 v17, v45  }
0x247: {  	v17 =	vmin.f32 v17, v45;
	v55 =	vmax.f32 v25, v54;
	v25 =	vmin.f32 v25, v54  }
0x248: {  	v62 =	vmax.f32 v21, v60;
	v21 =	vmin.f32 v21, v60;
	v45 =	vmax.f32 v18, v29  }
0x249: {  	v18 =	vmin.f32 v18, v29;
	v60 =	vmax.f32 v37, v39;
	(v2sf) =	vpush v44, $0x8;
	v44, _, _ =	vpop (xrf1)  }
0x24a: {  	v48 =	vmax.f32 v15, v46;
	v15 =	vmin.f32 v15, v46;
	(v2sf) =	vpush v44, $0x8  }
0x24b: {  	v14 =	vmin.f32 v14, v55;
	v63 =	vmax.f32 v22, v62;
	(v2sf) =	vpush v36, $0x0  }
0x24c: {  	v22 =	vmin.f32 v22, v62;
	v46 =	vmax.f32 v20, v45;
	v20 =	vmin.f32 v20, v45  }
0x24d: {  	v51 =	vmax.f32 v21, v49;
	v21 =	vmin.f32 v21, v49;
	v16 =	vmin.f32 v16, v48  }
0x24e: {  	v52 =	vmax.f32 v22, v51;
	v22 =	vmin.f32 v22, v51;
	v29 =	vmax.f32 v21, v60  }
0x24f: {  	v21 =	vmin.f32 v21, v60;
	v58 =	vmax.f32 v19, v57;
	v19 =	vmin.f32 v19, v57  }
0x250: {  	v38 =	vmax.f32 v26, v63;
	v26 =	vmin.f32 v26, v63;
	v57 =	vmax.f32 v18, v23  }
0x251: {  	v18 =	vmin.f32 v18, v23;
	v59 =	vmax.f32 v17, v58;
	v17 =	vmin.f32 v17, v58  }
0x252: {  	v40 =	vmin.f32 v27, v38;
	v27 =	vmax.f32 v27, v38;
	v47 =	vmax.f32 v19, v46  }
0x253: {  	v19 =	vmin.f32 v19, v46;
	v53 =	vmax.f32 v26, v52;
	v58 =	vmax.f32 v20, v57  }
0x254: {  	v20 =	vmin.f32 v20, v57;
	v12 =	vmin.f32 v18, v13;
	v61 =	vmax.f32 v15, v59  }
0x255: {  	v15 =	vmin.f32 v15, v59;
	v41 =	vmin.f32 v25, v27;
	v25 =	vmax.f32 v25, v27  }
0x256: {  	v48 =	vmax.f32 v17, v47;
	v17 =	vmin.f32 v17, v47;
	v54 =	vmax.f32 v40, v53  }
0x257: {  	v55 =	vmin.f32 v40, v53;
	v23 =	vmax.f32 v19, v58;
	v19 =	vmin.f32 v19, v58  }
0x258: {  	v16 =	vmin.f32 v16, v61;
	v14 =	vmin.f32 v14, v25;
	v50 =	vmax.f32 v15, v48;
	s31 =	spop (v2sf)  }
0x259: {  	v15 =	vmin.f32 v15, v48;
	v25 =	vmin.f32 v26, v52;
	v56 =	vmax.f32 v41, v54;
	s2 =	spop (v2sf)  }
0x25a: {  	v59 =	vmax.f32 v17, v23;
	v17 =	vmin.f32 v17, v23;
	v16 =	vmin.f32 v16, v50;
	s11 =	spop (v2sf)  }
0x25b: {  	v23 =	vmax.f32 v15, v59;
	v27 =	vmin.f32 v15, v59;
	v15 =	vmax.f32 v22, v29;
	s11 =	ssub.f32 s11, s20  }
0x25c: {  	v26 =	vmin.f32 v41, v54;
	v23 =	vmin.f32 v16, v23;
	v16 =	vmax.f32 v25, v15;
	s22 =	smin.f32 s22, s31  }
0x25d: {  	v14 =	vmin.f32 v14, v56;
	v25 =	vmin.f32 v25, v15;
	v15 =	vmax.f32 v55, v16;
	s21 =	smin.f32 s21, s2;
	s0 =	smul.f32 s11, s11  }
0x25e: {  	p0 =	slt.s32 s25, $0x10;
	v22 =	vmin.f32 v22, v29;
	v24 =	vmin.f32 v26, v15;
	v15 =	vmax.f32 v26, v15;
	s2 =	smax.f32 s22, s21  }
0x25f: {  	v61 =	vmin.f32 v55, v16;
	v26 =	vmin.f32 v14, v15;
	v14 =	vmax.f32 v18, v13;
	p1 =	sle.f32 @!p0 s0, s2  }
0x260: {  	v13 =	vmin.f32 v20, v14;
	v15 =	vmax.f32 v20, v14;
	v20 =	vmax.f32 v31, v32  }
0x261: {  	v14 =	vmin.f32 v19, v15;
	v16 =	vmax.f32 v19, v15;
	v19 =	vmax.f32 v21, v20;
	p1 =	por p0, !p1  }
.Ltmp7:
0x262: {  	v15 =	vmin.f32 v17, v16;
	v17 =	vmax.f32 v17, v16;
	v29 =	vmax.f32 v22, v19;
	(pc) =	sbr.rel @!p1 .LBB2_6-.Ltmp7, $4  }
0x263: {  	v16 =	vmin.f32 v27, v17;
	v17 =	vmax.f32 v27, v17;
	v62 =	vmax.f32 v25, v29  }
0x264: {  	v18 =	vmin.f32 v23, v17;
	v23 =	vmin.f32 v21, v20;
	v17 =	vmax.f32 v61, v62  }
0x265: {  	s25 =	sadd.s32 $0xFFFFFFF0, s25;
	s23 =	sadd.s32 $0xFFFFFF00, s23;
	v21 =	vmin.f32 v22, v19;
	v19 =	vmin.f32 v25, v29;
	v63 =	vmax.f32 v24, v17  }
0x266: {  	s24 =	sadd.s32 $0xFFFFFF00, s24;
	s26 =	sadd.s32 $0xFFFFFF00, s26;
	s28 =	smov.u32 s29;
	v22 =	vmin.f32 v61, v62;
	v20 =	vmin.f32 v24, v17;
	v17 =	vmin.f32 v26, v63  }
0x267: {  	v8 =	vpsel p0, v8, v8  }
.Ltmp8:
0x268: {  	v9 =	vpsel p0, v9, v9;
	v12 =	vpsel p0, v12, v12;
	v13 =	vpsel p0, v13, v13;
	(pc) =	sbr.rel .LBB2_8-.Ltmp8, $4  }
0x269: {  	v14 =	vpsel p0, v14, v14;
	v15 =	vpsel p0, v15, v15;
	v16 =	vpsel p0, v16, v16  }
0x26a: {  	v18 =	vpsel p0, v18, v18;
	v10 =	vpsel p0, v10, v10;
	v11 =	vpsel p0, v11, v11  }
0x26b: {  	v23 =	vpsel p0, v23, v23;
	v21 =	vpsel p0, v21, v21;
	v19 =	vpsel p0, v19, v19  }
0x26c: {  	v22 =	vpsel p0, v22, v22;
	v20 =	vpsel p0, v20, v20;
	v17 =	vpsel p0, v17, v17  }
.LBB2_3:
0x26d: {  	v8 =	vimm.f32 $+Inf  }
.Ltmp9:
0x26e: {  	v9 =	vimm.f32 $+Inf;
	v12 =	vimm.f32 $+Inf;
	v13 =	vimm.f32 $+Inf;
	(pc) =	sbr.rel .LBB2_4-.Ltmp9, $4  }
0x26f: {  	v14 =	vimm.f32 $+Inf;
	v15 =	vimm.f32 $+Inf;
	v16 =	vimm.f32 $+Inf  }
0x270: {  	v18 =	vimm.f32 $+Inf;
	v10 =	vimm.f32 $+Inf;
	v11 =	vimm.f32 $+Inf  }
0x271: {  	v23 =	vimm.f32 $+Inf;
	v21 =	vimm.f32 $+Inf;
	v19 =	vimm.f32 $+Inf  }
0x272: {  	s22 =	simm.f32 $+Inf;
	s21 =	simm.f32 $+Inf;
	v22 =	vimm.f32 $+Inf;
	v20 =	vimm.f32 $+Inf;
	v17 =	vimm.f32 $+Inf  }
.LBB2_10:
0x273: {  	_ =	sfence.sel $0x180000  }
0x274: {  	[bflag:$0x0] =	sbarrier.arrive $0xFFFF  }
0x275: {  	_ =	strace $0x90000047  }
0x276: {  	s0 =	stileid.u32;
	[bflag:$0x2] =	sbarrier.arrive $0xFFFF  }
0x277: {  	p0 =	sne.s32 s0, $0x0;
	s0 =	rddreg [dreg:$0x1]  }
0x278: {  	s0 =	sadd.s32 @!p0 $0x100000, s0  }
0x279: {  	[sflag:s0] =	ssyncadd.tile.s32 @!p0 $0x1;
	_ =	shalt  }
.Lfunc_end2:
_tile_overlayer_lowered:
.L_overlay_start_2:
0x27a: {  	(tag) =	ssettag $0x2  }
0x27b: {  	s0 =	rddreg [dreg:$0x0];
	s2 =	stileid.u32  }
0x27c: {  	s1 =	rddreg [dreg:$0x1];
	p0 =	sne.s32 s2, $0x0  }
0x27d: {  	s3 =	rddreg [dreg:$0x2];
	[bflag:$0x3] =	sbarrier.arrive $0xFFFF;
	s2 =	simm.s32 @!p0 $0x1C01  }
0x27e: {  	[timem:s3], [sflag:s2] =	dma.local @!p0 [hbm:s0], s1  }
0x27f: {  	s0 =	simm.s32 @!p0 $0x1  }
0x280: {  	_ =	swait.ge @!p0 [sflag:s0], s1  }
0x281: {  	s1 =	ssub.s32 @!p0 $0x0, s1;
	[sflag:s0] =	ssyncset.done @!p0 $0x0  }
0x282: {  	[sflag:s0] =	ssyncadd.s32 @!p0 s1  }
0x283: {  	[bflag:$0x3] =	sbarrier.arrive $0xFFFF  }
0x284: {  	_ =	shalt  }

</sc_bundles>
